<compile_context>
chip_gen: v7x
topology: tpu7x:2x2x1
jax: 0.10.2.dev20260603
libtpu: 0.0.44.dev20260713+nightly
codegen_flags: <defaults>
</compile_context>

<pallas_src>
import functools

import jax
import jax.numpy as jnp
from jax import lax
from jax.experimental import pallas as pl
from jax.experimental.pallas import tpu as pltpu
from jax.experimental.pallas import tpu_sc as plsc

B = 16384
L = 50
D = 64
W = 2 * D
LANES = 16
NC, NS = 2, 16
NW = NC * NS
ITEMS_PER_W = B // NW
SB = 8
CHUNKS = ITEMS_PER_W // SB
HALF = CHUNKS // 2
ROWS = SB * L
LG = (L + LANES - 1) // LANES
NK = D // LANES


def _glove_body(center_hbm, ctx_hbm, tab_hbm, ctxb_hbm, cenb_hbm,
                out_hbm,
                a0, a1, a2, a3, a4, a5, b0, b1, b2, b3, b4, b5,
                partials_v, out_v, sem_a, sem_b):
    buf_a = (a0, a1, a2, a3, a4, a5)
    buf_b = (b0, b1, b2, b3, b4, b5)
    wid = lax.axis_index("s") * NC + lax.axis_index("c")
    iota16 = lax.iota(jnp.int32, LANES)

    def row_slices():
        off, res = 0, []
        while off < ROWS:
            n = min(128, ROWS - off)
            res.append((off, n))
            off += n
        return res

    def issue(cbase, buf, sem):
        cidx_v, ctxidx_v, crows_v, ctxrows_v, bias_v, cb_v = buf
        pltpu.sync_copy(center_hbm.at[pl.ds(cbase, SB)], cidx_v)
        pltpu.sync_copy(ctx_hbm.at[pl.ds(cbase * L, ROWS)], ctxidx_v)
        pltpu.async_copy(tab_hbm.at[cidx_v], crows_v, sem)
        pltpu.async_copy(cenb_hbm.at[cidx_v], cb_v, sem)
        for off, n in row_slices():
            idx = ctxidx_v.at[pl.ds(off, n)]
            pltpu.async_copy(tab_hbm.at[idx], ctxrows_v.at[pl.ds(off, n)], sem)
            pltpu.async_copy(ctxb_hbm.at[idx], bias_v.at[pl.ds(off, n)], sem)

    def drain(buf, sem):
        cidx_v, ctxidx_v, crows_v, ctxrows_v, bias_v, cb_v = buf
        pltpu.make_async_copy(tab_hbm.at[pl.ds(0, SB)], crows_v, sem).wait()
        pltpu.make_async_copy(cenb_hbm.at[pl.ds(0, SB)], cb_v, sem).wait()
        for off, n in row_slices():
            pltpu.make_async_copy(
                tab_hbm.at[pl.ds(0, n)], ctxrows_v.at[pl.ds(off, n)],
                sem).wait()
            pltpu.make_async_copy(
                ctxb_hbm.at[pl.ds(0, n)], bias_v.at[pl.ds(off, n)],
                sem).wait()

    def compute(cbase, buf):
        cidx_v, ctxidx_v, crows_v, ctxrows_v, bias_v, cb_v = buf

        def item_body(i, carry2):
            cvecs = [crows_v[i, pl.ds(D + k * LANES, LANES)]
                     for k in range(NK)]
            cb = plsc.load_gather(cb_v, [jnp.full((LANES,), i, jnp.int32)])
            row0 = i * L
            last = row0 + (L - 1)

            def row_body(l, carry3):
                r = row0 + l
                rv = [ctxrows_v[r, pl.ds(k * LANES, LANES)] for k in range(NK)]
                p = ((rv[0] * cvecs[0] + rv[1] * cvecs[1])
                     + (rv[2] * cvecs[2] + rv[3] * cvecs[3]))
                plsc.store_scatter(partials_v, [r * 17 + iota16], p)
                return carry3

            lax.fori_loop(0, L, row_body, 0, unroll=5)

            for lg in range(LG):
                raw = row0 + lg * LANES + iota16
                lidx = jnp.minimum(raw, last)
                pidx = lidx * 17
                accs = [plsc.load_gather(bias_v, [lidx]) + cb,
                        jnp.zeros((LANES,), jnp.float32),
                        jnp.zeros((LANES,), jnp.float32),
                        jnp.zeros((LANES,), jnp.float32)]
                for k in range(LANES):
                    accs[k % 4] = accs[k % 4] + plsc.load_gather(
                        partials_v, [pidx + k])
                acc = (accs[0] + accs[1]) + (accs[2] + accs[3])
                if (lg + 1) * LANES <= L:
                    plsc.store_scatter(out_v, [lidx], acc)
                else:
                    plsc.store_scatter(out_v, [lidx], acc, mask=raw <= last)
            return carry2

        lax.fori_loop(0, SB, item_body, 0)
        pltpu.sync_copy(out_v.at[pl.ds(0, ROWS)],
                        out_hbm.at[pl.ds(cbase * L, ROWS)])

    wbase = wid * ITEMS_PER_W
    issue(wbase, buf_a, sem_a)

    def pair_body(t, carry):
        cbase_a = wbase + (2 * t) * SB
        drain(buf_a, sem_a)
        issue(cbase_a + SB, buf_b, sem_b)
        compute(cbase_a, buf_a)

        @pl.when(t < HALF - 1)
        def _():
            issue(cbase_a + 2 * SB, buf_a, sem_a)

        drain(buf_b, sem_b)
        compute(cbase_a + SB, buf_b)
        return carry

    lax.fori_loop(0, HALF, pair_body, 0)


def _buf_set():
    return [
        pltpu.VMEM((SB,), jnp.int32),
        pltpu.VMEM((ROWS,), jnp.int32),
        pltpu.VMEM((SB, W), jnp.float32),
        pltpu.VMEM((ROWS, W), jnp.float32),
        pltpu.VMEM((ROWS,), jnp.float32),
        pltpu.VMEM((SB,), jnp.float32),
    ]


_glove_sc = functools.partial(
    pl.kernel,
    out_type=jax.ShapeDtypeStruct((B * L,), jnp.float32),
    mesh=plsc.VectorSubcoreMesh(core_axis_name="c", subcore_axis_name="s"),
    compiler_params=pltpu.CompilerParams(
        needs_layout_passes=False, use_tc_tiling_on_sc=True),
    scratch_types=(
        _buf_set() + _buf_set() + [
            pltpu.VMEM((ROWS * 17 + LANES,), jnp.float32),
            pltpu.VMEM((ROWS + LANES,), jnp.float32),
            pltpu.SemaphoreType.DMA,
            pltpu.SemaphoreType.DMA,
        ]
    ),
)(_glove_body)


def kernel(center, all_contexts, context_W, center_W, context_b, center_b):
    fused = jnp.concatenate([context_W, center_W], axis=1)
    out = _glove_sc(
        center.reshape(B).astype(jnp.int32),
        all_contexts.reshape(B * L).astype(jnp.int32),
        fused,
        context_b.reshape(-1),
        center_b.reshape(-1),
    )
    return out.reshape(B, L)

# --- scband reference (transcript-rebuilt; emitter-appended) ---
"""Pipeline reference for scband-glo-ve-73658689127101 (READ-ONLY COPY).

The authoritative reference and input builder live on the scoring server;
editing this copy changes nothing except your own understanding.
"""

import jax, jax.numpy as jnp
import numpy as np

VOCAB = 1000000
EMB = 64
BATCH = 16384
HIST = 50


def setup_inputs(seed: int = 0) -> dict:
    key = jax.random.key(seed)
    k1, k2, k3, k4 = jax.random.split(key, 4)
    center = jax.random.randint(k1, (BATCH, 1), 0, VOCAB, dtype=jnp.int64 if jax.config.jax_enable_x64 else jnp.int32)
    all_contexts = jax.random.randint(k2, (BATCH, HIST), 0, VOCAB, dtype=jnp.int64 if jax.config.jax_enable_x64 else jnp.int32)
    # xavier_normal for [V, D]: std = sqrt(2 / (V + D))
    std = float(np.sqrt(2.0 / (VOCAB + EMB)))
    context_W = jax.random.normal(k3, (VOCAB, EMB), dtype=jnp.float32) * std
    center_W = jax.random.normal(k4, (VOCAB, EMB), dtype=jnp.float32) * std
    context_b = jnp.zeros((VOCAB, 1), dtype=jnp.float32)
    center_b = jnp.zeros((VOCAB, 1), dtype=jnp.float32)
    return {
        "center": center,
        "all_contexts": all_contexts,
        "context_W": context_W,
        "center_W": center_W,
        "context_b": context_b,
        "center_b": center_b,
    }


def reference(center, all_contexts, context_W, center_W, context_b, center_b):
    bs, max_len = all_contexts.shape
    contexts = jnp.take(context_W, all_contexts, axis=0)        # [bs, L, D]
    centers = jnp.take(center_W, center, axis=0)                # [bs, 1, D]
    contexts_bias = jnp.take(context_b, all_contexts, axis=0)   # [bs, L, 1]
    centers_bias = jnp.take(center_b, center, axis=0)           # [bs, 1, 1]
    similarity = jnp.matmul(centers, jnp.swapaxes(contexts, 1, 2))  # [bs, 1, L]
    similarity = similarity.reshape(bs, max_len)
    centers_bias = centers_bias.reshape(bs, 1)
    contexts_bias = contexts_bias.reshape(bs, max_len)
    output = contexts_bias + similarity + centers_bias
    return output

if __name__ == "__main__":
    import jax
    _d = setup_inputs()
    print(jax.jit(kernel)(*tuple(_d.values())))

</pallas_src>

<mosaic_0001>
#map = affine_map<(d0, d1) -> (0)>
#map1 = affine_map<(d0, d1) -> (0, 0)>
module attributes {stable_mosaic.version = 14 : i64} {
  func.func @_glove_body(%arg0: i32, %arg1: i32, %arg2: memref<16384xi32, #tpu.memory_space<hbm>>, %arg3: memref<819200xi32, #tpu.memory_space<hbm>>, %arg4: memref<1000000x128xf32, #tpu.memory_space<hbm>>, %arg5: memref<1000000xf32, #tpu.memory_space<hbm>>, %arg6: memref<1000000xf32, #tpu.memory_space<hbm>>, %arg7: memref<819200xf32, #tpu.memory_space<hbm>>, %arg8: memref<8xi32, #tpu.memory_space<vmem>>, %arg9: memref<400xi32, #tpu.memory_space<vmem>>, %arg10: memref<8x128xf32, #tpu.memory_space<vmem>>, %arg11: memref<400x128xf32, #tpu.memory_space<vmem>>, %arg12: memref<400xf32, #tpu.memory_space<vmem>>, %arg13: memref<8xf32, #tpu.memory_space<vmem>>, %arg14: memref<8xi32, #tpu.memory_space<vmem>>, %arg15: memref<400xi32, #tpu.memory_space<vmem>>, %arg16: memref<8x128xf32, #tpu.memory_space<vmem>>, %arg17: memref<400x128xf32, #tpu.memory_space<vmem>>, %arg18: memref<400xf32, #tpu.memory_space<vmem>>, %arg19: memref<8xf32, #tpu.memory_space<vmem>>, %arg20: memref<6816xf32, #tpu.memory_space<vmem>>, %arg21: memref<416xf32, #tpu.memory_space<vmem>>, %arg22: memref<!tpu.dma_semaphore, #tpu.memory_space<semaphore_mem>>, %arg23: memref<!tpu.dma_semaphore, #tpu.memory_space<semaphore_mem>>) attributes {dimension_semantics = [#tpu.dimension_semantics<core_parallel>, #tpu.dimension_semantics<subcore_parallel>], iteration_bounds = array<i64: 2, 16>, scalar_prefetch = 0 : i64, scratch_operands = 16 : i64, tpu.core_type = #tpu.core_type<sc_vector_subcore>, window_params = [{transform_indices = #map}, {transform_indices = #map}, {transform_indices = #map1}, {transform_indices = #map}, {transform_indices = #map}, {transform_indices = #map}]} {
    %mul3A = arith.constant 2 : i32
    %mul3A_0 = arith.muli %arg1, %mul3A : i32
    %add3A = arith.addi %mul3A_0, %arg0 : i32
    %iota3A = tpu.iota {dimensions = array<i32: 0>} : vector<16xi32>
    %mul3A_1 = arith.constant 512 : i32
    %mul3A_2 = arith.muli %add3A, %mul3A_1 : i32
    "tpu.region"() ({
      %run_scoped3A = tpu.sem_alloc : memref<!tpu.dma_semaphore, #tpu.memory_space<semaphore_mem>>
      %dma_start3A_70 = tpu.memref_slice %arg2[%mul3A_2] : memref<16384xi32, #tpu.memory_space<hbm>> -> memref<8xi32, #tpu.memory_space<hbm>>
      %dma_start3A_71 = tpu.memref_slice %arg2[%mul3A_2] : memref<16384xi32, #tpu.memory_space<hbm>> -> memref<8xi32, #tpu.memory_space<hbm>>
      tpu.enqueue_dma source(%dma_start3A_71 : memref<8xi32, #tpu.memory_space<hbm>>) target(%arg8 : memref<8xi32, #tpu.memory_space<vmem>>) target_semaphore(%run_scoped3A : memref<!tpu.dma_semaphore, #tpu.memory_space<semaphore_mem>>)
      %dma_wait3A = tpu.memref_slice %arg2[%mul3A_2] : memref<16384xi32, #tpu.memory_space<hbm>> -> memref<8xi32, #tpu.memory_space<hbm>>
      %dma_wait3A_72 = tpu.memref_slice %arg2[%mul3A_2] : memref<16384xi32, #tpu.memory_space<hbm>> -> memref<8xi32, #tpu.memory_space<hbm>>
      tpu.wait_dma2 semaphore(%run_scoped3A : memref<!tpu.dma_semaphore, #tpu.memory_space<semaphore_mem>>) src(%dma_wait3A_72 : memref<8xi32, #tpu.memory_space<hbm>>) dst(%arg8 : memref<8xi32, #tpu.memory_space<vmem>>)
      tpu.yield
    }) : () -> ()
    %mul3A_3 = arith.constant 50 : i32
    %mul3A_4 = arith.muli %mul3A_2, %mul3A_3 : i32
    "tpu.region"() ({
      %run_scoped3A = tpu.sem_alloc : memref<!tpu.dma_semaphore, #tpu.memory_space<semaphore_mem>>
      %dma_start3A_70 = tpu.memref_slice %arg3[%mul3A_4] : memref<819200xi32, #tpu.memory_space<hbm>> -> memref<400xi32, #tpu.memory_space<hbm>>
      %dma_start3A_71 = tpu.memref_slice %arg3[%mul3A_4] : memref<819200xi32, #tpu.memory_space<hbm>> -> memref<400xi32, #tpu.memory_space<hbm>>
      tpu.enqueue_dma source(%dma_start3A_71 : memref<400xi32, #tpu.memory_space<hbm>>) target(%arg9 : memref<400xi32, #tpu.memory_space<vmem>>) target_semaphore(%run_scoped3A : memref<!tpu.dma_semaphore, #tpu.memory_space<semaphore_mem>>)
      %dma_wait3A = tpu.memref_slice %arg3[%mul3A_4] : memref<819200xi32, #tpu.memory_space<hbm>> -> memref<400xi32, #tpu.memory_space<hbm>>
      %dma_wait3A_72 = tpu.memref_slice %arg3[%mul3A_4] : memref<819200xi32, #tpu.memory_space<hbm>> -> memref<400xi32, #tpu.memory_space<hbm>>
      tpu.wait_dma2 semaphore(%run_scoped3A : memref<!tpu.dma_semaphore, #tpu.memory_space<semaphore_mem>>) src(%dma_wait3A_72 : memref<400xi32, #tpu.memory_space<hbm>>) dst(%arg9 : memref<400xi32, #tpu.memory_space<vmem>>)
      tpu.yield
    }) : () -> ()
    %dma_start3A = arith.constant 0 : i32
    %dma_start3A_5 = arith.constant 0 : i32
    %dma_start3A_6 = tpu.memref_slice %arg4[%dma_start3A, %dma_start3A_5] : memref<1000000x128xf32, #tpu.memory_space<hbm>> -> memref<1000000x128xf32, #tpu.memory_space<hbm>>
    tpu.enqueue_indirect_dma source(%dma_start3A_6 : memref<1000000x128xf32, #tpu.memory_space<hbm>>) target(%arg10 : memref<8x128xf32, #tpu.memory_space<vmem>>) offsets(%arg8 : memref<8xi32, #tpu.memory_space<vmem>>) semaphore(%arg22 : memref<!tpu.dma_semaphore, #tpu.memory_space<semaphore_mem>>)
    %dma_start3A_7 = arith.constant 0 : i32
    %dma_start3A_8 = tpu.memref_slice %arg6[%dma_start3A_7] : memref<1000000xf32, #tpu.memory_space<hbm>> -> memref<1000000xf32, #tpu.memory_space<hbm>>
    tpu.enqueue_indirect_dma source(%dma_start3A_8 : memref<1000000xf32, #tpu.memory_space<hbm>>) target(%arg13 : memref<8xf32, #tpu.memory_space<vmem>>) offsets(%arg8 : memref<8xi32, #tpu.memory_space<vmem>>) semaphore(%arg22 : memref<!tpu.dma_semaphore, #tpu.memory_space<semaphore_mem>>)
    %dma_start3A_9 = arith.constant 0 : i32
    %dma_start3A_10 = arith.constant 0 : i32
    %dma_start3A_11 = tpu.memref_slice %arg11[%dma_start3A_9, %dma_start3A_10] : memref<400x128xf32, #tpu.memory_space<vmem>> -> memref<128x128xf32, #tpu.memory_space<vmem>>
    %dma_start3A_12 = arith.constant 0 : i32
    %dma_start3A_13 = tpu.memref_slice %arg9[%dma_start3A_12] : memref<400xi32, #tpu.memory_space<vmem>> -> memref<128xi32, #tpu.memory_space<vmem>>
    %dma_start3A_14 = arith.constant 0 : i32
    %dma_start3A_15 = arith.constant 0 : i32
    %dma_start3A_16 = tpu.memref_slice %arg4[%dma_start3A_14, %dma_start3A_15] : memref<1000000x128xf32, #tpu.memory_space<hbm>> -> memref<1000000x128xf32, #tpu.memory_space<hbm>>
    tpu.enqueue_indirect_dma source(%dma_start3A_16 : memref<1000000x128xf32, #tpu.memory_space<hbm>>) target(%dma_start3A_11 : memref<128x128xf32, #tpu.memory_space<vmem>>) offsets(%dma_start3A_13 : memref<128xi32, #tpu.memory_space<vmem>>) semaphore(%arg22 : memref<!tpu.dma_semaphore, #tpu.memory_space<semaphore_mem>>)
    %dma_start3A_17 = arith.constant 0 : i32
    %dma_start3A_18 = tpu.memref_slice %arg12[%dma_start3A_17] : memref<400xf32, #tpu.memory_space<vmem>> -> memref<128xf32, #tpu.memory_space<vmem>>
    %dma_start3A_19 = arith.constant 0 : i32
    %dma_start3A_20 = tpu.memref_slice %arg9[%dma_start3A_19] : memref<400xi32, #tpu.memory_space<vmem>> -> memref<128xi32, #tpu.memory_space<vmem>>
    %dma_start3A_21 = arith.constant 0 : i32
    %dma_start3A_22 = tpu.memref_slice %arg5[%dma_start3A_21] : memref<1000000xf32, #tpu.memory_space<hbm>> -> memref<1000000xf32, #tpu.memory_space<hbm>>
    tpu.enqueue_indirect_dma source(%dma_start3A_22 : memref<1000000xf32, #tpu.memory_space<hbm>>) target(%dma_start3A_18 : memref<128xf32, #tpu.memory_space<vmem>>) offsets(%dma_start3A_20 : memref<128xi32, #tpu.memory_space<vmem>>) semaphore(%arg22 : memref<!tpu.dma_semaphore, #tpu.memory_space<semaphore_mem>>)
    %dma_start3A_23 = arith.constant 128 : i32
    %dma_start3A_24 = arith.constant 0 : i32
    %dma_start3A_25 = tpu.memref_slice %arg11[%dma_start3A_23, %dma_start3A_24] : memref<400x128xf32, #tpu.memory_space<vmem>> -> memref<128x128xf32, #tpu.memory_space<vmem>>
    %dma_start3A_26 = arith.constant 128 : i32
    %dma_start3A_27 = tpu.memref_slice %arg9[%dma_start3A_26] : memref<400xi32, #tpu.memory_space<vmem>> -> memref<128xi32, #tpu.memory_space<vmem>>
    %dma_start3A_28 = arith.constant 0 : i32
    %dma_start3A_29 = arith.constant 0 : i32
    %dma_start3A_30 = tpu.memref_slice %arg4[%dma_start3A_28, %dma_start3A_29] : memref<1000000x128xf32, #tpu.memory_space<hbm>> -> memref<1000000x128xf32, #tpu.memory_space<hbm>>
    tpu.enqueue_indirect_dma source(%dma_start3A_30 : memref<1000000x128xf32, #tpu.memory_space<hbm>>) target(%dma_start3A_25 : memref<128x128xf32, #tpu.memory_space<vmem>>) offsets(%dma_start3A_27 : memref<128xi32, #tpu.memory_space<vmem>>) semaphore(%arg22 : memref<!tpu.dma_semaphore, #tpu.memory_space<semaphore_mem>>)
    %dma_start3A_31 = arith.constant 128 : i32
    %dma_start3A_32 = tpu.memref_slice %arg12[%dma_start3A_31] : memref<400xf32, #tpu.memory_space<vmem>> -> memref<128xf32, #tpu.memory_space<vmem>>
    %dma_start3A_33 = arith.constant 128 : i32
    %dma_start3A_34 = tpu.memref_slice %arg9[%dma_start3A_33] : memref<400xi32, #tpu.memory_space<vmem>> -> memref<128xi32, #tpu.memory_space<vmem>>
    %dma_start3A_35 = arith.constant 0 : i32
    %dma_start3A_36 = tpu.memref_slice %arg5[%dma_start3A_35] : memref<1000000xf32, #tpu.memory_space<hbm>> -> memref<1000000xf32, #tpu.memory_space<hbm>>
    tpu.enqueue_indirect_dma source(%dma_start3A_36 : memref<1000000xf32, #tpu.memory_space<hbm>>) target(%dma_start3A_32 : memref<128xf32, #tpu.memory_space<vmem>>) offsets(%dma_start3A_34 : memref<128xi32, #tpu.memory_space<vmem>>) semaphore(%arg22 : memref<!tpu.dma_semaphore, #tpu.memory_space<semaphore_mem>>)
    %dma_start3A_37 = arith.constant 256 : i32
    %dma_start3A_38 = arith.constant 0 : i32
    %dma_start3A_39 = tpu.memref_slice %arg11[%dma_start3A_37, %dma_start3A_38] : memref<400x128xf32, #tpu.memory_space<vmem>> -> memref<128x128xf32, #tpu.memory_space<vmem>>
    %dma_start3A_40 = arith.constant 256 : i32
    %dma_start3A_41 = tpu.memref_slice %arg9[%dma_start3A_40] : memref<400xi32, #tpu.memory_space<vmem>> -> memref<128xi32, #tpu.memory_space<vmem>>
    %dma_start3A_42 = arith.constant 0 : i32
    %dma_start3A_43 = arith.constant 0 : i32
    %dma_start3A_44 = tpu.memref_slice %arg4[%dma_start3A_42, %dma_start3A_43] : memref<1000000x128xf32, #tpu.memory_space<hbm>> -> memref<1000000x128xf32, #tpu.memory_space<hbm>>
    tpu.enqueue_indirect_dma source(%dma_start3A_44 : memref<1000000x128xf32, #tpu.memory_space<hbm>>) target(%dma_start3A_39 : memref<128x128xf32, #tpu.memory_space<vmem>>) offsets(%dma_start3A_41 : memref<128xi32, #tpu.memory_space<vmem>>) semaphore(%arg22 : memref<!tpu.dma_semaphore, #tpu.memory_space<semaphore_mem>>)
    %dma_start3A_45 = arith.constant 256 : i32
    %dma_start3A_46 = tpu.memref_slice %arg12[%dma_start3A_45] : memref<400xf32, #tpu.memory_space<vmem>> -> memref<128xf32, #tpu.memory_space<vmem>>
    %dma_start3A_47 = arith.constant 256 : i32
    %dma_start3A_48 = tpu.memref_slice %arg9[%dma_start3A_47] : memref<400xi32, #tpu.memory_space<vmem>> -> memref<128xi32, #tpu.memory_space<vmem>>
    %dma_start3A_49 = arith.constant 0 : i32
    %dma_start3A_50 = tpu.memref_slice %arg5[%dma_start3A_49] : memref<1000000xf32, #tpu.memory_space<hbm>> -> memref<1000000xf32, #tpu.memory_space<hbm>>
    tpu.enqueue_indirect_dma source(%dma_start3A_50 : memref<1000000xf32, #tpu.memory_space<hbm>>) target(%dma_start3A_46 : memref<128xf32, #tpu.memory_space<vmem>>) offsets(%dma_start3A_48 : memref<128xi32, #tpu.memory_space<vmem>>) semaphore(%arg22 : memref<!tpu.dma_semaphore, #tpu.memory_space<semaphore_mem>>)
    %dma_start3A_51 = arith.constant 384 : i32
    %dma_start3A_52 = arith.constant 0 : i32
    %dma_start3A_53 = tpu.memref_slice %arg11[%dma_start3A_51, %dma_start3A_52] : memref<400x128xf32, #tpu.memory_space<vmem>> -> memref<16x128xf32, #tpu.memory_space<vmem>>
    %dma_start3A_54 = arith.constant 384 : i32
    %dma_start3A_55 = tpu.memref_slice %arg9[%dma_start3A_54] : memref<400xi32, #tpu.memory_space<vmem>> -> memref<16xi32, #tpu.memory_space<vmem>>
    %dma_start3A_56 = arith.constant 0 : i32
    %dma_start3A_57 = arith.constant 0 : i32
    %dma_start3A_58 = tpu.memref_slice %arg4[%dma_start3A_56, %dma_start3A_57] : memref<1000000x128xf32, #tpu.memory_space<hbm>> -> memref<1000000x128xf32, #tpu.memory_space<hbm>>
    tpu.enqueue_indirect_dma source(%dma_start3A_58 : memref<1000000x128xf32, #tpu.memory_space<hbm>>) target(%dma_start3A_53 : memref<16x128xf32, #tpu.memory_space<vmem>>) offsets(%dma_start3A_55 : memref<16xi32, #tpu.memory_space<vmem>>) semaphore(%arg22 : memref<!tpu.dma_semaphore, #tpu.memory_space<semaphore_mem>>)
    %dma_start3A_59 = arith.constant 384 : i32
    %dma_start3A_60 = tpu.memref_slice %arg12[%dma_start3A_59] : memref<400xf32, #tpu.memory_space<vmem>> -> memref<16xf32, #tpu.memory_space<vmem>>
    %dma_start3A_61 = arith.constant 384 : i32
    %dma_start3A_62 = tpu.memref_slice %arg9[%dma_start3A_61] : memref<400xi32, #tpu.memory_space<vmem>> -> memref<16xi32, #tpu.memory_space<vmem>>
    %dma_start3A_63 = arith.constant 0 : i32
    %dma_start3A_64 = tpu.memref_slice %arg5[%dma_start3A_63] : memref<1000000xf32, #tpu.memory_space<hbm>> -> memref<1000000xf32, #tpu.memory_space<hbm>>
    tpu.enqueue_indirect_dma source(%dma_start3A_64 : memref<1000000xf32, #tpu.memory_space<hbm>>) target(%dma_start3A_60 : memref<16xf32, #tpu.memory_space<vmem>>) offsets(%dma_start3A_62 : memref<16xi32, #tpu.memory_space<vmem>>) semaphore(%arg22 : memref<!tpu.dma_semaphore, #tpu.memory_space<semaphore_mem>>)
    %scan3A = arith.constant 0 : i32
    %scan3A_65 = arith.constant 0 : i32
    %scan3A_66 = arith.constant 32 : i32
    %scan3A_67 = arith.addi %scan3A_65, %scan3A_66 : i32
    %scan3A_68 = arith.constant 1 : i32
    scf.for %scan3A_70 = %scan3A_65 to %scan3A_67 step %scan3A_68  : i32 {
      %mul3A_71 = arith.constant 2 : i32
      %mul3A_72 = arith.muli %mul3A_71, %scan3A_70 : i32
      %mul3A_73 = arith.constant 8 : i32
      %mul3A_74 = arith.muli %mul3A_72, %mul3A_73 : i32
      %add3A_75 = arith.addi %mul3A_2, %mul3A_74 : i32
      %dma_wait3A = arith.constant 0 : i32
      %dma_wait3A_76 = arith.constant 0 : i32
      %dma_wait3A_77 = tpu.memref_slice %arg4[%dma_wait3A, %dma_wait3A_76] : memref<1000000x128xf32, #tpu.memory_space<hbm>> -> memref<8x128xf32, #tpu.memory_space<hbm>>
      %dma_wait3A_78 = arith.constant 0 : i32
      %dma_wait3A_79 = arith.constant 0 : i32
      %dma_wait3A_80 = tpu.memref_slice %arg4[%dma_wait3A_78, %dma_wait3A_79] : memref<1000000x128xf32, #tpu.memory_space<hbm>> -> memref<8x128xf32, #tpu.memory_space<hbm>>
      tpu.wait_dma2 semaphore(%arg22 : memref<!tpu.dma_semaphore, #tpu.memory_space<semaphore_mem>>) src(%dma_wait3A_80 : memref<8x128xf32, #tpu.memory_space<hbm>>) dst(%arg10 : memref<8x128xf32, #tpu.memory_space<vmem>>)
      %dma_wait3A_81 = arith.constant 0 : i32
      %dma_wait3A_82 = tpu.memref_slice %arg6[%dma_wait3A_81] : memref<1000000xf32, #tpu.memory_space<hbm>> -> memref<8xf32, #tpu.memory_space<hbm>>
      %dma_wait3A_83 = arith.constant 0 : i32
      %dma_wait3A_84 = tpu.memref_slice %arg6[%dma_wait3A_83] : memref<1000000xf32, #tpu.memory_space<hbm>> -> memref<8xf32, #tpu.memory_space<hbm>>
      tpu.wait_dma2 semaphore(%arg22 : memref<!tpu.dma_semaphore, #tpu.memory_space<semaphore_mem>>) src(%dma_wait3A_84 : memref<8xf32, #tpu.memory_space<hbm>>) dst(%arg13 : memref<8xf32, #tpu.memory_space<vmem>>)
      %dma_wait3A_85 = arith.constant 0 : i32
      %dma_wait3A_86 = arith.constant 0 : i32
      %dma_wait3A_87 = tpu.memref_slice %arg11[%dma_wait3A_85, %dma_wait3A_86] : memref<400x128xf32, #tpu.memory_space<vmem>> -> memref<128x128xf32, #tpu.memory_space<vmem>>
      %dma_wait3A_88 = arith.constant 0 : i32
      %dma_wait3A_89 = arith.constant 0 : i32
      %dma_wait3A_90 = tpu.memref_slice %arg4[%dma_wait3A_88, %dma_wait3A_89] : memref<1000000x128xf32, #tpu.memory_space<hbm>> -> memref<128x128xf32, #tpu.memory_space<hbm>>
      %dma_wait3A_91 = arith.constant 0 : i32
      %dma_wait3A_92 = arith.constant 0 : i32
      %dma_wait3A_93 = tpu.memref_slice %arg11[%dma_wait3A_91, %dma_wait3A_92] : memref<400x128xf32, #tpu.memory_space<vmem>> -> memref<128x128xf32, #tpu.memory_space<vmem>>
      %dma_wait3A_94 = arith.constant 0 : i32
      %dma_wait3A_95 = arith.constant 0 : i32
      %dma_wait3A_96 = tpu.memref_slice %arg4[%dma_wait3A_94, %dma_wait3A_95] : memref<1000000x128xf32, #tpu.memory_space<hbm>> -> memref<128x128xf32, #tpu.memory_space<hbm>>
      tpu.wait_dma2 semaphore(%arg22 : memref<!tpu.dma_semaphore, #tpu.memory_space<semaphore_mem>>) src(%dma_wait3A_96 : memref<128x128xf32, #tpu.memory_space<hbm>>) dst(%dma_wait3A_93 : memref<128x128xf32, #tpu.memory_space<vmem>>)
      %dma_wait3A_97 = arith.constant 0 : i32
      %dma_wait3A_98 = tpu.memref_slice %arg12[%dma_wait3A_97] : memref<400xf32, #tpu.memory_space<vmem>> -> memref<128xf32, #tpu.memory_space<vmem>>
      %dma_wait3A_99 = arith.constant 0 : i32
      %dma_wait3A_100 = tpu.memref_slice %arg5[%dma_wait3A_99] : memref<1000000xf32, #tpu.memory_space<hbm>> -> memref<128xf32, #tpu.memory_space<hbm>>
      %dma_wait3A_101 = arith.constant 0 : i32
      %dma_wait3A_102 = tpu.memref_slice %arg12[%dma_wait3A_101] : memref<400xf32, #tpu.memory_space<vmem>> -> memref<128xf32, #tpu.memory_space<vmem>>
      %dma_wait3A_103 = arith.constant 0 : i32
      %dma_wait3A_104 = tpu.memref_slice %arg5[%dma_wait3A_103] : memref<1000000xf32, #tpu.memory_space<hbm>> -> memref<128xf32, #tpu.memory_space<hbm>>
      tpu.wait_dma2 semaphore(%arg22 : memref<!tpu.dma_semaphore, #tpu.memory_space<semaphore_mem>>) src(%dma_wait3A_104 : memref<128xf32, #tpu.memory_space<hbm>>) dst(%dma_wait3A_102 : memref<128xf32, #tpu.memory_space<vmem>>)
      %dma_wait3A_105 = arith.constant 128 : i32
      %dma_wait3A_106 = arith.constant 0 : i32
      %dma_wait3A_107 = tpu.memref_slice %arg11[%dma_wait3A_105, %dma_wait3A_106] : memref<400x128xf32, #tpu.memory_space<vmem>> -> memref<128x128xf32, #tpu.memory_space<vmem>>
      %dma_wait3A_108 = arith.constant 0 : i32
      %dma_wait3A_109 = arith.constant 0 : i32
      %dma_wait3A_110 = tpu.memref_slice %arg4[%dma_wait3A_108, %dma_wait3A_109] : memref<1000000x128xf32, #tpu.memory_space<hbm>> -> memref<128x128xf32, #tpu.memory_space<hbm>>
      %dma_wait3A_111 = arith.constant 128 : i32
      %dma_wait3A_112 = arith.constant 0 : i32
      %dma_wait3A_113 = tpu.memref_slice %arg11[%dma_wait3A_111, %dma_wait3A_112] : memref<400x128xf32, #tpu.memory_space<vmem>> -> memref<128x128xf32, #tpu.memory_space<vmem>>
      %dma_wait3A_114 = arith.constant 0 : i32
      %dma_wait3A_115 = arith.constant 0 : i32
      %dma_wait3A_116 = tpu.memref_slice %arg4[%dma_wait3A_114, %dma_wait3A_115] : memref<1000000x128xf32, #tpu.memory_space<hbm>> -> memref<128x128xf32, #tpu.memory_space<hbm>>
      tpu.wait_dma2 semaphore(%arg22 : memref<!tpu.dma_semaphore, #tpu.memory_space<semaphore_mem>>) src(%dma_wait3A_116 : memref<128x128xf32, #tpu.memory_space<hbm>>) dst(%dma_wait3A_113 : memref<128x128xf32, #tpu.memory_space<vmem>>)
      %dma_wait3A_117 = arith.constant 128 : i32
      %dma_wait3A_118 = tpu.memref_slice %arg12[%dma_wait3A_117] : memref<400xf32, #tpu.memory_space<vmem>> -> memref<128xf32, #tpu.memory_space<vmem>>
      %dma_wait3A_119 = arith.constant 0 : i32
      %dma_wait3A_120 = tpu.memref_slice %arg5[%dma_wait3A_119] : memref<1000000xf32, #tpu.memory_space<hbm>> -> memref<128xf32, #tpu.memory_space<hbm>>
      %dma_wait3A_121 = arith.constant 128 : i32
      %dma_wait3A_122 = tpu.memref_slice %arg12[%dma_wait3A_121] : memref<400xf32, #tpu.memory_space<vmem>> -> memref<128xf32, #tpu.memory_space<vmem>>
      %dma_wait3A_123 = arith.constant 0 : i32
      %dma_wait3A_124 = tpu.memref_slice %arg5[%dma_wait3A_123] : memref<1000000xf32, #tpu.memory_space<hbm>> -> memref<128xf32, #tpu.memory_space<hbm>>
      tpu.wait_dma2 semaphore(%arg22 : memref<!tpu.dma_semaphore, #tpu.memory_space<semaphore_mem>>) src(%dma_wait3A_124 : memref<128xf32, #tpu.memory_space<hbm>>) dst(%dma_wait3A_122 : memref<128xf32, #tpu.memory_space<vmem>>)
      %dma_wait3A_125 = arith.constant 256 : i32
      %dma_wait3A_126 = arith.constant 0 : i32
      %dma_wait3A_127 = tpu.memref_slice %arg11[%dma_wait3A_125, %dma_wait3A_126] : memref<400x128xf32, #tpu.memory_space<vmem>> -> memref<128x128xf32, #tpu.memory_space<vmem>>
      %dma_wait3A_128 = arith.constant 0 : i32
      %dma_wait3A_129 = arith.constant 0 : i32
      %dma_wait3A_130 = tpu.memref_slice %arg4[%dma_wait3A_128, %dma_wait3A_129] : memref<1000000x128xf32, #tpu.memory_space<hbm>> -> memref<128x128xf32, #tpu.memory_space<hbm>>
      %dma_wait3A_131 = arith.constant 256 : i32
      %dma_wait3A_132 = arith.constant 0 : i32
      %dma_wait3A_133 = tpu.memref_slice %arg11[%dma_wait3A_131, %dma_wait3A_132] : memref<400x128xf32, #tpu.memory_space<vmem>> -> memref<128x128xf32, #tpu.memory_space<vmem>>
      %dma_wait3A_134 = arith.constant 0 : i32
      %dma_wait3A_135 = arith.constant 0 : i32
      %dma_wait3A_136 = tpu.memref_slice %arg4[%dma_wait3A_134, %dma_wait3A_135] : memref<1000000x128xf32, #tpu.memory_space<hbm>> -> memref<128x128xf32, #tpu.memory_space<hbm>>
      tpu.wait_dma2 semaphore(%arg22 : memref<!tpu.dma_semaphore, #tpu.memory_space<semaphore_mem>>) src(%dma_wait3A_136 : memref<128x128xf32, #tpu.memory_space<hbm>>) dst(%dma_wait3A_133 : memref<128x128xf32, #tpu.memory_space<vmem>>)
      %dma_wait3A_137 = arith.constant 256 : i32
      %dma_wait3A_138 = tpu.memref_slice %arg12[%dma_wait3A_137] : memref<400xf32, #tpu.memory_space<vmem>> -> memref<128xf32, #tpu.memory_space<vmem>>
      %dma_wait3A_139 = arith.constant 0 : i32
      %dma_wait3A_140 = tpu.memref_slice %arg5[%dma_wait3A_139] : memref<1000000xf32, #tpu.memory_space<hbm>> -> memref<128xf32, #tpu.memory_space<hbm>>
      %dma_wait3A_141 = arith.constant 256 : i32
      %dma_wait3A_142 = tpu.memref_slice %arg12[%dma_wait3A_141] : memref<400xf32, #tpu.memory_space<vmem>> -> memref<128xf32, #tpu.memory_space<vmem>>
      %dma_wait3A_143 = arith.constant 0 : i32
      %dma_wait3A_144 = tpu.memref_slice %arg5[%dma_wait3A_143] : memref<1000000xf32, #tpu.memory_space<hbm>> -> memref<128xf32, #tpu.memory_space<hbm>>
      tpu.wait_dma2 semaphore(%arg22 : memref<!tpu.dma_semaphore, #tpu.memory_space<semaphore_mem>>) src(%dma_wait3A_144 : memref<128xf32, #tpu.memory_space<hbm>>) dst(%dma_wait3A_142 : memref<128xf32, #tpu.memory_space<vmem>>)
      %dma_wait3A_145 = arith.constant 384 : i32
      %dma_wait3A_146 = arith.constant 0 : i32
      %dma_wait3A_147 = tpu.memref_slice %arg11[%dma_wait3A_145, %dma_wait3A_146] : memref<400x128xf32, #tpu.memory_space<vmem>> -> memref<16x128xf32, #tpu.memory_space<vmem>>
      %dma_wait3A_148 = arith.constant 0 : i32
      %dma_wait3A_149 = arith.constant 0 : i32
      %dma_wait3A_150 = tpu.memref_slice %arg4[%dma_wait3A_148, %dma_wait3A_149] : memref<1000000x128xf32, #tpu.memory_space<hbm>> -> memref<16x128xf32, #tpu.memory_space<hbm>>
      %dma_wait3A_151 = arith.constant 384 : i32
      %dma_wait3A_152 = arith.constant 0 : i32
      %dma_wait3A_153 = tpu.memref_slice %arg11[%dma_wait3A_151, %dma_wait3A_152] : memref<400x128xf32, #tpu.memory_space<vmem>> -> memref<16x128xf32, #tpu.memory_space<vmem>>
      %dma_wait3A_154 = arith.constant 0 : i32
      %dma_wait3A_155 = arith.constant 0 : i32
      %dma_wait3A_156 = tpu.memref_slice %arg4[%dma_wait3A_154, %dma_wait3A_155] : memref<1000000x128xf32, #tpu.memory_space<hbm>> -> memref<16x128xf32, #tpu.memory_space<hbm>>
      tpu.wait_dma2 semaphore(%arg22 : memref<!tpu.dma_semaphore, #tpu.memory_space<semaphore_mem>>) src(%dma_wait3A_156 : memref<16x128xf32, #tpu.memory_space<hbm>>) dst(%dma_wait3A_153 : memref<16x128xf32, #tpu.memory_space<vmem>>)
      %dma_wait3A_157 = arith.constant 384 : i32
      %dma_wait3A_158 = tpu.memref_slice %arg12[%dma_wait3A_157] : memref<400xf32, #tpu.memory_space<vmem>> -> memref<16xf32, #tpu.memory_space<vmem>>
      %dma_wait3A_159 = arith.constant 0 : i32
      %dma_wait3A_160 = tpu.memref_slice %arg5[%dma_wait3A_159] : memref<1000000xf32, #tpu.memory_space<hbm>> -> memref<16xf32, #tpu.memory_space<hbm>>
      %dma_wait3A_161 = arith.constant 384 : i32
      %dma_wait3A_162 = tpu.memref_slice %arg12[%dma_wait3A_161] : memref<400xf32, #tpu.memory_space<vmem>> -> memref<16xf32, #tpu.memory_space<vmem>>
      %dma_wait3A_163 = arith.constant 0 : i32
      %dma_wait3A_164 = tpu.memref_slice %arg5[%dma_wait3A_163] : memref<1000000xf32, #tpu.memory_space<hbm>> -> memref<16xf32, #tpu.memory_space<hbm>>
      tpu.wait_dma2 semaphore(%arg22 : memref<!tpu.dma_semaphore, #tpu.memory_space<semaphore_mem>>) src(%dma_wait3A_164 : memref<16xf32, #tpu.memory_space<hbm>>) dst(%dma_wait3A_162 : memref<16xf32, #tpu.memory_space<vmem>>)
      %add3A_165 = arith.constant 8 : i32
      %add3A_166 = arith.addi %add3A_75, %add3A_165 : i32
      "tpu.region"() ({
        %run_scoped3A = tpu.sem_alloc : memref<!tpu.dma_semaphore, #tpu.memory_space<semaphore_mem>>
        %dma_start3A_340 = tpu.memref_slice %arg2[%add3A_166] : memref<16384xi32, #tpu.memory_space<hbm>> -> memref<8xi32, #tpu.memory_space<hbm>>
        %dma_start3A_341 = tpu.memref_slice %arg2[%add3A_166] : memref<16384xi32, #tpu.memory_space<hbm>> -> memref<8xi32, #tpu.memory_space<hbm>>
        tpu.enqueue_dma source(%dma_start3A_341 : memref<8xi32, #tpu.memory_space<hbm>>) target(%arg14 : memref<8xi32, #tpu.memory_space<vmem>>) target_semaphore(%run_scoped3A : memref<!tpu.dma_semaphore, #tpu.memory_space<semaphore_mem>>)
        %dma_wait3A_342 = tpu.memref_slice %arg2[%add3A_166] : memref<16384xi32, #tpu.memory_space<hbm>> -> memref<8xi32, #tpu.memory_space<hbm>>
        %dma_wait3A_343 = tpu.memref_slice %arg2[%add3A_166] : memref<16384xi32, #tpu.memory_space<hbm>> -> memref<8xi32, #tpu.memory_space<hbm>>
        tpu.wait_dma2 semaphore(%run_scoped3A : memref<!tpu.dma_semaphore, #tpu.memory_space<semaphore_mem>>) src(%dma_wait3A_343 : memref<8xi32, #tpu.memory_space<hbm>>) dst(%arg14 : memref<8xi32, #tpu.memory_space<vmem>>)
        tpu.yield
      }) : () -> ()
      %mul3A_167 = arith.constant 50 : i32
      %mul3A_168 = arith.muli %add3A_166, %mul3A_167 : i32
      "tpu.region"() ({
        %run_scoped3A = tpu.sem_alloc : memref<!tpu.dma_semaphore, #tpu.memory_space<semaphore_mem>>
        %dma_start3A_340 = tpu.memref_slice %arg3[%mul3A_168] : memref<819200xi32, #tpu.memory_space<hbm>> -> memref<400xi32, #tpu.memory_space<hbm>>
        %dma_start3A_341 = tpu.memref_slice %arg3[%mul3A_168] : memref<819200xi32, #tpu.memory_space<hbm>> -> memref<400xi32, #tpu.memory_space<hbm>>
        tpu.enqueue_dma source(%dma_start3A_341 : memref<400xi32, #tpu.memory_space<hbm>>) target(%arg15 : memref<400xi32, #tpu.memory_space<vmem>>) target_semaphore(%run_scoped3A : memref<!tpu.dma_semaphore, #tpu.memory_space<semaphore_mem>>)
        %dma_wait3A_342 = tpu.memref_slice %arg3[%mul3A_168] : memref<819200xi32, #tpu.memory_space<hbm>> -> memref<400xi32, #tpu.memory_space<hbm>>
        %dma_wait3A_343 = tpu.memref_slice %arg3[%mul3A_168] : memref<819200xi32, #tpu.memory_space<hbm>> -> memref<400xi32, #tpu.memory_space<hbm>>
        tpu.wait_dma2 semaphore(%run_scoped3A : memref<!tpu.dma_semaphore, #tpu.memory_space<semaphore_mem>>) src(%dma_wait3A_343 : memref<400xi32, #tpu.memory_space<hbm>>) dst(%arg15 : memref<400xi32, #tpu.memory_space<vmem>>)
        tpu.yield
      }) : () -> ()
      %dma_start3A_169 = arith.constant 0 : i32
      %dma_start3A_170 = arith.constant 0 : i32
      %dma_start3A_171 = tpu.memref_slice %arg4[%dma_start3A_169, %dma_start3A_170] : memref<1000000x128xf32, #tpu.memory_space<hbm>> -> memref<1000000x128xf32, #tpu.memory_space<hbm>>
      tpu.enqueue_indirect_dma source(%dma_start3A_171 : memref<1000000x128xf32, #tpu.memory_space<hbm>>) target(%arg16 : memref<8x128xf32, #tpu.memory_space<vmem>>) offsets(%arg14 : memref<8xi32, #tpu.memory_space<vmem>>) semaphore(%arg23 : memref<!tpu.dma_semaphore, #tpu.memory_space<semaphore_mem>>)
      %dma_start3A_172 = arith.constant 0 : i32
      %dma_start3A_173 = tpu.memref_slice %arg6[%dma_start3A_172] : memref<1000000xf32, #tpu.memory_space<hbm>> -> memref<1000000xf32, #tpu.memory_space<hbm>>
      tpu.enqueue_indirect_dma source(%dma_start3A_173 : memref<1000000xf32, #tpu.memory_space<hbm>>) target(%arg19 : memref<8xf32, #tpu.memory_space<vmem>>) offsets(%arg14 : memref<8xi32, #tpu.memory_space<vmem>>) semaphore(%arg23 : memref<!tpu.dma_semaphore, #tpu.memory_space<semaphore_mem>>)
      %dma_start3A_174 = arith.constant 0 : i32
      %dma_start3A_175 = arith.constant 0 : i32
      %dma_start3A_176 = tpu.memref_slice %arg17[%dma_start3A_174, %dma_start3A_175] : memref<400x128xf32, #tpu.memory_space<vmem>> -> memref<128x128xf32, #tpu.memory_space<vmem>>
      %dma_start3A_177 = arith.constant 0 : i32
      %dma_start3A_178 = tpu.memref_slice %arg15[%dma_start3A_177] : memref<400xi32, #tpu.memory_space<vmem>> -> memref<128xi32, #tpu.memory_space<vmem>>
      %dma_start3A_179 = arith.constant 0 : i32
      %dma_start3A_180 = arith.constant 0 : i32
      %dma_start3A_181 = tpu.memref_slice %arg4[%dma_start3A_179, %dma_start3A_180] : memref<1000000x128xf32, #tpu.memory_space<hbm>> -> memref<1000000x128xf32, #tpu.memory_space<hbm>>
      tpu.enqueue_indirect_dma source(%dma_start3A_181 : memref<1000000x128xf32, #tpu.memory_space<hbm>>) target(%dma_start3A_176 : memref<128x128xf32, #tpu.memory_space<vmem>>) offsets(%dma_start3A_178 : memref<128xi32, #tpu.memory_space<vmem>>) semaphore(%arg23 : memref<!tpu.dma_semaphore, #tpu.memory_space<semaphore_mem>>)
      %dma_start3A_182 = arith.constant 0 : i32
      %dma_start3A_183 = tpu.memref_slice %arg18[%dma_start3A_182] : memref<400xf32, #tpu.memory_space<vmem>> -> memref<128xf32, #tpu.memory_space<vmem>>
      %dma_start3A_184 = arith.constant 0 : i32
      %dma_start3A_185 = tpu.memref_slice %arg15[%dma_start3A_184] : memref<400xi32, #tpu.memory_space<vmem>> -> memref<128xi32, #tpu.memory_space<vmem>>
      %dma_start3A_186 = arith.constant 0 : i32
      %dma_start3A_187 = tpu.memref_slice %arg5[%dma_start3A_186] : memref<1000000xf32, #tpu.memory_space<hbm>> -> memref<1000000xf32, #tpu.memory_space<hbm>>
      tpu.enqueue_indirect_dma source(%dma_start3A_187 : memref<1000000xf32, #tpu.memory_space<hbm>>) target(%dma_start3A_183 : memref<128xf32, #tpu.memory_space<vmem>>) offsets(%dma_start3A_185 : memref<128xi32, #tpu.memory_space<vmem>>) semaphore(%arg23 : memref<!tpu.dma_semaphore, #tpu.memory_space<semaphore_mem>>)
      %dma_start3A_188 = arith.constant 128 : i32
      %dma_start3A_189 = arith.constant 0 : i32
      %dma_start3A_190 = tpu.memref_slice %arg17[%dma_start3A_188, %dma_start3A_189] : memref<400x128xf32, #tpu.memory_space<vmem>> -> memref<128x128xf32, #tpu.memory_space<vmem>>
      %dma_start3A_191 = arith.constant 128 : i32
      %dma_start3A_192 = tpu.memref_slice %arg15[%dma_start3A_191] : memref<400xi32, #tpu.memory_space<vmem>> -> memref<128xi32, #tpu.memory_space<vmem>>
      %dma_start3A_193 = arith.constant 0 : i32
      %dma_start3A_194 = arith.constant 0 : i32
      %dma_start3A_195 = tpu.memref_slice %arg4[%dma_start3A_193, %dma_start3A_194] : memref<1000000x128xf32, #tpu.memory_space<hbm>> -> memref<1000000x128xf32, #tpu.memory_space<hbm>>
      tpu.enqueue_indirect_dma source(%dma_start3A_195 : memref<1000000x128xf32, #tpu.memory_space<hbm>>) target(%dma_start3A_190 : memref<128x128xf32, #tpu.memory_space<vmem>>) offsets(%dma_start3A_192 : memref<128xi32, #tpu.memory_space<vmem>>) semaphore(%arg23 : memref<!tpu.dma_semaphore, #tpu.memory_space<semaphore_mem>>)
      %dma_start3A_196 = arith.constant 128 : i32
      %dma_start3A_197 = tpu.memref_slice %arg18[%dma_start3A_196] : memref<400xf32, #tpu.memory_space<vmem>> -> memref<128xf32, #tpu.memory_space<vmem>>
      %dma_start3A_198 = arith.constant 128 : i32
      %dma_start3A_199 = tpu.memref_slice %arg15[%dma_start3A_198] : memref<400xi32, #tpu.memory_space<vmem>> -> memref<128xi32, #tpu.memory_space<vmem>>
      %dma_start3A_200 = arith.constant 0 : i32
      %dma_start3A_201 = tpu.memref_slice %arg5[%dma_start3A_200] : memref<1000000xf32, #tpu.memory_space<hbm>> -> memref<1000000xf32, #tpu.memory_space<hbm>>
      tpu.enqueue_indirect_dma source(%dma_start3A_201 : memref<1000000xf32, #tpu.memory_space<hbm>>) target(%dma_start3A_197 : memref<128xf32, #tpu.memory_space<vmem>>) offsets(%dma_start3A_199 : memref<128xi32, #tpu.memory_space<vmem>>) semaphore(%arg23 : memref<!tpu.dma_semaphore, #tpu.memory_space<semaphore_mem>>)
      %dma_start3A_202 = arith.constant 256 : i32
      %dma_start3A_203 = arith.constant 0 : i32
      %dma_start3A_204 = tpu.memref_slice %arg17[%dma_start3A_202, %dma_start3A_203] : memref<400x128xf32, #tpu.memory_space<vmem>> -> memref<128x128xf32, #tpu.memory_space<vmem>>
      %dma_start3A_205 = arith.constant 256 : i32
      %dma_start3A_206 = tpu.memref_slice %arg15[%dma_start3A_205] : memref<400xi32, #tpu.memory_space<vmem>> -> memref<128xi32, #tpu.memory_space<vmem>>
      %dma_start3A_207 = arith.constant 0 : i32
      %dma_start3A_208 = arith.constant 0 : i32
      %dma_start3A_209 = tpu.memref_slice %arg4[%dma_start3A_207, %dma_start3A_208] : memref<1000000x128xf32, #tpu.memory_space<hbm>> -> memref<1000000x128xf32, #tpu.memory_space<hbm>>
      tpu.enqueue_indirect_dma source(%dma_start3A_209 : memref<1000000x128xf32, #tpu.memory_space<hbm>>) target(%dma_start3A_204 : memref<128x128xf32, #tpu.memory_space<vmem>>) offsets(%dma_start3A_206 : memref<128xi32, #tpu.memory_space<vmem>>) semaphore(%arg23 : memref<!tpu.dma_semaphore, #tpu.memory_space<semaphore_mem>>)
      %dma_start3A_210 = arith.constant 256 : i32
      %dma_start3A_211 = tpu.memref_slice %arg18[%dma_start3A_210] : memref<400xf32, #tpu.memory_space<vmem>> -> memref<128xf32, #tpu.memory_space<vmem>>
      %dma_start3A_212 = arith.constant 256 : i32
      %dma_start3A_213 = tpu.memref_slice %arg15[%dma_start3A_212] : memref<400xi32, #tpu.memory_space<vmem>> -> memref<128xi32, #tpu.memory_space<vmem>>
      %dma_start3A_214 = arith.constant 0 : i32
      %dma_start3A_215 = tpu.memref_slice %arg5[%dma_start3A_214] : memref<1000000xf32, #tpu.memory_space<hbm>> -> memref<1000000xf32, #tpu.memory_space<hbm>>
      tpu.enqueue_indirect_dma source(%dma_start3A_215 : memref<1000000xf32, #tpu.memory_space<hbm>>) target(%dma_start3A_211 : memref<128xf32, #tpu.memory_space<vmem>>) offsets(%dma_start3A_213 : memref<128xi32, #tpu.memory_space<vmem>>) semaphore(%arg23 : memref<!tpu.dma_semaphore, #tpu.memory_space<semaphore_mem>>)
      %dma_start3A_216 = arith.constant 384 : i32
      %dma_start3A_217 = arith.constant 0 : i32
      %dma_start3A_218 = tpu.memref_slice %arg17[%dma_start3A_216, %dma_start3A_217] : memref<400x128xf32, #tpu.memory_space<vmem>> -> memref<16x128xf32, #tpu.memory_space<vmem>>
      %dma_start3A_219 = arith.constant 384 : i32
      %dma_start3A_220 = tpu.memref_slice %arg15[%dma_start3A_219] : memref<400xi32, #tpu.memory_space<vmem>> -> memref<16xi32, #tpu.memory_space<vmem>>
      %dma_start3A_221 = arith.constant 0 : i32
      %dma_start3A_222 = arith.constant 0 : i32
      %dma_start3A_223 = tpu.memref_slice %arg4[%dma_start3A_221, %dma_start3A_222] : memref<1000000x128xf32, #tpu.memory_space<hbm>> -> memref<1000000x128xf32, #tpu.memory_space<hbm>>
      tpu.enqueue_indirect_dma source(%dma_start3A_223 : memref<1000000x128xf32, #tpu.memory_space<hbm>>) target(%dma_start3A_218 : memref<16x128xf32, #tpu.memory_space<vmem>>) offsets(%dma_start3A_220 : memref<16xi32, #tpu.memory_space<vmem>>) semaphore(%arg23 : memref<!tpu.dma_semaphore, #tpu.memory_space<semaphore_mem>>)
      %dma_start3A_224 = arith.constant 384 : i32
      %dma_start3A_225 = tpu.memref_slice %arg18[%dma_start3A_224] : memref<400xf32, #tpu.memory_space<vmem>> -> memref<16xf32, #tpu.memory_space<vmem>>
      %dma_start3A_226 = arith.constant 384 : i32
      %dma_start3A_227 = tpu.memref_slice %arg15[%dma_start3A_226] : memref<400xi32, #tpu.memory_space<vmem>> -> memref<16xi32, #tpu.memory_space<vmem>>
      %dma_start3A_228 = arith.constant 0 : i32
      %dma_start3A_229 = tpu.memref_slice %arg5[%dma_start3A_228] : memref<1000000xf32, #tpu.memory_space<hbm>> -> memref<1000000xf32, #tpu.memory_space<hbm>>
      tpu.enqueue_indirect_dma source(%dma_start3A_229 : memref<1000000xf32, #tpu.memory_space<hbm>>) target(%dma_start3A_225 : memref<16xf32, #tpu.memory_space<vmem>>) offsets(%dma_start3A_227 : memref<16xi32, #tpu.memory_space<vmem>>) semaphore(%arg23 : memref<!tpu.dma_semaphore, #tpu.memory_space<semaphore_mem>>)
      %scan3A_230 = arith.constant 0 : i32
      %scan3A_231 = arith.constant 0 : i32
      %scan3A_232 = arith.constant 8 : i32
      %scan3A_233 = arith.addi %scan3A_231, %scan3A_232 : i32
      %scan3A_234 = arith.constant 1 : i32
      scf.for %scan3A_340 = %scan3A_231 to %scan3A_233 step %scan3A_234  : i32 {
        %get3A = arith.index_cast %scan3A_340 : i32 to index
        %get3A_341 = arith.constant 64 : index
        %get3A_342 = tpu.vector_load %arg10[%get3A, %get3A_341] {strides = array<i32>} : memref<8x128xf32, #tpu.memory_space<vmem>>, vector<16xf32>,
        %get3A_343 = arith.index_cast %scan3A_340 : i32 to index
        %get3A_344 = arith.constant 80 : index
        %get3A_345 = tpu.vector_load %arg10[%get3A_343, %get3A_344] {strides = array<i32>} : memref<8x128xf32, #tpu.memory_space<vmem>>, vector<16xf32>,
        %get3A_346 = arith.index_cast %scan3A_340 : i32 to index
        %get3A_347 = arith.constant 96 : index
        %get3A_348 = tpu.vector_load %arg10[%get3A_346, %get3A_347] {strides = array<i32>} : memref<8x128xf32, #tpu.memory_space<vmem>>, vector<16xf32>,
        %get3A_349 = arith.index_cast %scan3A_340 : i32 to index
        %get3A_350 = arith.constant 112 : index
        %get3A_351 = tpu.vector_load %arg10[%get3A_349, %get3A_350] {strides = array<i32>} : memref<8x128xf32, #tpu.memory_space<vmem>>, vector<16xf32>,
        %broadcast_in_dim3A = vector.broadcast %scan3A_340 : i32 to vector<16xi32>
        %gather3A = tpu.vector_load_idx %arg13[%broadcast_in_dim3A] : memref<8xf32, #tpu.memory_space<vmem>>[vector<16xi32>], vector<16xf32>,
        %mul3A_352 = arith.constant 50 : i32
        %mul3A_353 = arith.muli %scan3A_340, %mul3A_352 : i32
        %add3A_354 = arith.constant 49 : i32
        %add3A_355 = arith.addi %mul3A_353, %add3A_354 : i32
        %scan3A_356 = arith.constant 0 : i32
        %scan3A_357 = arith.constant 0 : i32
        %scan3A_358 = arith.constant 50 : i32
        %scan3A_359 = arith.addi %scan3A_357, %scan3A_358 : i32
        %scan3A_360 = arith.constant 5 : i32
        scf.for %scan3A_762 = %scan3A_357 to %scan3A_359 step %scan3A_360  : i32 {
          %add3A_763 = arith.addi %mul3A_353, %scan3A_762 : i32
          %get3A_764 = arith.index_cast %add3A_763 : i32 to index
          %get3A_765 = arith.constant 0 : index
          %get3A_766 = tpu.vector_load %arg11[%get3A_764, %get3A_765] {strides = array<i32>} : memref<400x128xf32, #tpu.memory_space<vmem>>, vector<16xf32>,
          %get3A_767 = arith.index_cast %add3A_763 : i32 to index
          %get3A_768 = arith.constant 16 : index
          %get3A_769 = tpu.vector_load %arg11[%get3A_767, %get3A_768] {strides = array<i32>} : memref<400x128xf32, #tpu.memory_space<vmem>>, vector<16xf32>,
          %get3A_770 = arith.index_cast %add3A_763 : i32 to index
          %get3A_771 = arith.constant 32 : index
          %get3A_772 = tpu.vector_load %arg11[%get3A_770, %get3A_771] {strides = array<i32>} : memref<400x128xf32, #tpu.memory_space<vmem>>, vector<16xf32>,
          %get3A_773 = arith.index_cast %add3A_763 : i32 to index
          %get3A_774 = arith.constant 48 : index
          %get3A_775 = tpu.vector_load %arg11[%get3A_773, %get3A_774] {strides = array<i32>} : memref<400x128xf32, #tpu.memory_space<vmem>>, vector<16xf32>,
          %mul3A_776 = arith.mulf %get3A_766, %get3A_342 : vector<16xf32>
          %mul3A_777 = arith.mulf %get3A_769, %get3A_345 : vector<16xf32>
          %add3A_778 = arith.addf %mul3A_776, %mul3A_777 : vector<16xf32>
          %mul3A_779 = arith.mulf %get3A_772, %get3A_348 : vector<16xf32>
          %mul3A_780 = arith.mulf %get3A_775, %get3A_351 : vector<16xf32>
          %add3A_781 = arith.addf %mul3A_779, %mul3A_780 : vector<16xf32>
          %add3A_782 = arith.addf %add3A_778, %add3A_781 : vector<16xf32>
          %mul3A_783 = arith.constant 17 : i32
          %mul3A_784 = arith.muli %add3A_763, %mul3A_783 : i32
          %add3A_785 = vector.broadcast %mul3A_784 : i32 to vector<16xi32>
          %add3A_786 = arith.addi %add3A_785, %iota3A : vector<16xi32>
          tpu.vector_store_idx %arg20[%add3A_786], %add3A_782 : memref<6816xf32, #tpu.memory_space<vmem>>[vector<16xi32>], vector<16xf32>,
          %scan3A_787 = arith.constant 1 : i32
          %scan3A_788 = arith.addi %scan3A_762, %scan3A_787 : i32
          %add3A_789 = arith.addi %mul3A_353, %scan3A_788 : i32
          %get3A_790 = arith.index_cast %add3A_789 : i32 to index
          %get3A_791 = arith.constant 0 : index
          %get3A_792 = tpu.vector_load %arg11[%get3A_790, %get3A_791] {strides = array<i32>} : memref<400x128xf32, #tpu.memory_space<vmem>>, vector<16xf32>,
          %get3A_793 = arith.index_cast %add3A_789 : i32 to index
          %get3A_794 = arith.constant 16 : index
          %get3A_795 = tpu.vector_load %arg11[%get3A_793, %get3A_794] {strides = array<i32>} : memref<400x128xf32, #tpu.memory_space<vmem>>, vector<16xf32>,
          %get3A_796 = arith.index_cast %add3A_789 : i32 to index
          %get3A_797 = arith.constant 32 : index
          %get3A_798 = tpu.vector_load %arg11[%get3A_796, %get3A_797] {strides = array<i32>} : memref<400x128xf32, #tpu.memory_space<vmem>>, vector<16xf32>,
          %get3A_799 = arith.index_cast %add3A_789 : i32 to index
          %get3A_800 = arith.constant 48 : index
          %get3A_801 = tpu.vector_load %arg11[%get3A_799, %get3A_800] {strides = array<i32>} : memref<400x128xf32, #tpu.memory_space<vmem>>, vector<16xf32>,
          %mul3A_802 = arith.mulf %get3A_792, %get3A_342 : vector<16xf32>
          %mul3A_803 = arith.mulf %get3A_795, %get3A_345 : vector<16xf32>
          %add3A_804 = arith.addf %mul3A_802, %mul3A_803 : vector<16xf32>
          %mul3A_805 = arith.mulf %get3A_798, %get3A_348 : vector<16xf32>
          %mul3A_806 = arith.mulf %get3A_801, %get3A_351 : vector<16xf32>
          %add3A_807 = arith.addf %mul3A_805, %mul3A_806 : vector<16xf32>
          %add3A_808 = arith.addf %add3A_804, %add3A_807 : vector<16xf32>
          %mul3A_809 = arith.constant 17 : i32
          %mul3A_810 = arith.muli %add3A_789, %mul3A_809 : i32
          %add3A_811 = vector.broadcast %mul3A_810 : i32 to vector<16xi32>
          %add3A_812 = arith.addi %add3A_811, %iota3A : vector<16xi32>
          tpu.vector_store_idx %arg20[%add3A_812], %add3A_808 : memref<6816xf32, #tpu.memory_space<vmem>>[vector<16xi32>], vector<16xf32>,
          %scan3A_813 = arith.constant 2 : i32
          %scan3A_814 = arith.addi %scan3A_762, %scan3A_813 : i32
          %add3A_815 = arith.addi %mul3A_353, %scan3A_814 : i32
          %get3A_816 = arith.index_cast %add3A_815 : i32 to index
          %get3A_817 = arith.constant 0 : index
          %get3A_818 = tpu.vector_load %arg11[%get3A_816, %get3A_817] {strides = array<i32>} : memref<400x128xf32, #tpu.memory_space<vmem>>, vector<16xf32>,
          %get3A_819 = arith.index_cast %add3A_815 : i32 to index
          %get3A_820 = arith.constant 16 : index
          %get3A_821 = tpu.vector_load %arg11[%get3A_819, %get3A_820] {strides = array<i32>} : memref<400x128xf32, #tpu.memory_space<vmem>>, vector<16xf32>,
          %get3A_822 = arith.index_cast %add3A_815 : i32 to index
          %get3A_823 = arith.constant 32 : index
          %get3A_824 = tpu.vector_load %arg11[%get3A_822, %get3A_823] {strides = array<i32>} : memref<400x128xf32, #tpu.memory_space<vmem>>, vector<16xf32>,
          %get3A_825 = arith.index_cast %add3A_815 : i32 to index
          %get3A_826 = arith.constant 48 : index
          %get3A_827 = tpu.vector_load %arg11[%get3A_825, %get3A_826] {strides = array<i32>} : memref<400x128xf32, #tpu.memory_space<vmem>>, vector<16xf32>,
          %mul3A_828 = arith.mulf %get3A_818, %get3A_342 : vector<16xf32>
          %mul3A_829 = arith.mulf %get3A_821, %get3A_345 : vector<16xf32>
          %add3A_830 = arith.addf %mul3A_828, %mul3A_829 : vector<16xf32>
          %mul3A_831 = arith.mulf %get3A_824, %get3A_348 : vector<16xf32>
          %mul3A_832 = arith.mulf %get3A_827, %get3A_351 : vector<16xf32>
          %add3A_833 = arith.addf %mul3A_831, %mul3A_832 : vector<16xf32>
          %add3A_834 = arith.addf %add3A_830, %add3A_833 : vector<16xf32>
          %mul3A_835 = arith.constant 17 : i32
          %mul3A_836 = arith.muli %add3A_815, %mul3A_835 : i32
          %add3A_837 = vector.broadcast %mul3A_836 : i32 to vector<16xi32>
          %add3A_838 = arith.addi %add3A_837, %iota3A : vector<16xi32>
          tpu.vector_store_idx %arg20[%add3A_838], %add3A_834 : memref<6816xf32, #tpu.memory_space<vmem>>[vector<16xi32>], vector<16xf32>,
          %scan3A_839 = arith.constant 3 : i32
          %scan3A_840 = arith.addi %scan3A_762, %scan3A_839 : i32
          %add3A_841 = arith.addi %mul3A_353, %scan3A_840 : i32
          %get3A_842 = arith.index_cast %add3A_841 : i32 to index
          %get3A_843 = arith.constant 0 : index
          %get3A_844 = tpu.vector_load %arg11[%get3A_842, %get3A_843] {strides = array<i32>} : memref<400x128xf32, #tpu.memory_space<vmem>>, vector<16xf32>,
          %get3A_845 = arith.index_cast %add3A_841 : i32 to index
          %get3A_846 = arith.constant 16 : index
          %get3A_847 = tpu.vector_load %arg11[%get3A_845, %get3A_846] {strides = array<i32>} : memref<400x128xf32, #tpu.memory_space<vmem>>, vector<16xf32>,
          %get3A_848 = arith.index_cast %add3A_841 : i32 to index
          %get3A_849 = arith.constant 32 : index
          %get3A_850 = tpu.vector_load %arg11[%get3A_848, %get3A_849] {strides = array<i32>} : memref<400x128xf32, #tpu.memory_space<vmem>>, vector<16xf32>,
          %get3A_851 = arith.index_cast %add3A_841 : i32 to index
          %get3A_852 = arith.constant 48 : index
          %get3A_853 = tpu.vector_load %arg11[%get3A_851, %get3A_852] {strides = array<i32>} : memref<400x128xf32, #tpu.memory_space<vmem>>, vector<16xf32>,
          %mul3A_854 = arith.mulf %get3A_844, %get3A_342 : vector<16xf32>
          %mul3A_855 = arith.mulf %get3A_847, %get3A_345 : vector<16xf32>
          %add3A_856 = arith.addf %mul3A_854, %mul3A_855 : vector<16xf32>
          %mul3A_857 = arith.mulf %get3A_850, %get3A_348 : vector<16xf32>
          %mul3A_858 = arith.mulf %get3A_853, %get3A_351 : vector<16xf32>
          %add3A_859 = arith.addf %mul3A_857, %mul3A_858 : vector<16xf32>
          %add3A_860 = arith.addf %add3A_856, %add3A_859 : vector<16xf32>
          %mul3A_861 = arith.constant 17 : i32
          %mul3A_862 = arith.muli %add3A_841, %mul3A_861 : i32
          %add3A_863 = vector.broadcast %mul3A_862 : i32 to vector<16xi32>
          %add3A_864 = arith.addi %add3A_863, %iota3A : vector<16xi32>
          tpu.vector_store_idx %arg20[%add3A_864], %add3A_860 : memref<6816xf32, #tpu.memory_space<vmem>>[vector<16xi32>], vector<16xf32>,
          %scan3A_865 = arith.constant 4 : i32
          %scan3A_866 = arith.addi %scan3A_762, %scan3A_865 : i32
          %add3A_867 = arith.addi %mul3A_353, %scan3A_866 : i32
          %get3A_868 = arith.index_cast %add3A_867 : i32 to index
          %get3A_869 = arith.constant 0 : index
          %get3A_870 = tpu.vector_load %arg11[%get3A_868, %get3A_869] {strides = array<i32>} : memref<400x128xf32, #tpu.memory_space<vmem>>, vector<16xf32>,
          %get3A_871 = arith.index_cast %add3A_867 : i32 to index
          %get3A_872 = arith.constant 16 : index
          %get3A_873 = tpu.vector_load %arg11[%get3A_871, %get3A_872] {strides = array<i32>} : memref<400x128xf32, #tpu.memory_space<vmem>>, vector<16xf32>,
          %get3A_874 = arith.index_cast %add3A_867 : i32 to index
          %get3A_875 = arith.constant 32 : index
          %get3A_876 = tpu.vector_load %arg11[%get3A_874, %get3A_875] {strides = array<i32>} : memref<400x128xf32, #tpu.memory_space<vmem>>, vector<16xf32>,
          %get3A_877 = arith.index_cast %add3A_867 : i32 to index
          %get3A_878 = arith.constant 48 : index
          %get3A_879 = tpu.vector_load %arg11[%get3A_877, %get3A_878] {strides = array<i32>} : memref<400x128xf32, #tpu.memory_space<vmem>>, vector<16xf32>,
          %mul3A_880 = arith.mulf %get3A_870, %get3A_342 : vector<16xf32>
          %mul3A_881 = arith.mulf %get3A_873, %get3A_345 : vector<16xf32>
          %add3A_882 = arith.addf %mul3A_880, %mul3A_881 : vector<16xf32>
          %mul3A_883 = arith.mulf %get3A_876, %get3A_348 : vector<16xf32>
          %mul3A_884 = arith.mulf %get3A_879, %get3A_351 : vector<16xf32>
          %add3A_885 = arith.addf %mul3A_883, %mul3A_884 : vector<16xf32>
          %add3A_886 = arith.addf %add3A_882, %add3A_885 : vector<16xf32>
          %mul3A_887 = arith.constant 17 : i32
          %mul3A_888 = arith.muli %add3A_867, %mul3A_887 : i32
          %add3A_889 = vector.broadcast %mul3A_888 : i32 to vector<16xi32>
          %add3A_890 = arith.addi %add3A_889, %iota3A : vector<16xi32>
          tpu.vector_store_idx %arg20[%add3A_890], %add3A_886 : memref<6816xf32, #tpu.memory_space<vmem>>[vector<16xi32>], vector<16xf32>,
        }
        %scan3A_361 = arith.constant 50 : i32
        %add3A_362 = arith.constant 0 : i32
        %add3A_363 = arith.addi %mul3A_353, %add3A_362 : i32
        %add3A_364 = vector.broadcast %add3A_363 : i32 to vector<16xi32>
        %add3A_365 = arith.addi %add3A_364, %iota3A : vector<16xi32>
        %min3A = vector.broadcast %add3A_355 : i32 to vector<16xi32>
        %min3A_366 = arith.minsi %add3A_365, %min3A : vector<16xi32>
        %mul3A_367 = arith.constant 17 : i32
        %mul3A_368 = vector.broadcast %mul3A_367 : i32 to vector<16xi32>
        %mul3A_369 = arith.muli %min3A_366, %mul3A_368 : vector<16xi32>
        %gather3A_370 = tpu.vector_load_idx %arg12[%min3A_366] : memref<400xf32, #tpu.memory_space<vmem>>[vector<16xi32>], vector<16xf32>,
        %add3A_371 = arith.addf %gather3A_370, %gather3A : vector<16xf32>
        %broadcast_in_dim3A_372 = arith.constant 0.000000e+00 : f32
        %broadcast_in_dim3A_373 = vector.broadcast %broadcast_in_dim3A_372 : f32 to vector<16xf32>
        %broadcast_in_dim3A_374 = arith.constant 0.000000e+00 : f32
        %broadcast_in_dim3A_375 = vector.broadcast %broadcast_in_dim3A_374 : f32 to vector<16xf32>
        %broadcast_in_dim3A_376 = arith.constant 0.000000e+00 : f32
        %broadcast_in_dim3A_377 = vector.broadcast %broadcast_in_dim3A_376 : f32 to vector<16xf32>
        %add3A_378 = arith.constant 0 : i32
        %add3A_379 = vector.broadcast %add3A_378 : i32 to vector<16xi32>
        %add3A_380 = arith.addi %mul3A_369, %add3A_379 : vector<16xi32>
        %gather3A_381 = tpu.vector_load_idx %arg20[%add3A_380] : memref<6816xf32, #tpu.memory_space<vmem>>[vector<16xi32>], vector<16xf32>,
        %add3A_382 = arith.addf %add3A_371, %gather3A_381 : vector<16xf32>
        %add3A_383 = arith.constant 1 : i32
        %add3A_384 = vector.broadcast %add3A_383 : i32 to vector<16xi32>
        %add3A_385 = arith.addi %mul3A_369, %add3A_384 : vector<16xi32>
        %gather3A_386 = tpu.vector_load_idx %arg20[%add3A_385] : memref<6816xf32, #tpu.memory_space<vmem>>[vector<16xi32>], vector<16xf32>,
        %add3A_387 = arith.addf %broadcast_in_dim3A_373, %gather3A_386 : vector<16xf32>
        %add3A_388 = arith.constant 2 : i32
        %add3A_389 = vector.broadcast %add3A_388 : i32 to vector<16xi32>
        %add3A_390 = arith.addi %mul3A_369, %add3A_389 : vector<16xi32>
        %gather3A_391 = tpu.vector_load_idx %arg20[%add3A_390] : memref<6816xf32, #tpu.memory_space<vmem>>[vector<16xi32>], vector<16xf32>,
        %add3A_392 = arith.addf %broadcast_in_dim3A_375, %gather3A_391 : vector<16xf32>
        %add3A_393 = arith.constant 3 : i32
        %add3A_394 = vector.broadcast %add3A_393 : i32 to vector<16xi32>
        %add3A_395 = arith.addi %mul3A_369, %add3A_394 : vector<16xi32>
        %gather3A_396 = tpu.vector_load_idx %arg20[%add3A_395] : memref<6816xf32, #tpu.memory_space<vmem>>[vector<16xi32>], vector<16xf32>,
        %add3A_397 = arith.addf %broadcast_in_dim3A_377, %gather3A_396 : vector<16xf32>
        %add3A_398 = arith.constant 4 : i32
        %add3A_399 = vector.broadcast %add3A_398 : i32 to vector<16xi32>
        %add3A_400 = arith.addi %mul3A_369, %add3A_399 : vector<16xi32>
        %gather3A_401 = tpu.vector_load_idx %arg20[%add3A_400] : memref<6816xf32, #tpu.memory_space<vmem>>[vector<16xi32>], vector<16xf32>,
        %add3A_402 = arith.addf %add3A_382, %gather3A_401 : vector<16xf32>
        %add3A_403 = arith.constant 5 : i32
        %add3A_404 = vector.broadcast %add3A_403 : i32 to vector<16xi32>
        %add3A_405 = arith.addi %mul3A_369, %add3A_404 : vector<16xi32>
        %gather3A_406 = tpu.vector_load_idx %arg20[%add3A_405] : memref<6816xf32, #tpu.memory_space<vmem>>[vector<16xi32>], vector<16xf32>,
        %add3A_407 = arith.addf %add3A_387, %gather3A_406 : vector<16xf32>
        %add3A_408 = arith.constant 6 : i32
        %add3A_409 = vector.broadcast %add3A_408 : i32 to vector<16xi32>
        %add3A_410 = arith.addi %mul3A_369, %add3A_409 : vector<16xi32>
        %gather3A_411 = tpu.vector_load_idx %arg20[%add3A_410] : memref<6816xf32, #tpu.memory_space<vmem>>[vector<16xi32>], vector<16xf32>,
        %add3A_412 = arith.addf %add3A_392, %gather3A_411 : vector<16xf32>
        %add3A_413 = arith.constant 7 : i32
        %add3A_414 = vector.broadcast %add3A_413 : i32 to vector<16xi32>
        %add3A_415 = arith.addi %mul3A_369, %add3A_414 : vector<16xi32>
        %gather3A_416 = tpu.vector_load_idx %arg20[%add3A_415] : memref<6816xf32, #tpu.memory_space<vmem>>[vector<16xi32>], vector<16xf32>,
        %add3A_417 = arith.addf %add3A_397, %gather3A_416 : vector<16xf32>
        %add3A_418 = arith.constant 8 : i32
        %add3A_419 = vector.broadcast %add3A_418 : i32 to vector<16xi32>
        %add3A_420 = arith.addi %mul3A_369, %add3A_419 : vector<16xi32>
        %gather3A_421 = tpu.vector_load_idx %arg20[%add3A_420] : memref<6816xf32, #tpu.memory_space<vmem>>[vector<16xi32>], vector<16xf32>,
        %add3A_422 = arith.addf %add3A_402, %gather3A_421 : vector<16xf32>
        %add3A_423 = arith.constant 9 : i32
        %add3A_424 = vector.broadcast %add3A_423 : i32 to vector<16xi32>
        %add3A_425 = arith.addi %mul3A_369, %add3A_424 : vector<16xi32>
        %gather3A_426 = tpu.vector_load_idx %arg20[%add3A_425] : memref<6816xf32, #tpu.memory_space<vmem>>[vector<16xi32>], vector<16xf32>,
        %add3A_427 = arith.addf %add3A_407, %gather3A_426 : vector<16xf32>
        %add3A_428 = arith.constant 10 : i32
        %add3A_429 = vector.broadcast %add3A_428 : i32 to vector<16xi32>
        %add3A_430 = arith.addi %mul3A_369, %add3A_429 : vector<16xi32>
        %gather3A_431 = tpu.vector_load_idx %arg20[%add3A_430] : memref<6816xf32, #tpu.memory_space<vmem>>[vector<16xi32>], vector<16xf32>,
        %add3A_432 = arith.addf %add3A_412, %gather3A_431 : vector<16xf32>
        %add3A_433 = arith.constant 11 : i32
        %add3A_434 = vector.broadcast %add3A_433 : i32 to vector<16xi32>
        %add3A_435 = arith.addi %mul3A_369, %add3A_434 : vector<16xi32>
        %gather3A_436 = tpu.vector_load_idx %arg20[%add3A_435] : memref<6816xf32, #tpu.memory_space<vmem>>[vector<16xi32>], vector<16xf32>,
        %add3A_437 = arith.addf %add3A_417, %gather3A_436 : vector<16xf32>
        %add3A_438 = arith.constant 12 : i32
        %add3A_439 = vector.broadcast %add3A_438 : i32 to vector<16xi32>
        %add3A_440 = arith.addi %mul3A_369, %add3A_439 : vector<16xi32>
        %gather3A_441 = tpu.vector_load_idx %arg20[%add3A_440] : memref<6816xf32, #tpu.memory_space<vmem>>[vector<16xi32>], vector<16xf32>,
        %add3A_442 = arith.addf %add3A_422, %gather3A_441 : vector<16xf32>
        %add3A_443 = arith.constant 13 : i32
        %add3A_444 = vector.broadcast %add3A_443 : i32 to vector<16xi32>
        %add3A_445 = arith.addi %mul3A_369, %add3A_444 : vector<16xi32>
        %gather3A_446 = tpu.vector_load_idx %arg20[%add3A_445] : memref<6816xf32, #tpu.memory_space<vmem>>[vector<16xi32>], vector<16xf32>,
        %add3A_447 = arith.addf %add3A_427, %gather3A_446 : vector<16xf32>
        %add3A_448 = arith.constant 14 : i32
        %add3A_449 = vector.broadcast %add3A_448 : i32 to vector<16xi32>
        %add3A_450 = arith.addi %mul3A_369, %add3A_449 : vector<16xi32>
        %gather3A_451 = tpu.vector_load_idx %arg20[%add3A_450] : memref<6816xf32, #tpu.memory_space<vmem>>[vector<16xi32>], vector<16xf32>,
        %add3A_452 = arith.addf %add3A_432, %gather3A_451 : vector<16xf32>
        %add3A_453 = arith.constant 15 : i32
        %add3A_454 = vector.broadcast %add3A_453 : i32 to vector<16xi32>
        %add3A_455 = arith.addi %mul3A_369, %add3A_454 : vector<16xi32>
        %gather3A_456 = tpu.vector_load_idx %arg20[%add3A_455] : memref<6816xf32, #tpu.memory_space<vmem>>[vector<16xi32>], vector<16xf32>,
        %add3A_457 = arith.addf %add3A_437, %gather3A_456 : vector<16xf32>
        %add3A_458 = arith.addf %add3A_442, %add3A_447 : vector<16xf32>
        %add3A_459 = arith.addf %add3A_452, %add3A_457 : vector<16xf32>
        %add3A_460 = arith.addf %add3A_458, %add3A_459 : vector<16xf32>
        tpu.vector_store_idx %arg21[%min3A_366], %add3A_460 : memref<416xf32, #tpu.memory_space<vmem>>[vector<16xi32>], vector<16xf32>,
        %add3A_461 = arith.constant 16 : i32
        %add3A_462 = arith.addi %mul3A_353, %add3A_461 : i32
        %add3A_463 = vector.broadcast %add3A_462 : i32 to vector<16xi32>
        %add3A_464 = arith.addi %add3A_463, %iota3A : vector<16xi32>
        %min3A_465 = vector.broadcast %add3A_355 : i32 to vector<16xi32>
        %min3A_466 = arith.minsi %add3A_464, %min3A_465 : vector<16xi32>
        %mul3A_467 = arith.constant 17 : i32
        %mul3A_468 = vector.broadcast %mul3A_467 : i32 to vector<16xi32>
        %mul3A_469 = arith.muli %min3A_466, %mul3A_468 : vector<16xi32>
        %gather3A_470 = tpu.vector_load_idx %arg12[%min3A_466] : memref<400xf32, #tpu.memory_space<vmem>>[vector<16xi32>], vector<16xf32>,
        %add3A_471 = arith.addf %gather3A_470, %gather3A : vector<16xf32>
        %broadcast_in_dim3A_472 = arith.constant 0.000000e+00 : f32
        %broadcast_in_dim3A_473 = vector.broadcast %broadcast_in_dim3A_472 : f32 to vector<16xf32>
        %broadcast_in_dim3A_474 = arith.constant 0.000000e+00 : f32
        %broadcast_in_dim3A_475 = vector.broadcast %broadcast_in_dim3A_474 : f32 to vector<16xf32>
        %broadcast_in_dim3A_476 = arith.constant 0.000000e+00 : f32
        %broadcast_in_dim3A_477 = vector.broadcast %broadcast_in_dim3A_476 : f32 to vector<16xf32>
        %add3A_478 = arith.constant 0 : i32
        %add3A_479 = vector.broadcast %add3A_478 : i32 to vector<16xi32>
        %add3A_480 = arith.addi %mul3A_469, %add3A_479 : vector<16xi32>
        %gather3A_481 = tpu.vector_load_idx %arg20[%add3A_480] : memref<6816xf32, #tpu.memory_space<vmem>>[vector<16xi32>], vector<16xf32>,
        %add3A_482 = arith.addf %add3A_471, %gather3A_481 : vector<16xf32>
        %add3A_483 = arith.constant 1 : i32
        %add3A_484 = vector.broadcast %add3A_483 : i32 to vector<16xi32>
        %add3A_485 = arith.addi %mul3A_469, %add3A_484 : vector<16xi32>
        %gather3A_486 = tpu.vector_load_idx %arg20[%add3A_485] : memref<6816xf32, #tpu.memory_space<vmem>>[vector<16xi32>], vector<16xf32>,
        %add3A_487 = arith.addf %broadcast_in_dim3A_473, %gather3A_486 : vector<16xf32>
        %add3A_488 = arith.constant 2 : i32
        %add3A_489 = vector.broadcast %add3A_488 : i32 to vector<16xi32>
        %add3A_490 = arith.addi %mul3A_469, %add3A_489 : vector<16xi32>
        %gather3A_491 = tpu.vector_load_idx %arg20[%add3A_490] : memref<6816xf32, #tpu.memory_space<vmem>>[vector<16xi32>], vector<16xf32>,
        %add3A_492 = arith.addf %broadcast_in_dim3A_475, %gather3A_491 : vector<16xf32>
        %add3A_493 = arith.constant 3 : i32
        %add3A_494 = vector.broadcast %add3A_493 : i32 to vector<16xi32>
        %add3A_495 = arith.addi %mul3A_469, %add3A_494 : vector<16xi32>
        %gather3A_496 = tpu.vector_load_idx %arg20[%add3A_495] : memref<6816xf32, #tpu.memory_space<vmem>>[vector<16xi32>], vector<16xf32>,
        %add3A_497 = arith.addf %broadcast_in_dim3A_477, %gather3A_496 : vector<16xf32>
        %add3A_498 = arith.constant 4 : i32
        %add3A_499 = vector.broadcast %add3A_498 : i32 to vector<16xi32>
        %add3A_500 = arith.addi %mul3A_469, %add3A_499 : vector<16xi32>
        %gather3A_501 = tpu.vector_load_idx %arg20[%add3A_500] : memref<6816xf32, #tpu.memory_space<vmem>>[vector<16xi32>], vector<16xf32>,
        %add3A_502 = arith.addf %add3A_482, %gather3A_501 : vector<16xf32>
        %add3A_503 = arith.constant 5 : i32
        %add3A_504 = vector.broadcast %add3A_503 : i32 to vector<16xi32>
        %add3A_505 = arith.addi %mul3A_469, %add3A_504 : vector<16xi32>
        %gather3A_506 = tpu.vector_load_idx %arg20[%add3A_505] : memref<6816xf32, #tpu.memory_space<vmem>>[vector<16xi32>], vector<16xf32>,
        %add3A_507 = arith.addf %add3A_487, %gather3A_506 : vector<16xf32>
        %add3A_508 = arith.constant 6 : i32
        %add3A_509 = vector.broadcast %add3A_508 : i32 to vector<16xi32>
        %add3A_510 = arith.addi %mul3A_469, %add3A_509 : vector<16xi32>
        %gather3A_511 = tpu.vector_load_idx %arg20[%add3A_510] : memref<6816xf32, #tpu.memory_space<vmem>>[vector<16xi32>], vector<16xf32>,
        %add3A_512 = arith.addf %add3A_492, %gather3A_511 : vector<16xf32>
        %add3A_513 = arith.constant 7 : i32
        %add3A_514 = vector.broadcast %add3A_513 : i32 to vector<16xi32>
        %add3A_515 = arith.addi %mul3A_469, %add3A_514 : vector<16xi32>
        %gather3A_516 = tpu.vector_load_idx %arg20[%add3A_515] : memref<6816xf32, #tpu.memory_space<vmem>>[vector<16xi32>], vector<16xf32>,
        %add3A_517 = arith.addf %add3A_497, %gather3A_516 : vector<16xf32>
        %add3A_518 = arith.constant 8 : i32
        %add3A_519 = vector.broadcast %add3A_518 : i32 to vector<16xi32>
        %add3A_520 = arith.addi %mul3A_469, %add3A_519 : vector<16xi32>
        %gather3A_521 = tpu.vector_load_idx %arg20[%add3A_520] : memref<6816xf32, #tpu.memory_space<vmem>>[vector<16xi32>], vector<16xf32>,
        %add3A_522 = arith.addf %add3A_502, %gather3A_521 : vector<16xf32>
        %add3A_523 = arith.constant 9 : i32
        %add3A_524 = vector.broadcast %add3A_523 : i32 to vector<16xi32>
        %add3A_525 = arith.addi %mul3A_469, %add3A_524 : vector<16xi32>
        %gather3A_526 = tpu.vector_load_idx %arg20[%add3A_525] : memref<6816xf32, #tpu.memory_space<vmem>>[vector<16xi32>], vector<16xf32>,
        %add3A_527 = arith.addf %add3A_507, %gather3A_526 : vector<16xf32>
        %add3A_528 = arith.constant 10 : i32
        %add3A_529 = vector.broadcast %add3A_528 : i32 to vector<16xi32>
        %add3A_530 = arith.addi %mul3A_469, %add3A_529 : vector<16xi32>
        %gather3A_531 = tpu.vector_load_idx %arg20[%add3A_530] : memref<6816xf32, #tpu.memory_space<vmem>>[vector<16xi32>], vector<16xf32>,
        %add3A_532 = arith.addf %add3A_512, %gather3A_531 : vector<16xf32>
        %add3A_533 = arith.constant 11 : i32
        %add3A_534 = vector.broadcast %add3A_533 : i32 to vector<16xi32>
        %add3A_535 = arith.addi %mul3A_469, %add3A_534 : vector<16xi32>
        %gather3A_536 = tpu.vector_load_idx %arg20[%add3A_535] : memref<6816xf32, #tpu.memory_space<vmem>>[vector<16xi32>], vector<16xf32>,
        %add3A_537 = arith.addf %add3A_517, %gather3A_536 : vector<16xf32>
        %add3A_538 = arith.constant 12 : i32
        %add3A_539 = vector.broadcast %add3A_538 : i32 to vector<16xi32>
        %add3A_540 = arith.addi %mul3A_469, %add3A_539 : vector<16xi32>
        %gather3A_541 = tpu.vector_load_idx %arg20[%add3A_540] : memref<6816xf32, #tpu.memory_space<vmem>>[vector<16xi32>], vector<16xf32>,
        %add3A_542 = arith.addf %add3A_522, %gather3A_541 : vector<16xf32>
        %add3A_543 = arith.constant 13 : i32
        %add3A_544 = vector.broadcast %add3A_543 : i32 to vector<16xi32>
        %add3A_545 = arith.addi %mul3A_469, %add3A_544 : vector<16xi32>
        %gather3A_546 = tpu.vector_load_idx %arg20[%add3A_545] : memref<6816xf32, #tpu.memory_space<vmem>>[vector<16xi32>], vector<16xf32>,
        %add3A_547 = arith.addf %add3A_527, %gather3A_546 : vector<16xf32>
        %add3A_548 = arith.constant 14 : i32
        %add3A_549 = vector.broadcast %add3A_548 : i32 to vector<16xi32>
        %add3A_550 = arith.addi %mul3A_469, %add3A_549 : vector<16xi32>
        %gather3A_551 = tpu.vector_load_idx %arg20[%add3A_550] : memref<6816xf32, #tpu.memory_space<vmem>>[vector<16xi32>], vector<16xf32>,
        %add3A_552 = arith.addf %add3A_532, %gather3A_551 : vector<16xf32>
        %add3A_553 = arith.constant 15 : i32
        %add3A_554 = vector.broadcast %add3A_553 : i32 to vector<16xi32>
        %add3A_555 = arith.addi %mul3A_469, %add3A_554 : vector<16xi32>
        %gather3A_556 = tpu.vector_load_idx %arg20[%add3A_555] : memref<6816xf32, #tpu.memory_space<vmem>>[vector<16xi32>], vector<16xf32>,
        %add3A_557 = arith.addf %add3A_537, %gather3A_556 : vector<16xf32>
        %add3A_558 = arith.addf %add3A_542, %add3A_547 : vector<16xf32>
        %add3A_559 = arith.addf %add3A_552, %add3A_557 : vector<16xf32>
        %add3A_560 = arith.addf %add3A_558, %add3A_559 : vector<16xf32>
        tpu.vector_store_idx %arg21[%min3A_466], %add3A_560 : memref<416xf32, #tpu.memory_space<vmem>>[vector<16xi32>], vector<16xf32>,
        %add3A_561 = arith.constant 32 : i32
        %add3A_562 = arith.addi %mul3A_353, %add3A_561 : i32
        %add3A_563 = vector.broadcast %add3A_562 : i32 to vector<16xi32>
        %add3A_564 = arith.addi %add3A_563, %iota3A : vector<16xi32>
        %min3A_565 = vector.broadcast %add3A_355 : i32 to vector<16xi32>
        %min3A_566 = arith.minsi %add3A_564, %min3A_565 : vector<16xi32>
        %mul3A_567 = arith.constant 17 : i32
        %mul3A_568 = vector.broadcast %mul3A_567 : i32 to vector<16xi32>
        %mul3A_569 = arith.muli %min3A_566, %mul3A_568 : vector<16xi32>
        %gather3A_570 = tpu.vector_load_idx %arg12[%min3A_566] : memref<400xf32, #tpu.memory_space<vmem>>[vector<16xi32>], vector<16xf32>,
        %add3A_571 = arith.addf %gather3A_570, %gather3A : vector<16xf32>
        %broadcast_in_dim3A_572 = arith.constant 0.000000e+00 : f32
        %broadcast_in_dim3A_573 = vector.broadcast %broadcast_in_dim3A_572 : f32 to vector<16xf32>
        %broadcast_in_dim3A_574 = arith.constant 0.000000e+00 : f32
        %broadcast_in_dim3A_575 = vector.broadcast %broadcast_in_dim3A_574 : f32 to vector<16xf32>
        %broadcast_in_dim3A_576 = arith.constant 0.000000e+00 : f32
        %broadcast_in_dim3A_577 = vector.broadcast %broadcast_in_dim3A_576 : f32 to vector<16xf32>
        %add3A_578 = arith.constant 0 : i32
        %add3A_579 = vector.broadcast %add3A_578 : i32 to vector<16xi32>
        %add3A_580 = arith.addi %mul3A_569, %add3A_579 : vector<16xi32>
        %gather3A_581 = tpu.vector_load_idx %arg20[%add3A_580] : memref<6816xf32, #tpu.memory_space<vmem>>[vector<16xi32>], vector<16xf32>,
        %add3A_582 = arith.addf %add3A_571, %gather3A_581 : vector<16xf32>
        %add3A_583 = arith.constant 1 : i32
        %add3A_584 = vector.broadcast %add3A_583 : i32 to vector<16xi32>
        %add3A_585 = arith.addi %mul3A_569, %add3A_584 : vector<16xi32>
        %gather3A_586 = tpu.vector_load_idx %arg20[%add3A_585] : memref<6816xf32, #tpu.memory_space<vmem>>[vector<16xi32>], vector<16xf32>,
        %add3A_587 = arith.addf %broadcast_in_dim3A_573, %gather3A_586 : vector<16xf32>
        %add3A_588 = arith.constant 2 : i32
        %add3A_589 = vector.broadcast %add3A_588 : i32 to vector<16xi32>
        %add3A_590 = arith.addi %mul3A_569, %add3A_589 : vector<16xi32>
        %gather3A_591 = tpu.vector_load_idx %arg20[%add3A_590] : memref<6816xf32, #tpu.memory_space<vmem>>[vector<16xi32>], vector<16xf32>,
        %add3A_592 = arith.addf %broadcast_in_dim3A_575, %gather3A_591 : vector<16xf32>
        %add3A_593 = arith.constant 3 : i32
        %add3A_594 = vector.broadcast %add3A_593 : i32 to vector<16xi32>
        %add3A_595 = arith.addi %mul3A_569, %add3A_594 : vector<16xi32>
        %gather3A_596 = tpu.vector_load_idx %arg20[%add3A_595] : memref<6816xf32, #tpu.memory_space<vmem>>[vector<16xi32>], vector<16xf32>,
        %add3A_597 = arith.addf %broadcast_in_dim3A_577, %gather3A_596 : vector<16xf32>
        %add3A_598 = arith.constant 4 : i32
        %add3A_599 = vector.broadcast %add3A_598 : i32 to vector<16xi32>
        %add3A_600 = arith.addi %mul3A_569, %add3A_599 : vector<16xi32>
        %gather3A_601 = tpu.vector_load_idx %arg20[%add3A_600] : memref<6816xf32, #tpu.memory_space<vmem>>[vector<16xi32>], vector<16xf32>,
        %add3A_602 = arith.addf %add3A_582, %gather3A_601 : vector<16xf32>
        %add3A_603 = arith.constant 5 : i32
        %add3A_604 = vector.broadcast %add3A_603 : i32 to vector<16xi32>
        %add3A_605 = arith.addi %mul3A_569, %add3A_604 : vector<16xi32>
        %gather3A_606 = tpu.vector_load_idx %arg20[%add3A_605] : memref<6816xf32, #tpu.memory_space<vmem>>[vector<16xi32>], vector<16xf32>,
        %add3A_607 = arith.addf %add3A_587, %gather3A_606 : vector<16xf32>
        %add3A_608 = arith.constant 6 : i32
        %add3A_609 = vector.broadcast %add3A_608 : i32 to vector<16xi32>
        %add3A_610 = arith.addi %mul3A_569, %add3A_609 : vector<16xi32>
        %gather3A_611 = tpu.vector_load_idx %arg20[%add3A_610] : memref<6816xf32, #tpu.memory_space<vmem>>[vector<16xi32>], vector<16xf32>,
        %add3A_612 = arith.addf %add3A_592, %gather3A_611 : vector<16xf32>
        %add3A_613 = arith.constant 7 : i32
        %add3A_614 = vector.broadcast %add3A_613 : i32 to vector<16xi32>
        %add3A_615 = arith.addi %mul3A_569, %add3A_614 : vector<16xi32>
        %gather3A_616 = tpu.vector_load_idx %arg20[%add3A_615] : memref<6816xf32, #tpu.memory_space<vmem>>[vector<16xi32>], vector<16xf32>,
        %add3A_617 = arith.addf %add3A_597, %gather3A_616 : vector<16xf32>
        %add3A_618 = arith.constant 8 : i32
        %add3A_619 = vector.broadcast %add3A_618 : i32 to vector<16xi32>
        %add3A_620 = arith.addi %mul3A_569, %add3A_619 : vector<16xi32>
        %gather3A_621 = tpu.vector_load_idx %arg20[%add3A_620] : memref<6816xf32, #tpu.memory_space<vmem>>[vector<16xi32>], vector<16xf32>,
        %add3A_622 = arith.addf %add3A_602, %gather3A_621 : vector<16xf32>
        %add3A_623 = arith.constant 9 : i32
        %add3A_624 = vector.broadcast %add3A_623 : i32 to vector<16xi32>
        %add3A_625 = arith.addi %mul3A_569, %add3A_624 : vector<16xi32>
        %gather3A_626 = tpu.vector_load_idx %arg20[%add3A_625] : memref<6816xf32, #tpu.memory_space<vmem>>[vector<16xi32>], vector<16xf32>,
        %add3A_627 = arith.addf %add3A_607, %gather3A_626 : vector<16xf32>
        %add3A_628 = arith.constant 10 : i32
        %add3A_629 = vector.broadcast %add3A_628 : i32 to vector<16xi32>
        %add3A_630 = arith.addi %mul3A_569, %add3A_629 : vector<16xi32>
        %gather3A_631 = tpu.vector_load_idx %arg20[%add3A_630] : memref<6816xf32, #tpu.memory_space<vmem>>[vector<16xi32>], vector<16xf32>,
        %add3A_632 = arith.addf %add3A_612, %gather3A_631 : vector<16xf32>
        %add3A_633 = arith.constant 11 : i32
        %add3A_634 = vector.broadcast %add3A_633 : i32 to vector<16xi32>
        %add3A_635 = arith.addi %mul3A_569, %add3A_634 : vector<16xi32>
        %gather3A_636 = tpu.vector_load_idx %arg20[%add3A_635] : memref<6816xf32, #tpu.memory_space<vmem>>[vector<16xi32>], vector<16xf32>,
        %add3A_637 = arith.addf %add3A_617, %gather3A_636 : vector<16xf32>
        %add3A_638 = arith.constant 12 : i32
        %add3A_639 = vector.broadcast %add3A_638 : i32 to vector<16xi32>
        %add3A_640 = arith.addi %mul3A_569, %add3A_639 : vector<16xi32>
        %gather3A_641 = tpu.vector_load_idx %arg20[%add3A_640] : memref<6816xf32, #tpu.memory_space<vmem>>[vector<16xi32>], vector<16xf32>,
        %add3A_642 = arith.addf %add3A_622, %gather3A_641 : vector<16xf32>
        %add3A_643 = arith.constant 13 : i32
        %add3A_644 = vector.broadcast %add3A_643 : i32 to vector<16xi32>
        %add3A_645 = arith.addi %mul3A_569, %add3A_644 : vector<16xi32>
        %gather3A_646 = tpu.vector_load_idx %arg20[%add3A_645] : memref<6816xf32, #tpu.memory_space<vmem>>[vector<16xi32>], vector<16xf32>,
        %add3A_647 = arith.addf %add3A_627, %gather3A_646 : vector<16xf32>
        %add3A_648 = arith.constant 14 : i32
        %add3A_649 = vector.broadcast %add3A_648 : i32 to vector<16xi32>
        %add3A_650 = arith.addi %mul3A_569, %add3A_649 : vector<16xi32>
        %gather3A_651 = tpu.vector_load_idx %arg20[%add3A_650] : memref<6816xf32, #tpu.memory_space<vmem>>[vector<16xi32>], vector<16xf32>,
        %add3A_652 = arith.addf %add3A_632, %gather3A_651 : vector<16xf32>
        %add3A_653 = arith.constant 15 : i32
        %add3A_654 = vector.broadcast %add3A_653 : i32 to vector<16xi32>
        %add3A_655 = arith.addi %mul3A_569, %add3A_654 : vector<16xi32>
        %gather3A_656 = tpu.vector_load_idx %arg20[%add3A_655] : memref<6816xf32, #tpu.memory_space<vmem>>[vector<16xi32>], vector<16xf32>,
        %add3A_657 = arith.addf %add3A_637, %gather3A_656 : vector<16xf32>
        %add3A_658 = arith.addf %add3A_642, %add3A_647 : vector<16xf32>
        %add3A_659 = arith.addf %add3A_652, %add3A_657 : vector<16xf32>
        %add3A_660 = arith.addf %add3A_658, %add3A_659 : vector<16xf32>
        tpu.vector_store_idx %arg21[%min3A_566], %add3A_660 : memref<416xf32, #tpu.memory_space<vmem>>[vector<16xi32>], vector<16xf32>,
        %add3A_661 = arith.constant 48 : i32
        %add3A_662 = arith.addi %mul3A_353, %add3A_661 : i32
        %add3A_663 = vector.broadcast %add3A_662 : i32 to vector<16xi32>
        %add3A_664 = arith.addi %add3A_663, %iota3A : vector<16xi32>
        %min3A_665 = vector.broadcast %add3A_355 : i32 to vector<16xi32>
        %min3A_666 = arith.minsi %add3A_664, %min3A_665 : vector<16xi32>
        %mul3A_667 = arith.constant 17 : i32
        %mul3A_668 = vector.broadcast %mul3A_667 : i32 to vector<16xi32>
        %mul3A_669 = arith.muli %min3A_666, %mul3A_668 : vector<16xi32>
        %gather3A_670 = tpu.vector_load_idx %arg12[%min3A_666] : memref<400xf32, #tpu.memory_space<vmem>>[vector<16xi32>], vector<16xf32>,
        %add3A_671 = arith.addf %gather3A_670, %gather3A : vector<16xf32>
        %broadcast_in_dim3A_672 = arith.constant 0.000000e+00 : f32
        %broadcast_in_dim3A_673 = vector.broadcast %broadcast_in_dim3A_672 : f32 to vector<16xf32>
        %broadcast_in_dim3A_674 = arith.constant 0.000000e+00 : f32
        %broadcast_in_dim3A_675 = vector.broadcast %broadcast_in_dim3A_674 : f32 to vector<16xf32>
        %broadcast_in_dim3A_676 = arith.constant 0.000000e+00 : f32
        %broadcast_in_dim3A_677 = vector.broadcast %broadcast_in_dim3A_676 : f32 to vector<16xf32>
        %add3A_678 = arith.constant 0 : i32
        %add3A_679 = vector.broadcast %add3A_678 : i32 to vector<16xi32>
        %add3A_680 = arith.addi %mul3A_669, %add3A_679 : vector<16xi32>
        %gather3A_681 = tpu.vector_load_idx %arg20[%add3A_680] : memref<6816xf32, #tpu.memory_space<vmem>>[vector<16xi32>], vector<16xf32>,
        %add3A_682 = arith.addf %add3A_671, %gather3A_681 : vector<16xf32>
        %add3A_683 = arith.constant 1 : i32
        %add3A_684 = vector.broadcast %add3A_683 : i32 to vector<16xi32>
        %add3A_685 = arith.addi %mul3A_669, %add3A_684 : vector<16xi32>
        %gather3A_686 = tpu.vector_load_idx %arg20[%add3A_685] : memref<6816xf32, #tpu.memory_space<vmem>>[vector<16xi32>], vector<16xf32>,
        %add3A_687 = arith.addf %broadcast_in_dim3A_673, %gather3A_686 : vector<16xf32>
        %add3A_688 = arith.constant 2 : i32
        %add3A_689 = vector.broadcast %add3A_688 : i32 to vector<16xi32>
        %add3A_690 = arith.addi %mul3A_669, %add3A_689 : vector<16xi32>
        %gather3A_691 = tpu.vector_load_idx %arg20[%add3A_690] : memref<6816xf32, #tpu.memory_space<vmem>>[vector<16xi32>], vector<16xf32>,
        %add3A_692 = arith.addf %broadcast_in_dim3A_675, %gather3A_691 : vector<16xf32>
        %add3A_693 = arith.constant 3 : i32
        %add3A_694 = vector.broadcast %add3A_693 : i32 to vector<16xi32>
        %add3A_695 = arith.addi %mul3A_669, %add3A_694 : vector<16xi32>
        %gather3A_696 = tpu.vector_load_idx %arg20[%add3A_695] : memref<6816xf32, #tpu.memory_space<vmem>>[vector<16xi32>], vector<16xf32>,
        %add3A_697 = arith.addf %broadcast_in_dim3A_677, %gather3A_696 : vector<16xf32>
        %add3A_698 = arith.constant 4 : i32
        %add3A_699 = vector.broadcast %add3A_698 : i32 to vector<16xi32>
        %add3A_700 = arith.addi %mul3A_669, %add3A_699 : vector<16xi32>
        %gather3A_701 = tpu.vector_load_idx %arg20[%add3A_700] : memref<6816xf32, #tpu.memory_space<vmem>>[vector<16xi32>], vector<16xf32>,
        %add3A_702 = arith.addf %add3A_682, %gather3A_701 : vector<16xf32>
        %add3A_703 = arith.constant 5 : i32
        %add3A_704 = vector.broadcast %add3A_703 : i32 to vector<16xi32>
        %add3A_705 = arith.addi %mul3A_669, %add3A_704 : vector<16xi32>
        %gather3A_706 = tpu.vector_load_idx %arg20[%add3A_705] : memref<6816xf32, #tpu.memory_space<vmem>>[vector<16xi32>], vector<16xf32>,
        %add3A_707 = arith.addf %add3A_687, %gather3A_706 : vector<16xf32>
        %add3A_708 = arith.constant 6 : i32
        %add3A_709 = vector.broadcast %add3A_708 : i32 to vector<16xi32>
        %add3A_710 = arith.addi %mul3A_669, %add3A_709 : vector<16xi32>
        %gather3A_711 = tpu.vector_load_idx %arg20[%add3A_710] : memref<6816xf32, #tpu.memory_space<vmem>>[vector<16xi32>], vector<16xf32>,
        %add3A_712 = arith.addf %add3A_692, %gather3A_711 : vector<16xf32>
        %add3A_713 = arith.constant 7 : i32
        %add3A_714 = vector.broadcast %add3A_713 : i32 to vector<16xi32>
        %add3A_715 = arith.addi %mul3A_669, %add3A_714 : vector<16xi32>
        %gather3A_716 = tpu.vector_load_idx %arg20[%add3A_715] : memref<6816xf32, #tpu.memory_space<vmem>>[vector<16xi32>], vector<16xf32>,
        %add3A_717 = arith.addf %add3A_697, %gather3A_716 : vector<16xf32>
        %add3A_718 = arith.constant 8 : i32
        %add3A_719 = vector.broadcast %add3A_718 : i32 to vector<16xi32>
        %add3A_720 = arith.addi %mul3A_669, %add3A_719 : vector<16xi32>
        %gather3A_721 = tpu.vector_load_idx %arg20[%add3A_720] : memref<6816xf32, #tpu.memory_space<vmem>>[vector<16xi32>], vector<16xf32>,
        %add3A_722 = arith.addf %add3A_702, %gather3A_721 : vector<16xf32>
        %add3A_723 = arith.constant 9 : i32
        %add3A_724 = vector.broadcast %add3A_723 : i32 to vector<16xi32>
        %add3A_725 = arith.addi %mul3A_669, %add3A_724 : vector<16xi32>
        %gather3A_726 = tpu.vector_load_idx %arg20[%add3A_725] : memref<6816xf32, #tpu.memory_space<vmem>>[vector<16xi32>], vector<16xf32>,
        %add3A_727 = arith.addf %add3A_707, %gather3A_726 : vector<16xf32>
        %add3A_728 = arith.constant 10 : i32
        %add3A_729 = vector.broadcast %add3A_728 : i32 to vector<16xi32>
        %add3A_730 = arith.addi %mul3A_669, %add3A_729 : vector<16xi32>
        %gather3A_731 = tpu.vector_load_idx %arg20[%add3A_730] : memref<6816xf32, #tpu.memory_space<vmem>>[vector<16xi32>], vector<16xf32>,
        %add3A_732 = arith.addf %add3A_712, %gather3A_731 : vector<16xf32>
        %add3A_733 = arith.constant 11 : i32
        %add3A_734 = vector.broadcast %add3A_733 : i32 to vector<16xi32>
        %add3A_735 = arith.addi %mul3A_669, %add3A_734 : vector<16xi32>
        %gather3A_736 = tpu.vector_load_idx %arg20[%add3A_735] : memref<6816xf32, #tpu.memory_space<vmem>>[vector<16xi32>], vector<16xf32>,
        %add3A_737 = arith.addf %add3A_717, %gather3A_736 : vector<16xf32>
        %add3A_738 = arith.constant 12 : i32
        %add3A_739 = vector.broadcast %add3A_738 : i32 to vector<16xi32>
        %add3A_740 = arith.addi %mul3A_669, %add3A_739 : vector<16xi32>
        %gather3A_741 = tpu.vector_load_idx %arg20[%add3A_740] : memref<6816xf32, #tpu.memory_space<vmem>>[vector<16xi32>], vector<16xf32>,
        %add3A_742 = arith.addf %add3A_722, %gather3A_741 : vector<16xf32>
        %add3A_743 = arith.constant 13 : i32
        %add3A_744 = vector.broadcast %add3A_743 : i32 to vector<16xi32>
        %add3A_745 = arith.addi %mul3A_669, %add3A_744 : vector<16xi32>
        %gather3A_746 = tpu.vector_load_idx %arg20[%add3A_745] : memref<6816xf32, #tpu.memory_space<vmem>>[vector<16xi32>], vector<16xf32>,
        %add3A_747 = arith.addf %add3A_727, %gather3A_746 : vector<16xf32>
        %add3A_748 = arith.constant 14 : i32
        %add3A_749 = vector.broadcast %add3A_748 : i32 to vector<16xi32>
        %add3A_750 = arith.addi %mul3A_669, %add3A_749 : vector<16xi32>
        %gather3A_751 = tpu.vector_load_idx %arg20[%add3A_750] : memref<6816xf32, #tpu.memory_space<vmem>>[vector<16xi32>], vector<16xf32>,
        %add3A_752 = arith.addf %add3A_732, %gather3A_751 : vector<16xf32>
        %add3A_753 = arith.constant 15 : i32
        %add3A_754 = vector.broadcast %add3A_753 : i32 to vector<16xi32>
        %add3A_755 = arith.addi %mul3A_669, %add3A_754 : vector<16xi32>
        %gather3A_756 = tpu.vector_load_idx %arg20[%add3A_755] : memref<6816xf32, #tpu.memory_space<vmem>>[vector<16xi32>], vector<16xf32>,
        %add3A_757 = arith.addf %add3A_737, %gather3A_756 : vector<16xf32>
        %add3A_758 = arith.addf %add3A_742, %add3A_747 : vector<16xf32>
        %add3A_759 = arith.addf %add3A_752, %add3A_757 : vector<16xf32>
        %add3A_760 = arith.addf %add3A_758, %add3A_759 : vector<16xf32>
        %le3A = vector.broadcast %add3A_355 : i32 to vector<16xi32>
        %le3A_761 = arith.cmpi sle, %add3A_664, %le3A : vector<16xi32>
        tpu.vector_store_idx %arg21[%min3A_666], %add3A_760 masked %le3A_761 : memref<416xf32, #tpu.memory_space<vmem>>[vector<16xi32>], vector<16xf32>, vector<16xi1>
      }
      %scan3A_235 = arith.constant 8 : i32
      %mul3A_236 = arith.constant 50 : i32
      %mul3A_237 = arith.muli %add3A_75, %mul3A_236 : i32
      "tpu.region"() ({
        %run_scoped3A = tpu.sem_alloc : memref<!tpu.dma_semaphore, #tpu.memory_space<semaphore_mem>>
        %dma_start3A_340 = arith.constant 0 : i32
        %dma_start3A_341 = tpu.memref_slice %arg21[%dma_start3A_340] : memref<416xf32, #tpu.memory_space<vmem>> -> memref<400xf32, #tpu.memory_space<vmem>>
        %dma_start3A_342 = tpu.memref_slice %arg7[%mul3A_237] : memref<819200xf32, #tpu.memory_space<hbm>> -> memref<400xf32, #tpu.memory_space<hbm>>
        %dma_start3A_343 = tpu.memref_slice %arg7[%mul3A_237] : memref<819200xf32, #tpu.memory_space<hbm>> -> memref<400xf32, #tpu.memory_space<hbm>>
        %dma_start3A_344 = arith.constant 0 : i32
        %dma_start3A_345 = tpu.memref_slice %arg21[%dma_start3A_344] : memref<416xf32, #tpu.memory_space<vmem>> -> memref<400xf32, #tpu.memory_space<vmem>>
        tpu.enqueue_dma source(%dma_start3A_345 : memref<400xf32, #tpu.memory_space<vmem>>) target(%dma_start3A_343 : memref<400xf32, #tpu.memory_space<hbm>>) target_semaphore(%run_scoped3A : memref<!tpu.dma_semaphore, #tpu.memory_space<semaphore_mem>>)
        %dma_wait3A_346 = arith.constant 0 : i32
        %dma_wait3A_347 = tpu.memref_slice %arg21[%dma_wait3A_346] : memref<416xf32, #tpu.memory_space<vmem>> -> memref<400xf32, #tpu.memory_space<vmem>>
        %dma_wait3A_348 = tpu.memref_slice %arg7[%mul3A_237] : memref<819200xf32, #tpu.memory_space<hbm>> -> memref<400xf32, #tpu.memory_space<hbm>>
        %dma_wait3A_349 = tpu.memref_slice %arg7[%mul3A_237] : memref<819200xf32, #tpu.memory_space<hbm>> -> memref<400xf32, #tpu.memory_space<hbm>>
        %dma_wait3A_350 = arith.constant 0 : i32
        %dma_wait3A_351 = tpu.memref_slice %arg21[%dma_wait3A_350] : memref<416xf32, #tpu.memory_space<vmem>> -> memref<400xf32, #tpu.memory_space<vmem>>
        tpu.wait_dma2 semaphore(%run_scoped3A : memref<!tpu.dma_semaphore, #tpu.memory_space<semaphore_mem>>) src(%dma_wait3A_351 : memref<400xf32, #tpu.memory_space<vmem>>) dst(%dma_wait3A_349 : memref<400xf32, #tpu.memory_space<hbm>>)
        tpu.yield
      }) : () -> ()
      %lt3A = arith.constant 31 : i32
      %lt3A_238 = arith.cmpi slt, %scan3A_70, %lt3A : i32
      %convert_element_type3A = arith.extui %lt3A_238 : i1 to i32
      %cond3A = arith.constant 0 : i32
      %cond3A_239 = arith.cmpi ne, %convert_element_type3A, %cond3A : i32
      scf.if %cond3A_239 {
        %add3A_340 = arith.constant 16 : i32
        %add3A_341 = arith.addi %add3A_75, %add3A_340 : i32
        "tpu.region"() ({
          %run_scoped3A = tpu.sem_alloc : memref<!tpu.dma_semaphore, #tpu.memory_space<semaphore_mem>>
          %dma_start3A_405 = tpu.memref_slice %arg2[%add3A_341] : memref<16384xi32, #tpu.memory_space<hbm>> -> memref<8xi32, #tpu.memory_space<hbm>>
          %dma_start3A_406 = tpu.memref_slice %arg2[%add3A_341] : memref<16384xi32, #tpu.memory_space<hbm>> -> memref<8xi32, #tpu.memory_space<hbm>>
          tpu.enqueue_dma source(%dma_start3A_406 : memref<8xi32, #tpu.memory_space<hbm>>) target(%arg8 : memref<8xi32, #tpu.memory_space<vmem>>) target_semaphore(%run_scoped3A : memref<!tpu.dma_semaphore, #tpu.memory_space<semaphore_mem>>)
          %dma_wait3A_407 = tpu.memref_slice %arg2[%add3A_341] : memref<16384xi32, #tpu.memory_space<hbm>> -> memref<8xi32, #tpu.memory_space<hbm>>
          %dma_wait3A_408 = tpu.memref_slice %arg2[%add3A_341] : memref<16384xi32, #tpu.memory_space<hbm>> -> memref<8xi32, #tpu.memory_space<hbm>>
          tpu.wait_dma2 semaphore(%run_scoped3A : memref<!tpu.dma_semaphore, #tpu.memory_space<semaphore_mem>>) src(%dma_wait3A_408 : memref<8xi32, #tpu.memory_space<hbm>>) dst(%arg8 : memref<8xi32, #tpu.memory_space<vmem>>)
          tpu.yield
        }) : () -> ()
        %mul3A_342 = arith.constant 50 : i32
        %mul3A_343 = arith.muli %add3A_341, %mul3A_342 : i32
        "tpu.region"() ({
          %run_scoped3A = tpu.sem_alloc : memref<!tpu.dma_semaphore, #tpu.memory_space<semaphore_mem>>
          %dma_start3A_405 = tpu.memref_slice %arg3[%mul3A_343] : memref<819200xi32, #tpu.memory_space<hbm>> -> memref<400xi32, #tpu.memory_space<hbm>>
          %dma_start3A_406 = tpu.memref_slice %arg3[%mul3A_343] : memref<819200xi32, #tpu.memory_space<hbm>> -> memref<400xi32, #tpu.memory_space<hbm>>
          tpu.enqueue_dma source(%dma_start3A_406 : memref<400xi32, #tpu.memory_space<hbm>>) target(%arg9 : memref<400xi32, #tpu.memory_space<vmem>>) target_semaphore(%run_scoped3A : memref<!tpu.dma_semaphore, #tpu.memory_space<semaphore_mem>>)
          %dma_wait3A_407 = tpu.memref_slice %arg3[%mul3A_343] : memref<819200xi32, #tpu.memory_space<hbm>> -> memref<400xi32, #tpu.memory_space<hbm>>
          %dma_wait3A_408 = tpu.memref_slice %arg3[%mul3A_343] : memref<819200xi32, #tpu.memory_space<hbm>> -> memref<400xi32, #tpu.memory_space<hbm>>
          tpu.wait_dma2 semaphore(%run_scoped3A : memref<!tpu.dma_semaphore, #tpu.memory_space<semaphore_mem>>) src(%dma_wait3A_408 : memref<400xi32, #tpu.memory_space<hbm>>) dst(%arg9 : memref<400xi32, #tpu.memory_space<vmem>>)
          tpu.yield
        }) : () -> ()
        %dma_start3A_344 = arith.constant 0 : i32
        %dma_start3A_345 = arith.constant 0 : i32
        %dma_start3A_346 = tpu.memref_slice %arg4[%dma_start3A_344, %dma_start3A_345] : memref<1000000x128xf32, #tpu.memory_space<hbm>> -> memref<1000000x128xf32, #tpu.memory_space<hbm>>
        tpu.enqueue_indirect_dma source(%dma_start3A_346 : memref<1000000x128xf32, #tpu.memory_space<hbm>>) target(%arg10 : memref<8x128xf32, #tpu.memory_space<vmem>>) offsets(%arg8 : memref<8xi32, #tpu.memory_space<vmem>>) semaphore(%arg22 : memref<!tpu.dma_semaphore, #tpu.memory_space<semaphore_mem>>)
        %dma_start3A_347 = arith.constant 0 : i32
        %dma_start3A_348 = tpu.memref_slice %arg6[%dma_start3A_347] : memref<1000000xf32, #tpu.memory_space<hbm>> -> memref<1000000xf32, #tpu.memory_space<hbm>>
        tpu.enqueue_indirect_dma source(%dma_start3A_348 : memref<1000000xf32, #tpu.memory_space<hbm>>) target(%arg13 : memref<8xf32, #tpu.memory_space<vmem>>) offsets(%arg8 : memref<8xi32, #tpu.memory_space<vmem>>) semaphore(%arg22 : memref<!tpu.dma_semaphore, #tpu.memory_space<semaphore_mem>>)
        %dma_start3A_349 = arith.constant 0 : i32
        %dma_start3A_350 = arith.constant 0 : i32
        %dma_start3A_351 = tpu.memref_slice %arg11[%dma_start3A_349, %dma_start3A_350] : memref<400x128xf32, #tpu.memory_space<vmem>> -> memref<128x128xf32, #tpu.memory_space<vmem>>
        %dma_start3A_352 = arith.constant 0 : i32
        %dma_start3A_353 = tpu.memref_slice %arg9[%dma_start3A_352] : memref<400xi32, #tpu.memory_space<vmem>> -> memref<128xi32, #tpu.memory_space<vmem>>
        %dma_start3A_354 = arith.constant 0 : i32
        %dma_start3A_355 = arith.constant 0 : i32
        %dma_start3A_356 = tpu.memref_slice %arg4[%dma_start3A_354, %dma_start3A_355] : memref<1000000x128xf32, #tpu.memory_space<hbm>> -> memref<1000000x128xf32, #tpu.memory_space<hbm>>
        tpu.enqueue_indirect_dma source(%dma_start3A_356 : memref<1000000x128xf32, #tpu.memory_space<hbm>>) target(%dma_start3A_351 : memref<128x128xf32, #tpu.memory_space<vmem>>) offsets(%dma_start3A_353 : memref<128xi32, #tpu.memory_space<vmem>>) semaphore(%arg22 : memref<!tpu.dma_semaphore, #tpu.memory_space<semaphore_mem>>)
        %dma_start3A_357 = arith.constant 0 : i32
        %dma_start3A_358 = tpu.memref_slice %arg12[%dma_start3A_357] : memref<400xf32, #tpu.memory_space<vmem>> -> memref<128xf32, #tpu.memory_space<vmem>>
        %dma_start3A_359 = arith.constant 0 : i32
        %dma_start3A_360 = tpu.memref_slice %arg9[%dma_start3A_359] : memref<400xi32, #tpu.memory_space<vmem>> -> memref<128xi32, #tpu.memory_space<vmem>>
        %dma_start3A_361 = arith.constant 0 : i32
        %dma_start3A_362 = tpu.memref_slice %arg5[%dma_start3A_361] : memref<1000000xf32, #tpu.memory_space<hbm>> -> memref<1000000xf32, #tpu.memory_space<hbm>>
        tpu.enqueue_indirect_dma source(%dma_start3A_362 : memref<1000000xf32, #tpu.memory_space<hbm>>) target(%dma_start3A_358 : memref<128xf32, #tpu.memory_space<vmem>>) offsets(%dma_start3A_360 : memref<128xi32, #tpu.memory_space<vmem>>) semaphore(%arg22 : memref<!tpu.dma_semaphore, #tpu.memory_space<semaphore_mem>>)
        %dma_start3A_363 = arith.constant 128 : i32
        %dma_start3A_364 = arith.constant 0 : i32
        %dma_start3A_365 = tpu.memref_slice %arg11[%dma_start3A_363, %dma_start3A_364] : memref<400x128xf32, #tpu.memory_space<vmem>> -> memref<128x128xf32, #tpu.memory_space<vmem>>
        %dma_start3A_366 = arith.constant 128 : i32
        %dma_start3A_367 = tpu.memref_slice %arg9[%dma_start3A_366] : memref<400xi32, #tpu.memory_space<vmem>> -> memref<128xi32, #tpu.memory_space<vmem>>
        %dma_start3A_368 = arith.constant 0 : i32
        %dma_start3A_369 = arith.constant 0 : i32
        %dma_start3A_370 = tpu.memref_slice %arg4[%dma_start3A_368, %dma_start3A_369] : memref<1000000x128xf32, #tpu.memory_space<hbm>> -> memref<1000000x128xf32, #tpu.memory_space<hbm>>
        tpu.enqueue_indirect_dma source(%dma_start3A_370 : memref<1000000x128xf32, #tpu.memory_space<hbm>>) target(%dma_start3A_365 : memref<128x128xf32, #tpu.memory_space<vmem>>) offsets(%dma_start3A_367 : memref<128xi32, #tpu.memory_space<vmem>>) semaphore(%arg22 : memref<!tpu.dma_semaphore, #tpu.memory_space<semaphore_mem>>)
        %dma_start3A_371 = arith.constant 128 : i32
        %dma_start3A_372 = tpu.memref_slice %arg12[%dma_start3A_371] : memref<400xf32, #tpu.memory_space<vmem>> -> memref<128xf32, #tpu.memory_space<vmem>>
        %dma_start3A_373 = arith.constant 128 : i32
        %dma_start3A_374 = tpu.memref_slice %arg9[%dma_start3A_373] : memref<400xi32, #tpu.memory_space<vmem>> -> memref<128xi32, #tpu.memory_space<vmem>>
        %dma_start3A_375 = arith.constant 0 : i32
        %dma_start3A_376 = tpu.memref_slice %arg5[%dma_start3A_375] : memref<1000000xf32, #tpu.memory_space<hbm>> -> memref<1000000xf32, #tpu.memory_space<hbm>>
        tpu.enqueue_indirect_dma source(%dma_start3A_376 : memref<1000000xf32, #tpu.memory_space<hbm>>) target(%dma_start3A_372 : memref<128xf32, #tpu.memory_space<vmem>>) offsets(%dma_start3A_374 : memref<128xi32, #tpu.memory_space<vmem>>) semaphore(%arg22 : memref<!tpu.dma_semaphore, #tpu.memory_space<semaphore_mem>>)
        %dma_start3A_377 = arith.constant 256 : i32
        %dma_start3A_378 = arith.constant 0 : i32
        %dma_start3A_379 = tpu.memref_slice %arg11[%dma_start3A_377, %dma_start3A_378] : memref<400x128xf32, #tpu.memory_space<vmem>> -> memref<128x128xf32, #tpu.memory_space<vmem>>
        %dma_start3A_380 = arith.constant 256 : i32
        %dma_start3A_381 = tpu.memref_slice %arg9[%dma_start3A_380] : memref<400xi32, #tpu.memory_space<vmem>> -> memref<128xi32, #tpu.memory_space<vmem>>
        %dma_start3A_382 = arith.constant 0 : i32
        %dma_start3A_383 = arith.constant 0 : i32
        %dma_start3A_384 = tpu.memref_slice %arg4[%dma_start3A_382, %dma_start3A_383] : memref<1000000x128xf32, #tpu.memory_space<hbm>> -> memref<1000000x128xf32, #tpu.memory_space<hbm>>
        tpu.enqueue_indirect_dma source(%dma_start3A_384 : memref<1000000x128xf32, #tpu.memory_space<hbm>>) target(%dma_start3A_379 : memref<128x128xf32, #tpu.memory_space<vmem>>) offsets(%dma_start3A_381 : memref<128xi32, #tpu.memory_space<vmem>>) semaphore(%arg22 : memref<!tpu.dma_semaphore, #tpu.memory_space<semaphore_mem>>)
        %dma_start3A_385 = arith.constant 256 : i32
        %dma_start3A_386 = tpu.memref_slice %arg12[%dma_start3A_385] : memref<400xf32, #tpu.memory_space<vmem>> -> memref<128xf32, #tpu.memory_space<vmem>>
        %dma_start3A_387 = arith.constant 256 : i32
        %dma_start3A_388 = tpu.memref_slice %arg9[%dma_start3A_387] : memref<400xi32, #tpu.memory_space<vmem>> -> memref<128xi32, #tpu.memory_space<vmem>>
        %dma_start3A_389 = arith.constant 0 : i32
        %dma_start3A_390 = tpu.memref_slice %arg5[%dma_start3A_389] : memref<1000000xf32, #tpu.memory_space<hbm>> -> memref<1000000xf32, #tpu.memory_space<hbm>>
        tpu.enqueue_indirect_dma source(%dma_start3A_390 : memref<1000000xf32, #tpu.memory_space<hbm>>) target(%dma_start3A_386 : memref<128xf32, #tpu.memory_space<vmem>>) offsets(%dma_start3A_388 : memref<128xi32, #tpu.memory_space<vmem>>) semaphore(%arg22 : memref<!tpu.dma_semaphore, #tpu.memory_space<semaphore_mem>>)
        %dma_start3A_391 = arith.constant 384 : i32
        %dma_start3A_392 = arith.constant 0 : i32
        %dma_start3A_393 = tpu.memref_slice %arg11[%dma_start3A_391, %dma_start3A_392] : memref<400x128xf32, #tpu.memory_space<vmem>> -> memref<16x128xf32, #tpu.memory_space<vmem>>
        %dma_start3A_394 = arith.constant 384 : i32
        %dma_start3A_395 = tpu.memref_slice %arg9[%dma_start3A_394] : memref<400xi32, #tpu.memory_space<vmem>> -> memref<16xi32, #tpu.memory_space<vmem>>
        %dma_start3A_396 = arith.constant 0 : i32
        %dma_start3A_397 = arith.constant 0 : i32
        %dma_start3A_398 = tpu.memref_slice %arg4[%dma_start3A_396, %dma_start3A_397] : memref<1000000x128xf32, #tpu.memory_space<hbm>> -> memref<1000000x128xf32, #tpu.memory_space<hbm>>
        tpu.enqueue_indirect_dma source(%dma_start3A_398 : memref<1000000x128xf32, #tpu.memory_space<hbm>>) target(%dma_start3A_393 : memref<16x128xf32, #tpu.memory_space<vmem>>) offsets(%dma_start3A_395 : memref<16xi32, #tpu.memory_space<vmem>>) semaphore(%arg22 : memref<!tpu.dma_semaphore, #tpu.memory_space<semaphore_mem>>)
        %dma_start3A_399 = arith.constant 384 : i32
        %dma_start3A_400 = tpu.memref_slice %arg12[%dma_start3A_399] : memref<400xf32, #tpu.memory_space<vmem>> -> memref<16xf32, #tpu.memory_space<vmem>>
        %dma_start3A_401 = arith.constant 384 : i32
        %dma_start3A_402 = tpu.memref_slice %arg9[%dma_start3A_401] : memref<400xi32, #tpu.memory_space<vmem>> -> memref<16xi32, #tpu.memory_space<vmem>>
        %dma_start3A_403 = arith.constant 0 : i32
        %dma_start3A_404 = tpu.memref_slice %arg5[%dma_start3A_403] : memref<1000000xf32, #tpu.memory_space<hbm>> -> memref<1000000xf32, #tpu.memory_space<hbm>>
        tpu.enqueue_indirect_dma source(%dma_start3A_404 : memref<1000000xf32, #tpu.memory_space<hbm>>) target(%dma_start3A_400 : memref<16xf32, #tpu.memory_space<vmem>>) offsets(%dma_start3A_402 : memref<16xi32, #tpu.memory_space<vmem>>) semaphore(%arg22 : memref<!tpu.dma_semaphore, #tpu.memory_space<semaphore_mem>>)
      } else {
      }
      %dma_wait3A_240 = arith.constant 0 : i32
      %dma_wait3A_241 = arith.constant 0 : i32
      %dma_wait3A_242 = tpu.memref_slice %arg4[%dma_wait3A_240, %dma_wait3A_241] : memref<1000000x128xf32, #tpu.memory_space<hbm>> -> memref<8x128xf32, #tpu.memory_space<hbm>>
      %dma_wait3A_243 = arith.constant 0 : i32
      %dma_wait3A_244 = arith.constant 0 : i32
      %dma_wait3A_245 = tpu.memref_slice %arg4[%dma_wait3A_243, %dma_wait3A_244] : memref<1000000x128xf32, #tpu.memory_space<hbm>> -> memref<8x128xf32, #tpu.memory_space<hbm>>
      tpu.wait_dma2 semaphore(%arg23 : memref<!tpu.dma_semaphore, #tpu.memory_space<semaphore_mem>>) src(%dma_wait3A_245 : memref<8x128xf32, #tpu.memory_space<hbm>>) dst(%arg16 : memref<8x128xf32, #tpu.memory_space<vmem>>)
      %dma_wait3A_246 = arith.constant 0 : i32
      %dma_wait3A_247 = tpu.memref_slice %arg6[%dma_wait3A_246] : memref<1000000xf32, #tpu.memory_space<hbm>> -> memref<8xf32, #tpu.memory_space<hbm>>
      %dma_wait3A_248 = arith.constant 0 : i32
      %dma_wait3A_249 = tpu.memref_slice %arg6[%dma_wait3A_248] : memref<1000000xf32, #tpu.memory_space<hbm>> -> memref<8xf32, #tpu.memory_space<hbm>>
      tpu.wait_dma2 semaphore(%arg23 : memref<!tpu.dma_semaphore, #tpu.memory_space<semaphore_mem>>) src(%dma_wait3A_249 : memref<8xf32, #tpu.memory_space<hbm>>) dst(%arg19 : memref<8xf32, #tpu.memory_space<vmem>>)
      %dma_wait3A_250 = arith.constant 0 : i32
      %dma_wait3A_251 = arith.constant 0 : i32
      %dma_wait3A_252 = tpu.memref_slice %arg17[%dma_wait3A_250, %dma_wait3A_251] : memref<400x128xf32, #tpu.memory_space<vmem>> -> memref<128x128xf32, #tpu.memory_space<vmem>>
      %dma_wait3A_253 = arith.constant 0 : i32
      %dma_wait3A_254 = arith.constant 0 : i32
      %dma_wait3A_255 = tpu.memref_slice %arg4[%dma_wait3A_253, %dma_wait3A_254] : memref<1000000x128xf32, #tpu.memory_space<hbm>> -> memref<128x128xf32, #tpu.memory_space<hbm>>
      %dma_wait3A_256 = arith.constant 0 : i32
      %dma_wait3A_257 = arith.constant 0 : i32
      %dma_wait3A_258 = tpu.memref_slice %arg17[%dma_wait3A_256, %dma_wait3A_257] : memref<400x128xf32, #tpu.memory_space<vmem>> -> memref<128x128xf32, #tpu.memory_space<vmem>>
      %dma_wait3A_259 = arith.constant 0 : i32
      %dma_wait3A_260 = arith.constant 0 : i32
      %dma_wait3A_261 = tpu.memref_slice %arg4[%dma_wait3A_259, %dma_wait3A_260] : memref<1000000x128xf32, #tpu.memory_space<hbm>> -> memref<128x128xf32, #tpu.memory_space<hbm>>
      tpu.wait_dma2 semaphore(%arg23 : memref<!tpu.dma_semaphore, #tpu.memory_space<semaphore_mem>>) src(%dma_wait3A_261 : memref<128x128xf32, #tpu.memory_space<hbm>>) dst(%dma_wait3A_258 : memref<128x128xf32, #tpu.memory_space<vmem>>)
      %dma_wait3A_262 = arith.constant 0 : i32
      %dma_wait3A_263 = tpu.memref_slice %arg18[%dma_wait3A_262] : memref<400xf32, #tpu.memory_space<vmem>> -> memref<128xf32, #tpu.memory_space<vmem>>
      %dma_wait3A_264 = arith.constant 0 : i32
      %dma_wait3A_265 = tpu.memref_slice %arg5[%dma_wait3A_264] : memref<1000000xf32, #tpu.memory_space<hbm>> -> memref<128xf32, #tpu.memory_space<hbm>>
      %dma_wait3A_266 = arith.constant 0 : i32
      %dma_wait3A_267 = tpu.memref_slice %arg18[%dma_wait3A_266] : memref<400xf32, #tpu.memory_space<vmem>> -> memref<128xf32, #tpu.memory_space<vmem>>
      %dma_wait3A_268 = arith.constant 0 : i32
      %dma_wait3A_269 = tpu.memref_slice %arg5[%dma_wait3A_268] : memref<1000000xf32, #tpu.memory_space<hbm>> -> memref<128xf32, #tpu.memory_space<hbm>>
      tpu.wait_dma2 semaphore(%arg23 : memref<!tpu.dma_semaphore, #tpu.memory_space<semaphore_mem>>) src(%dma_wait3A_269 : memref<128xf32, #tpu.memory_space<hbm>>) dst(%dma_wait3A_267 : memref<128xf32, #tpu.memory_space<vmem>>)
      %dma_wait3A_270 = arith.constant 128 : i32
      %dma_wait3A_271 = arith.constant 0 : i32
      %dma_wait3A_272 = tpu.memref_slice %arg17[%dma_wait3A_270, %dma_wait3A_271] : memref<400x128xf32, #tpu.memory_space<vmem>> -> memref<128x128xf32, #tpu.memory_space<vmem>>
      %dma_wait3A_273 = arith.constant 0 : i32
      %dma_wait3A_274 = arith.constant 0 : i32
      %dma_wait3A_275 = tpu.memref_slice %arg4[%dma_wait3A_273, %dma_wait3A_274] : memref<1000000x128xf32, #tpu.memory_space<hbm>> -> memref<128x128xf32, #tpu.memory_space<hbm>>
      %dma_wait3A_276 = arith.constant 128 : i32
      %dma_wait3A_277 = arith.constant 0 : i32
      %dma_wait3A_278 = tpu.memref_slice %arg17[%dma_wait3A_276, %dma_wait3A_277] : memref<400x128xf32, #tpu.memory_space<vmem>> -> memref<128x128xf32, #tpu.memory_space<vmem>>
      %dma_wait3A_279 = arith.constant 0 : i32
      %dma_wait3A_280 = arith.constant 0 : i32
      %dma_wait3A_281 = tpu.memref_slice %arg4[%dma_wait3A_279, %dma_wait3A_280] : memref<1000000x128xf32, #tpu.memory_space<hbm>> -> memref<128x128xf32, #tpu.memory_space<hbm>>
      tpu.wait_dma2 semaphore(%arg23 : memref<!tpu.dma_semaphore, #tpu.memory_space<semaphore_mem>>) src(%dma_wait3A_281 : memref<128x128xf32, #tpu.memory_space<hbm>>) dst(%dma_wait3A_278 : memref<128x128xf32, #tpu.memory_space<vmem>>)
      %dma_wait3A_282 = arith.constant 128 : i32
      %dma_wait3A_283 = tpu.memref_slice %arg18[%dma_wait3A_282] : memref<400xf32, #tpu.memory_space<vmem>> -> memref<128xf32, #tpu.memory_space<vmem>>
      %dma_wait3A_284 = arith.constant 0 : i32
      %dma_wait3A_285 = tpu.memref_slice %arg5[%dma_wait3A_284] : memref<1000000xf32, #tpu.memory_space<hbm>> -> memref<128xf32, #tpu.memory_space<hbm>>
      %dma_wait3A_286 = arith.constant 128 : i32
      %dma_wait3A_287 = tpu.memref_slice %arg18[%dma_wait3A_286] : memref<400xf32, #tpu.memory_space<vmem>> -> memref<128xf32, #tpu.memory_space<vmem>>
      %dma_wait3A_288 = arith.constant 0 : i32
      %dma_wait3A_289 = tpu.memref_slice %arg5[%dma_wait3A_288] : memref<1000000xf32, #tpu.memory_space<hbm>> -> memref<128xf32, #tpu.memory_space<hbm>>
      tpu.wait_dma2 semaphore(%arg23 : memref<!tpu.dma_semaphore, #tpu.memory_space<semaphore_mem>>) src(%dma_wait3A_289 : memref<128xf32, #tpu.memory_space<hbm>>) dst(%dma_wait3A_287 : memref<128xf32, #tpu.memory_space<vmem>>)
      %dma_wait3A_290 = arith.constant 256 : i32
      %dma_wait3A_291 = arith.constant 0 : i32
      %dma_wait3A_292 = tpu.memref_slice %arg17[%dma_wait3A_290, %dma_wait3A_291] : memref<400x128xf32, #tpu.memory_space<vmem>> -> memref<128x128xf32, #tpu.memory_space<vmem>>
      %dma_wait3A_293 = arith.constant 0 : i32
      %dma_wait3A_294 = arith.constant 0 : i32
      %dma_wait3A_295 = tpu.memref_slice %arg4[%dma_wait3A_293, %dma_wait3A_294] : memref<1000000x128xf32, #tpu.memory_space<hbm>> -> memref<128x128xf32, #tpu.memory_space<hbm>>
      %dma_wait3A_296 = arith.constant 256 : i32
      %dma_wait3A_297 = arith.constant 0 : i32
      %dma_wait3A_298 = tpu.memref_slice %arg17[%dma_wait3A_296, %dma_wait3A_297] : memref<400x128xf32, #tpu.memory_space<vmem>> -> memref<128x128xf32, #tpu.memory_space<vmem>>
      %dma_wait3A_299 = arith.constant 0 : i32
      %dma_wait3A_300 = arith.constant 0 : i32
      %dma_wait3A_301 = tpu.memref_slice %arg4[%dma_wait3A_299, %dma_wait3A_300] : memref<1000000x128xf32, #tpu.memory_space<hbm>> -> memref<128x128xf32, #tpu.memory_space<hbm>>
      tpu.wait_dma2 semaphore(%arg23 : memref<!tpu.dma_semaphore, #tpu.memory_space<semaphore_mem>>) src(%dma_wait3A_301 : memref<128x128xf32, #tpu.memory_space<hbm>>) dst(%dma_wait3A_298 : memref<128x128xf32, #tpu.memory_space<vmem>>)
      %dma_wait3A_302 = arith.constant 256 : i32
      %dma_wait3A_303 = tpu.memref_slice %arg18[%dma_wait3A_302] : memref<400xf32, #tpu.memory_space<vmem>> -> memref<128xf32, #tpu.memory_space<vmem>>
      %dma_wait3A_304 = arith.constant 0 : i32
      %dma_wait3A_305 = tpu.memref_slice %arg5[%dma_wait3A_304] : memref<1000000xf32, #tpu.memory_space<hbm>> -> memref<128xf32, #tpu.memory_space<hbm>>
      %dma_wait3A_306 = arith.constant 256 : i32
      %dma_wait3A_307 = tpu.memref_slice %arg18[%dma_wait3A_306] : memref<400xf32, #tpu.memory_space<vmem>> -> memref<128xf32, #tpu.memory_space<vmem>>
      %dma_wait3A_308 = arith.constant 0 : i32
      %dma_wait3A_309 = tpu.memref_slice %arg5[%dma_wait3A_308] : memref<1000000xf32, #tpu.memory_space<hbm>> -> memref<128xf32, #tpu.memory_space<hbm>>
      tpu.wait_dma2 semaphore(%arg23 : memref<!tpu.dma_semaphore, #tpu.memory_space<semaphore_mem>>) src(%dma_wait3A_309 : memref<128xf32, #tpu.memory_space<hbm>>) dst(%dma_wait3A_307 : memref<128xf32, #tpu.memory_space<vmem>>)
      %dma_wait3A_310 = arith.constant 384 : i32
      %dma_wait3A_311 = arith.constant 0 : i32
      %dma_wait3A_312 = tpu.memref_slice %arg17[%dma_wait3A_310, %dma_wait3A_311] : memref<400x128xf32, #tpu.memory_space<vmem>> -> memref<16x128xf32, #tpu.memory_space<vmem>>
      %dma_wait3A_313 = arith.constant 0 : i32
      %dma_wait3A_314 = arith.constant 0 : i32
      %dma_wait3A_315 = tpu.memref_slice %arg4[%dma_wait3A_313, %dma_wait3A_314] : memref<1000000x128xf32, #tpu.memory_space<hbm>> -> memref<16x128xf32, #tpu.memory_space<hbm>>
      %dma_wait3A_316 = arith.constant 384 : i32
      %dma_wait3A_317 = arith.constant 0 : i32
      %dma_wait3A_318 = tpu.memref_slice %arg17[%dma_wait3A_316, %dma_wait3A_317] : memref<400x128xf32, #tpu.memory_space<vmem>> -> memref<16x128xf32, #tpu.memory_space<vmem>>
      %dma_wait3A_319 = arith.constant 0 : i32
      %dma_wait3A_320 = arith.constant 0 : i32
      %dma_wait3A_321 = tpu.memref_slice %arg4[%dma_wait3A_319, %dma_wait3A_320] : memref<1000000x128xf32, #tpu.memory_space<hbm>> -> memref<16x128xf32, #tpu.memory_space<hbm>>
      tpu.wait_dma2 semaphore(%arg23 : memref<!tpu.dma_semaphore, #tpu.memory_space<semaphore_mem>>) src(%dma_wait3A_321 : memref<16x128xf32, #tpu.memory_space<hbm>>) dst(%dma_wait3A_318 : memref<16x128xf32, #tpu.memory_space<vmem>>)
      %dma_wait3A_322 = arith.constant 384 : i32
      %dma_wait3A_323 = tpu.memref_slice %arg18[%dma_wait3A_322] : memref<400xf32, #tpu.memory_space<vmem>> -> memref<16xf32, #tpu.memory_space<vmem>>
      %dma_wait3A_324 = arith.constant 0 : i32
      %dma_wait3A_325 = tpu.memref_slice %arg5[%dma_wait3A_324] : memref<1000000xf32, #tpu.memory_space<hbm>> -> memref<16xf32, #tpu.memory_space<hbm>>
      %dma_wait3A_326 = arith.constant 384 : i32
      %dma_wait3A_327 = tpu.memref_slice %arg18[%dma_wait3A_326] : memref<400xf32, #tpu.memory_space<vmem>> -> memref<16xf32, #tpu.memory_space<vmem>>
      %dma_wait3A_328 = arith.constant 0 : i32
      %dma_wait3A_329 = tpu.memref_slice %arg5[%dma_wait3A_328] : memref<1000000xf32, #tpu.memory_space<hbm>> -> memref<16xf32, #tpu.memory_space<hbm>>
      tpu.wait_dma2 semaphore(%arg23 : memref<!tpu.dma_semaphore, #tpu.memory_space<semaphore_mem>>) src(%dma_wait3A_329 : memref<16xf32, #tpu.memory_space<hbm>>) dst(%dma_wait3A_327 : memref<16xf32, #tpu.memory_space<vmem>>)
      %add3A_330 = arith.constant 8 : i32
      %add3A_331 = arith.addi %add3A_75, %add3A_330 : i32
      %scan3A_332 = arith.constant 0 : i32
      %scan3A_333 = arith.constant 0 : i32
      %scan3A_334 = arith.constant 8 : i32
      %scan3A_335 = arith.addi %scan3A_333, %scan3A_334 : i32
      %scan3A_336 = arith.constant 1 : i32
      scf.for %scan3A_340 = %scan3A_333 to %scan3A_335 step %scan3A_336  : i32 {
        %get3A = arith.index_cast %scan3A_340 : i32 to index
        %get3A_341 = arith.constant 64 : index
        %get3A_342 = tpu.vector_load %arg16[%get3A, %get3A_341] {strides = array<i32>} : memref<8x128xf32, #tpu.memory_space<vmem>>, vector<16xf32>,
        %get3A_343 = arith.index_cast %scan3A_340 : i32 to index
        %get3A_344 = arith.constant 80 : index
        %get3A_345 = tpu.vector_load %arg16[%get3A_343, %get3A_344] {strides = array<i32>} : memref<8x128xf32, #tpu.memory_space<vmem>>, vector<16xf32>,
        %get3A_346 = arith.index_cast %scan3A_340 : i32 to index
        %get3A_347 = arith.constant 96 : index
        %get3A_348 = tpu.vector_load %arg16[%get3A_346, %get3A_347] {strides = array<i32>} : memref<8x128xf32, #tpu.memory_space<vmem>>, vector<16xf32>,
        %get3A_349 = arith.index_cast %scan3A_340 : i32 to index
        %get3A_350 = arith.constant 112 : index
        %get3A_351 = tpu.vector_load %arg16[%get3A_349, %get3A_350] {strides = array<i32>} : memref<8x128xf32, #tpu.memory_space<vmem>>, vector<16xf32>,
        %broadcast_in_dim3A = vector.broadcast %scan3A_340 : i32 to vector<16xi32>
        %gather3A = tpu.vector_load_idx %arg19[%broadcast_in_dim3A] : memref<8xf32, #tpu.memory_space<vmem>>[vector<16xi32>], vector<16xf32>,
        %mul3A_352 = arith.constant 50 : i32
        %mul3A_353 = arith.muli %scan3A_340, %mul3A_352 : i32
        %add3A_354 = arith.constant 49 : i32
        %add3A_355 = arith.addi %mul3A_353, %add3A_354 : i32
        %scan3A_356 = arith.constant 0 : i32
        %scan3A_357 = arith.constant 0 : i32
        %scan3A_358 = arith.constant 50 : i32
        %scan3A_359 = arith.addi %scan3A_357, %scan3A_358 : i32
        %scan3A_360 = arith.constant 5 : i32
        scf.for %scan3A_762 = %scan3A_357 to %scan3A_359 step %scan3A_360  : i32 {
          %add3A_763 = arith.addi %mul3A_353, %scan3A_762 : i32
          %get3A_764 = arith.index_cast %add3A_763 : i32 to index
          %get3A_765 = arith.constant 0 : index
          %get3A_766 = tpu.vector_load %arg17[%get3A_764, %get3A_765] {strides = array<i32>} : memref<400x128xf32, #tpu.memory_space<vmem>>, vector<16xf32>,
          %get3A_767 = arith.index_cast %add3A_763 : i32 to index
          %get3A_768 = arith.constant 16 : index
          %get3A_769 = tpu.vector_load %arg17[%get3A_767, %get3A_768] {strides = array<i32>} : memref<400x128xf32, #tpu.memory_space<vmem>>, vector<16xf32>,
          %get3A_770 = arith.index_cast %add3A_763 : i32 to index
          %get3A_771 = arith.constant 32 : index
          %get3A_772 = tpu.vector_load %arg17[%get3A_770, %get3A_771] {strides = array<i32>} : memref<400x128xf32, #tpu.memory_space<vmem>>, vector<16xf32>,
          %get3A_773 = arith.index_cast %add3A_763 : i32 to index
          %get3A_774 = arith.constant 48 : index
          %get3A_775 = tpu.vector_load %arg17[%get3A_773, %get3A_774] {strides = array<i32>} : memref<400x128xf32, #tpu.memory_space<vmem>>, vector<16xf32>,
          %mul3A_776 = arith.mulf %get3A_766, %get3A_342 : vector<16xf32>
          %mul3A_777 = arith.mulf %get3A_769, %get3A_345 : vector<16xf32>
          %add3A_778 = arith.addf %mul3A_776, %mul3A_777 : vector<16xf32>
          %mul3A_779 = arith.mulf %get3A_772, %get3A_348 : vector<16xf32>
          %mul3A_780 = arith.mulf %get3A_775, %get3A_351 : vector<16xf32>
          %add3A_781 = arith.addf %mul3A_779, %mul3A_780 : vector<16xf32>
          %add3A_782 = arith.addf %add3A_778, %add3A_781 : vector<16xf32>
          %mul3A_783 = arith.constant 17 : i32
          %mul3A_784 = arith.muli %add3A_763, %mul3A_783 : i32
          %add3A_785 = vector.broadcast %mul3A_784 : i32 to vector<16xi32>
          %add3A_786 = arith.addi %add3A_785, %iota3A : vector<16xi32>
          tpu.vector_store_idx %arg20[%add3A_786], %add3A_782 : memref<6816xf32, #tpu.memory_space<vmem>>[vector<16xi32>], vector<16xf32>,
          %scan3A_787 = arith.constant 1 : i32
          %scan3A_788 = arith.addi %scan3A_762, %scan3A_787 : i32
          %add3A_789 = arith.addi %mul3A_353, %scan3A_788 : i32
          %get3A_790 = arith.index_cast %add3A_789 : i32 to index
          %get3A_791 = arith.constant 0 : index
          %get3A_792 = tpu.vector_load %arg17[%get3A_790, %get3A_791] {strides = array<i32>} : memref<400x128xf32, #tpu.memory_space<vmem>>, vector<16xf32>,
          %get3A_793 = arith.index_cast %add3A_789 : i32 to index
          %get3A_794 = arith.constant 16 : index
          %get3A_795 = tpu.vector_load %arg17[%get3A_793, %get3A_794] {strides = array<i32>} : memref<400x128xf32, #tpu.memory_space<vmem>>, vector<16xf32>,
          %get3A_796 = arith.index_cast %add3A_789 : i32 to index
          %get3A_797 = arith.constant 32 : index
          %get3A_798 = tpu.vector_load %arg17[%get3A_796, %get3A_797] {strides = array<i32>} : memref<400x128xf32, #tpu.memory_space<vmem>>, vector<16xf32>,
          %get3A_799 = arith.index_cast %add3A_789 : i32 to index
          %get3A_800 = arith.constant 48 : index
          %get3A_801 = tpu.vector_load %arg17[%get3A_799, %get3A_800] {strides = array<i32>} : memref<400x128xf32, #tpu.memory_space<vmem>>, vector<16xf32>,
          %mul3A_802 = arith.mulf %get3A_792, %get3A_342 : vector<16xf32>
          %mul3A_803 = arith.mulf %get3A_795, %get3A_345 : vector<16xf32>
          %add3A_804 = arith.addf %mul3A_802, %mul3A_803 : vector<16xf32>
          %mul3A_805 = arith.mulf %get3A_798, %get3A_348 : vector<16xf32>
          %mul3A_806 = arith.mulf %get3A_801, %get3A_351 : vector<16xf32>
          %add3A_807 = arith.addf %mul3A_805, %mul3A_806 : vector<16xf32>
          %add3A_808 = arith.addf %add3A_804, %add3A_807 : vector<16xf32>
          %mul3A_809 = arith.constant 17 : i32
          %mul3A_810 = arith.muli %add3A_789, %mul3A_809 : i32
          %add3A_811 = vector.broadcast %mul3A_810 : i32 to vector<16xi32>
          %add3A_812 = arith.addi %add3A_811, %iota3A : vector<16xi32>
          tpu.vector_store_idx %arg20[%add3A_812], %add3A_808 : memref<6816xf32, #tpu.memory_space<vmem>>[vector<16xi32>], vector<16xf32>,
          %scan3A_813 = arith.constant 2 : i32
          %scan3A_814 = arith.addi %scan3A_762, %scan3A_813 : i32
          %add3A_815 = arith.addi %mul3A_353, %scan3A_814 : i32
          %get3A_816 = arith.index_cast %add3A_815 : i32 to index
          %get3A_817 = arith.constant 0 : index
          %get3A_818 = tpu.vector_load %arg17[%get3A_816, %get3A_817] {strides = array<i32>} : memref<400x128xf32, #tpu.memory_space<vmem>>, vector<16xf32>,
          %get3A_819 = arith.index_cast %add3A_815 : i32 to index
          %get3A_820 = arith.constant 16 : index
          %get3A_821 = tpu.vector_load %arg17[%get3A_819, %get3A_820] {strides = array<i32>} : memref<400x128xf32, #tpu.memory_space<vmem>>, vector<16xf32>,
          %get3A_822 = arith.index_cast %add3A_815 : i32 to index
          %get3A_823 = arith.constant 32 : index
          %get3A_824 = tpu.vector_load %arg17[%get3A_822, %get3A_823] {strides = array<i32>} : memref<400x128xf32, #tpu.memory_space<vmem>>, vector<16xf32>,
          %get3A_825 = arith.index_cast %add3A_815 : i32 to index
          %get3A_826 = arith.constant 48 : index
          %get3A_827 = tpu.vector_load %arg17[%get3A_825, %get3A_826] {strides = array<i32>} : memref<400x128xf32, #tpu.memory_space<vmem>>, vector<16xf32>,
          %mul3A_828 = arith.mulf %get3A_818, %get3A_342 : vector<16xf32>
          %mul3A_829 = arith.mulf %get3A_821, %get3A_345 : vector<16xf32>
          %add3A_830 = arith.addf %mul3A_828, %mul3A_829 : vector<16xf32>
          %mul3A_831 = arith.mulf %get3A_824, %get3A_348 : vector<16xf32>
          %mul3A_832 = arith.mulf %get3A_827, %get3A_351 : vector<16xf32>
          %add3A_833 = arith.addf %mul3A_831, %mul3A_832 : vector<16xf32>
          %add3A_834 = arith.addf %add3A_830, %add3A_833 : vector<16xf32>
          %mul3A_835 = arith.constant 17 : i32
          %mul3A_836 = arith.muli %add3A_815, %mul3A_835 : i32
          %add3A_837 = vector.broadcast %mul3A_836 : i32 to vector<16xi32>
          %add3A_838 = arith.addi %add3A_837, %iota3A : vector<16xi32>
          tpu.vector_store_idx %arg20[%add3A_838], %add3A_834 : memref<6816xf32, #tpu.memory_space<vmem>>[vector<16xi32>], vector<16xf32>,
          %scan3A_839 = arith.constant 3 : i32
          %scan3A_840 = arith.addi %scan3A_762, %scan3A_839 : i32
          %add3A_841 = arith.addi %mul3A_353, %scan3A_840 : i32
          %get3A_842 = arith.index_cast %add3A_841 : i32 to index
          %get3A_843 = arith.constant 0 : index
          %get3A_844 = tpu.vector_load %arg17[%get3A_842, %get3A_843] {strides = array<i32>} : memref<400x128xf32, #tpu.memory_space<vmem>>, vector<16xf32>,
          %get3A_845 = arith.index_cast %add3A_841 : i32 to index
          %get3A_846 = arith.constant 16 : index
          %get3A_847 = tpu.vector_load %arg17[%get3A_845, %get3A_846] {strides = array<i32>} : memref<400x128xf32, #tpu.memory_space<vmem>>, vector<16xf32>,
          %get3A_848 = arith.index_cast %add3A_841 : i32 to index
          %get3A_849 = arith.constant 32 : index
          %get3A_850 = tpu.vector_load %arg17[%get3A_848, %get3A_849] {strides = array<i32>} : memref<400x128xf32, #tpu.memory_space<vmem>>, vector<16xf32>,
          %get3A_851 = arith.index_cast %add3A_841 : i32 to index
          %get3A_852 = arith.constant 48 : index
          %get3A_853 = tpu.vector_load %arg17[%get3A_851, %get3A_852] {strides = array<i32>} : memref<400x128xf32, #tpu.memory_space<vmem>>, vector<16xf32>,
          %mul3A_854 = arith.mulf %get3A_844, %get3A_342 : vector<16xf32>
          %mul3A_855 = arith.mulf %get3A_847, %get3A_345 : vector<16xf32>
          %add3A_856 = arith.addf %mul3A_854, %mul3A_855 : vector<16xf32>
          %mul3A_857 = arith.mulf %get3A_850, %get3A_348 : vector<16xf32>
          %mul3A_858 = arith.mulf %get3A_853, %get3A_351 : vector<16xf32>
          %add3A_859 = arith.addf %mul3A_857, %mul3A_858 : vector<16xf32>
          %add3A_860 = arith.addf %add3A_856, %add3A_859 : vector<16xf32>
          %mul3A_861 = arith.constant 17 : i32
          %mul3A_862 = arith.muli %add3A_841, %mul3A_861 : i32
          %add3A_863 = vector.broadcast %mul3A_862 : i32 to vector<16xi32>
          %add3A_864 = arith.addi %add3A_863, %iota3A : vector<16xi32>
          tpu.vector_store_idx %arg20[%add3A_864], %add3A_860 : memref<6816xf32, #tpu.memory_space<vmem>>[vector<16xi32>], vector<16xf32>,
          %scan3A_865 = arith.constant 4 : i32
          %scan3A_866 = arith.addi %scan3A_762, %scan3A_865 : i32
          %add3A_867 = arith.addi %mul3A_353, %scan3A_866 : i32
          %get3A_868 = arith.index_cast %add3A_867 : i32 to index
          %get3A_869 = arith.constant 0 : index
          %get3A_870 = tpu.vector_load %arg17[%get3A_868, %get3A_869] {strides = array<i32>} : memref<400x128xf32, #tpu.memory_space<vmem>>, vector<16xf32>,
          %get3A_871 = arith.index_cast %add3A_867 : i32 to index
          %get3A_872 = arith.constant 16 : index
          %get3A_873 = tpu.vector_load %arg17[%get3A_871, %get3A_872] {strides = array<i32>} : memref<400x128xf32, #tpu.memory_space<vmem>>, vector<16xf32>,
          %get3A_874 = arith.index_cast %add3A_867 : i32 to index
          %get3A_875 = arith.constant 32 : index
          %get3A_876 = tpu.vector_load %arg17[%get3A_874, %get3A_875] {strides = array<i32>} : memref<400x128xf32, #tpu.memory_space<vmem>>, vector<16xf32>,
          %get3A_877 = arith.index_cast %add3A_867 : i32 to index
          %get3A_878 = arith.constant 48 : index
          %get3A_879 = tpu.vector_load %arg17[%get3A_877, %get3A_878] {strides = array<i32>} : memref<400x128xf32, #tpu.memory_space<vmem>>, vector<16xf32>,
          %mul3A_880 = arith.mulf %get3A_870, %get3A_342 : vector<16xf32>
          %mul3A_881 = arith.mulf %get3A_873, %get3A_345 : vector<16xf32>
          %add3A_882 = arith.addf %mul3A_880, %mul3A_881 : vector<16xf32>
          %mul3A_883 = arith.mulf %get3A_876, %get3A_348 : vector<16xf32>
          %mul3A_884 = arith.mulf %get3A_879, %get3A_351 : vector<16xf32>
          %add3A_885 = arith.addf %mul3A_883, %mul3A_884 : vector<16xf32>
          %add3A_886 = arith.addf %add3A_882, %add3A_885 : vector<16xf32>
          %mul3A_887 = arith.constant 17 : i32
          %mul3A_888 = arith.muli %add3A_867, %mul3A_887 : i32
          %add3A_889 = vector.broadcast %mul3A_888 : i32 to vector<16xi32>
          %add3A_890 = arith.addi %add3A_889, %iota3A : vector<16xi32>
          tpu.vector_store_idx %arg20[%add3A_890], %add3A_886 : memref<6816xf32, #tpu.memory_space<vmem>>[vector<16xi32>], vector<16xf32>,
        }
        %scan3A_361 = arith.constant 50 : i32
        %add3A_362 = arith.constant 0 : i32
        %add3A_363 = arith.addi %mul3A_353, %add3A_362 : i32
        %add3A_364 = vector.broadcast %add3A_363 : i32 to vector<16xi32>
        %add3A_365 = arith.addi %add3A_364, %iota3A : vector<16xi32>
        %min3A = vector.broadcast %add3A_355 : i32 to vector<16xi32>
        %min3A_366 = arith.minsi %add3A_365, %min3A : vector<16xi32>
        %mul3A_367 = arith.constant 17 : i32
        %mul3A_368 = vector.broadcast %mul3A_367 : i32 to vector<16xi32>
        %mul3A_369 = arith.muli %min3A_366, %mul3A_368 : vector<16xi32>
        %gather3A_370 = tpu.vector_load_idx %arg18[%min3A_366] : memref<400xf32, #tpu.memory_space<vmem>>[vector<16xi32>], vector<16xf32>,
        %add3A_371 = arith.addf %gather3A_370, %gather3A : vector<16xf32>
        %broadcast_in_dim3A_372 = arith.constant 0.000000e+00 : f32
        %broadcast_in_dim3A_373 = vector.broadcast %broadcast_in_dim3A_372 : f32 to vector<16xf32>
        %broadcast_in_dim3A_374 = arith.constant 0.000000e+00 : f32
        %broadcast_in_dim3A_375 = vector.broadcast %broadcast_in_dim3A_374 : f32 to vector<16xf32>
        %broadcast_in_dim3A_376 = arith.constant 0.000000e+00 : f32
        %broadcast_in_dim3A_377 = vector.broadcast %broadcast_in_dim3A_376 : f32 to vector<16xf32>
        %add3A_378 = arith.constant 0 : i32
        %add3A_379 = vector.broadcast %add3A_378 : i32 to vector<16xi32>
        %add3A_380 = arith.addi %mul3A_369, %add3A_379 : vector<16xi32>
        %gather3A_381 = tpu.vector_load_idx %arg20[%add3A_380] : memref<6816xf32, #tpu.memory_space<vmem>>[vector<16xi32>], vector<16xf32>,
        %add3A_382 = arith.addf %add3A_371, %gather3A_381 : vector<16xf32>
        %add3A_383 = arith.constant 1 : i32
        %add3A_384 = vector.broadcast %add3A_383 : i32 to vector<16xi32>
        %add3A_385 = arith.addi %mul3A_369, %add3A_384 : vector<16xi32>
        %gather3A_386 = tpu.vector_load_idx %arg20[%add3A_385] : memref<6816xf32, #tpu.memory_space<vmem>>[vector<16xi32>], vector<16xf32>,
        %add3A_387 = arith.addf %broadcast_in_dim3A_373, %gather3A_386 : vector<16xf32>
        %add3A_388 = arith.constant 2 : i32
        %add3A_389 = vector.broadcast %add3A_388 : i32 to vector<16xi32>
        %add3A_390 = arith.addi %mul3A_369, %add3A_389 : vector<16xi32>
        %gather3A_391 = tpu.vector_load_idx %arg20[%add3A_390] : memref<6816xf32, #tpu.memory_space<vmem>>[vector<16xi32>], vector<16xf32>,
        %add3A_392 = arith.addf %broadcast_in_dim3A_375, %gather3A_391 : vector<16xf32>
        %add3A_393 = arith.constant 3 : i32
        %add3A_394 = vector.broadcast %add3A_393 : i32 to vector<16xi32>
        %add3A_395 = arith.addi %mul3A_369, %add3A_394 : vector<16xi32>
        %gather3A_396 = tpu.vector_load_idx %arg20[%add3A_395] : memref<6816xf32, #tpu.memory_space<vmem>>[vector<16xi32>], vector<16xf32>,
        %add3A_397 = arith.addf %broadcast_in_dim3A_377, %gather3A_396 : vector<16xf32>
        %add3A_398 = arith.constant 4 : i32
        %add3A_399 = vector.broadcast %add3A_398 : i32 to vector<16xi32>
        %add3A_400 = arith.addi %mul3A_369, %add3A_399 : vector<16xi32>
        %gather3A_401 = tpu.vector_load_idx %arg20[%add3A_400] : memref<6816xf32, #tpu.memory_space<vmem>>[vector<16xi32>], vector<16xf32>,
        %add3A_402 = arith.addf %add3A_382, %gather3A_401 : vector<16xf32>
        %add3A_403 = arith.constant 5 : i32
        %add3A_404 = vector.broadcast %add3A_403 : i32 to vector<16xi32>
        %add3A_405 = arith.addi %mul3A_369, %add3A_404 : vector<16xi32>
        %gather3A_406 = tpu.vector_load_idx %arg20[%add3A_405] : memref<6816xf32, #tpu.memory_space<vmem>>[vector<16xi32>], vector<16xf32>,
        %add3A_407 = arith.addf %add3A_387, %gather3A_406 : vector<16xf32>
        %add3A_408 = arith.constant 6 : i32
        %add3A_409 = vector.broadcast %add3A_408 : i32 to vector<16xi32>
        %add3A_410 = arith.addi %mul3A_369, %add3A_409 : vector<16xi32>
        %gather3A_411 = tpu.vector_load_idx %arg20[%add3A_410] : memref<6816xf32, #tpu.memory_space<vmem>>[vector<16xi32>], vector<16xf32>,
        %add3A_412 = arith.addf %add3A_392, %gather3A_411 : vector<16xf32>
        %add3A_413 = arith.constant 7 : i32
        %add3A_414 = vector.broadcast %add3A_413 : i32 to vector<16xi32>
        %add3A_415 = arith.addi %mul3A_369, %add3A_414 : vector<16xi32>
        %gather3A_416 = tpu.vector_load_idx %arg20[%add3A_415] : memref<6816xf32, #tpu.memory_space<vmem>>[vector<16xi32>], vector<16xf32>,
        %add3A_417 = arith.addf %add3A_397, %gather3A_416 : vector<16xf32>
        %add3A_418 = arith.constant 8 : i32
        %add3A_419 = vector.broadcast %add3A_418 : i32 to vector<16xi32>
        %add3A_420 = arith.addi %mul3A_369, %add3A_419 : vector<16xi32>
        %gather3A_421 = tpu.vector_load_idx %arg20[%add3A_420] : memref<6816xf32, #tpu.memory_space<vmem>>[vector<16xi32>], vector<16xf32>,
        %add3A_422 = arith.addf %add3A_402, %gather3A_421 : vector<16xf32>
        %add3A_423 = arith.constant 9 : i32
        %add3A_424 = vector.broadcast %add3A_423 : i32 to vector<16xi32>
        %add3A_425 = arith.addi %mul3A_369, %add3A_424 : vector<16xi32>
        %gather3A_426 = tpu.vector_load_idx %arg20[%add3A_425] : memref<6816xf32, #tpu.memory_space<vmem>>[vector<16xi32>], vector<16xf32>,
        %add3A_427 = arith.addf %add3A_407, %gather3A_426 : vector<16xf32>
        %add3A_428 = arith.constant 10 : i32
        %add3A_429 = vector.broadcast %add3A_428 : i32 to vector<16xi32>
        %add3A_430 = arith.addi %mul3A_369, %add3A_429 : vector<16xi32>
        %gather3A_431 = tpu.vector_load_idx %arg20[%add3A_430] : memref<6816xf32, #tpu.memory_space<vmem>>[vector<16xi32>], vector<16xf32>,
        %add3A_432 = arith.addf %add3A_412, %gather3A_431 : vector<16xf32>
        %add3A_433 = arith.constant 11 : i32
        %add3A_434 = vector.broadcast %add3A_433 : i32 to vector<16xi32>
        %add3A_435 = arith.addi %mul3A_369, %add3A_434 : vector<16xi32>
        %gather3A_436 = tpu.vector_load_idx %arg20[%add3A_435] : memref<6816xf32, #tpu.memory_space<vmem>>[vector<16xi32>], vector<16xf32>,
        %add3A_437 = arith.addf %add3A_417, %gather3A_436 : vector<16xf32>
        %add3A_438 = arith.constant 12 : i32
        %add3A_439 = vector.broadcast %add3A_438 : i32 to vector<16xi32>
        %add3A_440 = arith.addi %mul3A_369, %add3A_439 : vector<16xi32>
        %gather3A_441 = tpu.vector_load_idx %arg20[%add3A_440] : memref<6816xf32, #tpu.memory_space<vmem>>[vector<16xi32>], vector<16xf32>,
        %add3A_442 = arith.addf %add3A_422, %gather3A_441 : vector<16xf32>
        %add3A_443 = arith.constant 13 : i32
        %add3A_444 = vector.broadcast %add3A_443 : i32 to vector<16xi32>
        %add3A_445 = arith.addi %mul3A_369, %add3A_444 : vector<16xi32>
        %gather3A_446 = tpu.vector_load_idx %arg20[%add3A_445] : memref<6816xf32, #tpu.memory_space<vmem>>[vector<16xi32>], vector<16xf32>,
        %add3A_447 = arith.addf %add3A_427, %gather3A_446 : vector<16xf32>
        %add3A_448 = arith.constant 14 : i32
        %add3A_449 = vector.broadcast %add3A_448 : i32 to vector<16xi32>
        %add3A_450 = arith.addi %mul3A_369, %add3A_449 : vector<16xi32>
        %gather3A_451 = tpu.vector_load_idx %arg20[%add3A_450] : memref<6816xf32, #tpu.memory_space<vmem>>[vector<16xi32>], vector<16xf32>,
        %add3A_452 = arith.addf %add3A_432, %gather3A_451 : vector<16xf32>
        %add3A_453 = arith.constant 15 : i32
        %add3A_454 = vector.broadcast %add3A_453 : i32 to vector<16xi32>
        %add3A_455 = arith.addi %mul3A_369, %add3A_454 : vector<16xi32>
        %gather3A_456 = tpu.vector_load_idx %arg20[%add3A_455] : memref<6816xf32, #tpu.memory_space<vmem>>[vector<16xi32>], vector<16xf32>,
        %add3A_457 = arith.addf %add3A_437, %gather3A_456 : vector<16xf32>
        %add3A_458 = arith.addf %add3A_442, %add3A_447 : vector<16xf32>
        %add3A_459 = arith.addf %add3A_452, %add3A_457 : vector<16xf32>
        %add3A_460 = arith.addf %add3A_458, %add3A_459 : vector<16xf32>
        tpu.vector_store_idx %arg21[%min3A_366], %add3A_460 : memref<416xf32, #tpu.memory_space<vmem>>[vector<16xi32>], vector<16xf32>,
        %add3A_461 = arith.constant 16 : i32
        %add3A_462 = arith.addi %mul3A_353, %add3A_461 : i32
        %add3A_463 = vector.broadcast %add3A_462 : i32 to vector<16xi32>
        %add3A_464 = arith.addi %add3A_463, %iota3A : vector<16xi32>
        %min3A_465 = vector.broadcast %add3A_355 : i32 to vector<16xi32>
        %min3A_466 = arith.minsi %add3A_464, %min3A_465 : vector<16xi32>
        %mul3A_467 = arith.constant 17 : i32
        %mul3A_468 = vector.broadcast %mul3A_467 : i32 to vector<16xi32>
        %mul3A_469 = arith.muli %min3A_466, %mul3A_468 : vector<16xi32>
        %gather3A_470 = tpu.vector_load_idx %arg18[%min3A_466] : memref<400xf32, #tpu.memory_space<vmem>>[vector<16xi32>], vector<16xf32>,
        %add3A_471 = arith.addf %gather3A_470, %gather3A : vector<16xf32>
        %broadcast_in_dim3A_472 = arith.constant 0.000000e+00 : f32
        %broadcast_in_dim3A_473 = vector.broadcast %broadcast_in_dim3A_472 : f32 to vector<16xf32>
        %broadcast_in_dim3A_474 = arith.constant 0.000000e+00 : f32
        %broadcast_in_dim3A_475 = vector.broadcast %broadcast_in_dim3A_474 : f32 to vector<16xf32>
        %broadcast_in_dim3A_476 = arith.constant 0.000000e+00 : f32
        %broadcast_in_dim3A_477 = vector.broadcast %broadcast_in_dim3A_476 : f32 to vector<16xf32>
        %add3A_478 = arith.constant 0 : i32
        %add3A_479 = vector.broadcast %add3A_478 : i32 to vector<16xi32>
        %add3A_480 = arith.addi %mul3A_469, %add3A_479 : vector<16xi32>
        %gather3A_481 = tpu.vector_load_idx %arg20[%add3A_480] : memref<6816xf32, #tpu.memory_space<vmem>>[vector<16xi32>], vector<16xf32>,
        %add3A_482 = arith.addf %add3A_471, %gather3A_481 : vector<16xf32>
        %add3A_483 = arith.constant 1 : i32
        %add3A_484 = vector.broadcast %add3A_483 : i32 to vector<16xi32>
        %add3A_485 = arith.addi %mul3A_469, %add3A_484 : vector<16xi32>
        %gather3A_486 = tpu.vector_load_idx %arg20[%add3A_485] : memref<6816xf32, #tpu.memory_space<vmem>>[vector<16xi32>], vector<16xf32>,
        %add3A_487 = arith.addf %broadcast_in_dim3A_473, %gather3A_486 : vector<16xf32>
        %add3A_488 = arith.constant 2 : i32
        %add3A_489 = vector.broadcast %add3A_488 : i32 to vector<16xi32>
        %add3A_490 = arith.addi %mul3A_469, %add3A_489 : vector<16xi32>
        %gather3A_491 = tpu.vector_load_idx %arg20[%add3A_490] : memref<6816xf32, #tpu.memory_space<vmem>>[vector<16xi32>], vector<16xf32>,
        %add3A_492 = arith.addf %broadcast_in_dim3A_475, %gather3A_491 : vector<16xf32>
        %add3A_493 = arith.constant 3 : i32
        %add3A_494 = vector.broadcast %add3A_493 : i32 to vector<16xi32>
        %add3A_495 = arith.addi %mul3A_469, %add3A_494 : vector<16xi32>
        %gather3A_496 = tpu.vector_load_idx %arg20[%add3A_495] : memref<6816xf32, #tpu.memory_space<vmem>>[vector<16xi32>], vector<16xf32>,
        %add3A_497 = arith.addf %broadcast_in_dim3A_477, %gather3A_496 : vector<16xf32>
        %add3A_498 = arith.constant 4 : i32
        %add3A_499 = vector.broadcast %add3A_498 : i32 to vector<16xi32>
        %add3A_500 = arith.addi %mul3A_469, %add3A_499 : vector<16xi32>
        %gather3A_501 = tpu.vector_load_idx %arg20[%add3A_500] : memref<6816xf32, #tpu.memory_space<vmem>>[vector<16xi32>], vector<16xf32>,
        %add3A_502 = arith.addf %add3A_482, %gather3A_501 : vector<16xf32>
        %add3A_503 = arith.constant 5 : i32
        %add3A_504 = vector.broadcast %add3A_503 : i32 to vector<16xi32>
        %add3A_505 = arith.addi %mul3A_469, %add3A_504 : vector<16xi32>
        %gather3A_506 = tpu.vector_load_idx %arg20[%add3A_505] : memref<6816xf32, #tpu.memory_space<vmem>>[vector<16xi32>], vector<16xf32>,
        %add3A_507 = arith.addf %add3A_487, %gather3A_506 : vector<16xf32>
        %add3A_508 = arith.constant 6 : i32
        %add3A_509 = vector.broadcast %add3A_508 : i32 to vector<16xi32>
        %add3A_510 = arith.addi %mul3A_469, %add3A_509 : vector<16xi32>
        %gather3A_511 = tpu.vector_load_idx %arg20[%add3A_510] : memref<6816xf32, #tpu.memory_space<vmem>>[vector<16xi32>], vector<16xf32>,
        %add3A_512 = arith.addf %add3A_492, %gather3A_511 : vector<16xf32>
        %add3A_513 = arith.constant 7 : i32
        %add3A_514 = vector.broadcast %add3A_513 : i32 to vector<16xi32>
        %add3A_515 = arith.addi %mul3A_469, %add3A_514 : vector<16xi32>
        %gather3A_516 = tpu.vector_load_idx %arg20[%add3A_515] : memref<6816xf32, #tpu.memory_space<vmem>>[vector<16xi32>], vector<16xf32>,
        %add3A_517 = arith.addf %add3A_497, %gather3A_516 : vector<16xf32>
        %add3A_518 = arith.constant 8 : i32
        %add3A_519 = vector.broadcast %add3A_518 : i32 to vector<16xi32>
        %add3A_520 = arith.addi %mul3A_469, %add3A_519 : vector<16xi32>
        %gather3A_521 = tpu.vector_load_idx %arg20[%add3A_520] : memref<6816xf32, #tpu.memory_space<vmem>>[vector<16xi32>], vector<16xf32>,
        %add3A_522 = arith.addf %add3A_502, %gather3A_521 : vector<16xf32>
        %add3A_523 = arith.constant 9 : i32
        %add3A_524 = vector.broadcast %add3A_523 : i32 to vector<16xi32>
        %add3A_525 = arith.addi %mul3A_469, %add3A_524 : vector<16xi32>
        %gather3A_526 = tpu.vector_load_idx %arg20[%add3A_525] : memref<6816xf32, #tpu.memory_space<vmem>>[vector<16xi32>], vector<16xf32>,
        %add3A_527 = arith.addf %add3A_507, %gather3A_526 : vector<16xf32>
        %add3A_528 = arith.constant 10 : i32
        %add3A_529 = vector.broadcast %add3A_528 : i32 to vector<16xi32>
        %add3A_530 = arith.addi %mul3A_469, %add3A_529 : vector<16xi32>
        %gather3A_531 = tpu.vector_load_idx %arg20[%add3A_530] : memref<6816xf32, #tpu.memory_space<vmem>>[vector<16xi32>], vector<16xf32>,
        %add3A_532 = arith.addf %add3A_512, %gather3A_531 : vector<16xf32>
        %add3A_533 = arith.constant 11 : i32
        %add3A_534 = vector.broadcast %add3A_533 : i32 to vector<16xi32>
        %add3A_535 = arith.addi %mul3A_469, %add3A_534 : vector<16xi32>
        %gather3A_536 = tpu.vector_load_idx %arg20[%add3A_535] : memref<6816xf32, #tpu.memory_space<vmem>>[vector<16xi32>], vector<16xf32>,
        %add3A_537 = arith.addf %add3A_517, %gather3A_536 : vector<16xf32>
        %add3A_538 = arith.constant 12 : i32
        %add3A_539 = vector.broadcast %add3A_538 : i32 to vector<16xi32>
        %add3A_540 = arith.addi %mul3A_469, %add3A_539 : vector<16xi32>
        %gather3A_541 = tpu.vector_load_idx %arg20[%add3A_540] : memref<6816xf32, #tpu.memory_space<vmem>>[vector<16xi32>], vector<16xf32>,
        %add3A_542 = arith.addf %add3A_522, %gather3A_541 : vector<16xf32>
        %add3A_543 = arith.constant 13 : i32
        %add3A_544 = vector.broadcast %add3A_543 : i32 to vector<16xi32>
        %add3A_545 = arith.addi %mul3A_469, %add3A_544 : vector<16xi32>
        %gather3A_546 = tpu.vector_load_idx %arg20[%add3A_545] : memref<6816xf32, #tpu.memory_space<vmem>>[vector<16xi32>], vector<16xf32>,
        %add3A_547 = arith.addf %add3A_527, %gather3A_546 : vector<16xf32>
        %add3A_548 = arith.constant 14 : i32
        %add3A_549 = vector.broadcast %add3A_548 : i32 to vector<16xi32>
        %add3A_550 = arith.addi %mul3A_469, %add3A_549 : vector<16xi32>
        %gather3A_551 = tpu.vector_load_idx %arg20[%add3A_550] : memref<6816xf32, #tpu.memory_space<vmem>>[vector<16xi32>], vector<16xf32>,
        %add3A_552 = arith.addf %add3A_532, %gather3A_551 : vector<16xf32>
        %add3A_553 = arith.constant 15 : i32
        %add3A_554 = vector.broadcast %add3A_553 : i32 to vector<16xi32>
        %add3A_555 = arith.addi %mul3A_469, %add3A_554 : vector<16xi32>
        %gather3A_556 = tpu.vector_load_idx %arg20[%add3A_555] : memref<6816xf32, #tpu.memory_space<vmem>>[vector<16xi32>], vector<16xf32>,
        %add3A_557 = arith.addf %add3A_537, %gather3A_556 : vector<16xf32>
        %add3A_558 = arith.addf %add3A_542, %add3A_547 : vector<16xf32>
        %add3A_559 = arith.addf %add3A_552, %add3A_557 : vector<16xf32>
        %add3A_560 = arith.addf %add3A_558, %add3A_559 : vector<16xf32>
        tpu.vector_store_idx %arg21[%min3A_466], %add3A_560 : memref<416xf32, #tpu.memory_space<vmem>>[vector<16xi32>], vector<16xf32>,
        %add3A_561 = arith.constant 32 : i32
        %add3A_562 = arith.addi %mul3A_353, %add3A_561 : i32
        %add3A_563 = vector.broadcast %add3A_562 : i32 to vector<16xi32>
        %add3A_564 = arith.addi %add3A_563, %iota3A : vector<16xi32>
        %min3A_565 = vector.broadcast %add3A_355 : i32 to vector<16xi32>
        %min3A_566 = arith.minsi %add3A_564, %min3A_565 : vector<16xi32>
        %mul3A_567 = arith.constant 17 : i32
        %mul3A_568 = vector.broadcast %mul3A_567 : i32 to vector<16xi32>
        %mul3A_569 = arith.muli %min3A_566, %mul3A_568 : vector<16xi32>
        %gather3A_570 = tpu.vector_load_idx %arg18[%min3A_566] : memref<400xf32, #tpu.memory_space<vmem>>[vector<16xi32>], vector<16xf32>,
        %add3A_571 = arith.addf %gather3A_570, %gather3A : vector<16xf32>
        %broadcast_in_dim3A_572 = arith.constant 0.000000e+00 : f32
        %broadcast_in_dim3A_573 = vector.broadcast %broadcast_in_dim3A_572 : f32 to vector<16xf32>
        %broadcast_in_dim3A_574 = arith.constant 0.000000e+00 : f32
        %broadcast_in_dim3A_575 = vector.broadcast %broadcast_in_dim3A_574 : f32 to vector<16xf32>
        %broadcast_in_dim3A_576 = arith.constant 0.000000e+00 : f32
        %broadcast_in_dim3A_577 = vector.broadcast %broadcast_in_dim3A_576 : f32 to vector<16xf32>
        %add3A_578 = arith.constant 0 : i32
        %add3A_579 = vector.broadcast %add3A_578 : i32 to vector<16xi32>
        %add3A_580 = arith.addi %mul3A_569, %add3A_579 : vector<16xi32>
        %gather3A_581 = tpu.vector_load_idx %arg20[%add3A_580] : memref<6816xf32, #tpu.memory_space<vmem>>[vector<16xi32>], vector<16xf32>,
        %add3A_582 = arith.addf %add3A_571, %gather3A_581 : vector<16xf32>
        %add3A_583 = arith.constant 1 : i32
        %add3A_584 = vector.broadcast %add3A_583 : i32 to vector<16xi32>
        %add3A_585 = arith.addi %mul3A_569, %add3A_584 : vector<16xi32>
        %gather3A_586 = tpu.vector_load_idx %arg20[%add3A_585] : memref<6816xf32, #tpu.memory_space<vmem>>[vector<16xi32>], vector<16xf32>,
        %add3A_587 = arith.addf %broadcast_in_dim3A_573, %gather3A_586 : vector<16xf32>
        %add3A_588 = arith.constant 2 : i32
        %add3A_589 = vector.broadcast %add3A_588 : i32 to vector<16xi32>
        %add3A_590 = arith.addi %mul3A_569, %add3A_589 : vector<16xi32>
        %gather3A_591 = tpu.vector_load_idx %arg20[%add3A_590] : memref<6816xf32, #tpu.memory_space<vmem>>[vector<16xi32>], vector<16xf32>,
        %add3A_592 = arith.addf %broadcast_in_dim3A_575, %gather3A_591 : vector<16xf32>
        %add3A_593 = arith.constant 3 : i32
        %add3A_594 = vector.broadcast %add3A_593 : i32 to vector<16xi32>
        %add3A_595 = arith.addi %mul3A_569, %add3A_594 : vector<16xi32>
        %gather3A_596 = tpu.vector_load_idx %arg20[%add3A_595] : memref<6816xf32, #tpu.memory_space<vmem>>[vector<16xi32>], vector<16xf32>,
        %add3A_597 = arith.addf %broadcast_in_dim3A_577, %gather3A_596 : vector<16xf32>
        %add3A_598 = arith.constant 4 : i32
        %add3A_599 = vector.broadcast %add3A_598 : i32 to vector<16xi32>
        %add3A_600 = arith.addi %mul3A_569, %add3A_599 : vector<16xi32>
        %gather3A_601 = tpu.vector_load_idx %arg20[%add3A_600] : memref<6816xf32, #tpu.memory_space<vmem>>[vector<16xi32>], vector<16xf32>,
        %add3A_602 = arith.addf %add3A_582, %gather3A_601 : vector<16xf32>
        %add3A_603 = arith.constant 5 : i32
        %add3A_604 = vector.broadcast %add3A_603 : i32 to vector<16xi32>
        %add3A_605 = arith.addi %mul3A_569, %add3A_604 : vector<16xi32>
        %gather3A_606 = tpu.vector_load_idx %arg20[%add3A_605] : memref<6816xf32, #tpu.memory_space<vmem>>[vector<16xi32>], vector<16xf32>,
        %add3A_607 = arith.addf %add3A_587, %gather3A_606 : vector<16xf32>
        %add3A_608 = arith.constant 6 : i32
        %add3A_609 = vector.broadcast %add3A_608 : i32 to vector<16xi32>
        %add3A_610 = arith.addi %mul3A_569, %add3A_609 : vector<16xi32>
        %gather3A_611 = tpu.vector_load_idx %arg20[%add3A_610] : memref<6816xf32, #tpu.memory_space<vmem>>[vector<16xi32>], vector<16xf32>,
        %add3A_612 = arith.addf %add3A_592, %gather3A_611 : vector<16xf32>
        %add3A_613 = arith.constant 7 : i32
        %add3A_614 = vector.broadcast %add3A_613 : i32 to vector<16xi32>
        %add3A_615 = arith.addi %mul3A_569, %add3A_614 : vector<16xi32>
        %gather3A_616 = tpu.vector_load_idx %arg20[%add3A_615] : memref<6816xf32, #tpu.memory_space<vmem>>[vector<16xi32>], vector<16xf32>,
        %add3A_617 = arith.addf %add3A_597, %gather3A_616 : vector<16xf32>
        %add3A_618 = arith.constant 8 : i32
        %add3A_619 = vector.broadcast %add3A_618 : i32 to vector<16xi32>
        %add3A_620 = arith.addi %mul3A_569, %add3A_619 : vector<16xi32>
        %gather3A_621 = tpu.vector_load_idx %arg20[%add3A_620] : memref<6816xf32, #tpu.memory_space<vmem>>[vector<16xi32>], vector<16xf32>,
        %add3A_622 = arith.addf %add3A_602, %gather3A_621 : vector<16xf32>
        %add3A_623 = arith.constant 9 : i32
        %add3A_624 = vector.broadcast %add3A_623 : i32 to vector<16xi32>
        %add3A_625 = arith.addi %mul3A_569, %add3A_624 : vector<16xi32>
        %gather3A_626 = tpu.vector_load_idx %arg20[%add3A_625] : memref<6816xf32, #tpu.memory_space<vmem>>[vector<16xi32>], vector<16xf32>,
        %add3A_627 = arith.addf %add3A_607, %gather3A_626 : vector<16xf32>
        %add3A_628 = arith.constant 10 : i32
        %add3A_629 = vector.broadcast %add3A_628 : i32 to vector<16xi32>
        %add3A_630 = arith.addi %mul3A_569, %add3A_629 : vector<16xi32>
        %gather3A_631 = tpu.vector_load_idx %arg20[%add3A_630] : memref<6816xf32, #tpu.memory_space<vmem>>[vector<16xi32>], vector<16xf32>,
        %add3A_632 = arith.addf %add3A_612, %gather3A_631 : vector<16xf32>
        %add3A_633 = arith.constant 11 : i32
        %add3A_634 = vector.broadcast %add3A_633 : i32 to vector<16xi32>
        %add3A_635 = arith.addi %mul3A_569, %add3A_634 : vector<16xi32>
        %gather3A_636 = tpu.vector_load_idx %arg20[%add3A_635] : memref<6816xf32, #tpu.memory_space<vmem>>[vector<16xi32>], vector<16xf32>,
        %add3A_637 = arith.addf %add3A_617, %gather3A_636 : vector<16xf32>
        %add3A_638 = arith.constant 12 : i32
        %add3A_639 = vector.broadcast %add3A_638 : i32 to vector<16xi32>
        %add3A_640 = arith.addi %mul3A_569, %add3A_639 : vector<16xi32>
        %gather3A_641 = tpu.vector_load_idx %arg20[%add3A_640] : memref<6816xf32, #tpu.memory_space<vmem>>[vector<16xi32>], vector<16xf32>,
        %add3A_642 = arith.addf %add3A_622, %gather3A_641 : vector<16xf32>
        %add3A_643 = arith.constant 13 : i32
        %add3A_644 = vector.broadcast %add3A_643 : i32 to vector<16xi32>
        %add3A_645 = arith.addi %mul3A_569, %add3A_644 : vector<16xi32>
        %gather3A_646 = tpu.vector_load_idx %arg20[%add3A_645] : memref<6816xf32, #tpu.memory_space<vmem>>[vector<16xi32>], vector<16xf32>,
        %add3A_647 = arith.addf %add3A_627, %gather3A_646 : vector<16xf32>
        %add3A_648 = arith.constant 14 : i32
        %add3A_649 = vector.broadcast %add3A_648 : i32 to vector<16xi32>
        %add3A_650 = arith.addi %mul3A_569, %add3A_649 : vector<16xi32>
        %gather3A_651 = tpu.vector_load_idx %arg20[%add3A_650] : memref<6816xf32, #tpu.memory_space<vmem>>[vector<16xi32>], vector<16xf32>,
        %add3A_652 = arith.addf %add3A_632, %gather3A_651 : vector<16xf32>
        %add3A_653 = arith.constant 15 : i32
        %add3A_654 = vector.broadcast %add3A_653 : i32 to vector<16xi32>
        %add3A_655 = arith.addi %mul3A_569, %add3A_654 : vector<16xi32>
        %gather3A_656 = tpu.vector_load_idx %arg20[%add3A_655] : memref<6816xf32, #tpu.memory_space<vmem>>[vector<16xi32>], vector<16xf32>,
        %add3A_657 = arith.addf %add3A_637, %gather3A_656 : vector<16xf32>
        %add3A_658 = arith.addf %add3A_642, %add3A_647 : vector<16xf32>
        %add3A_659 = arith.addf %add3A_652, %add3A_657 : vector<16xf32>
        %add3A_660 = arith.addf %add3A_658, %add3A_659 : vector<16xf32>
        tpu.vector_store_idx %arg21[%min3A_566], %add3A_660 : memref<416xf32, #tpu.memory_space<vmem>>[vector<16xi32>], vector<16xf32>,
        %add3A_661 = arith.constant 48 : i32
        %add3A_662 = arith.addi %mul3A_353, %add3A_661 : i32
        %add3A_663 = vector.broadcast %add3A_662 : i32 to vector<16xi32>
        %add3A_664 = arith.addi %add3A_663, %iota3A : vector<16xi32>
        %min3A_665 = vector.broadcast %add3A_355 : i32 to vector<16xi32>
        %min3A_666 = arith.minsi %add3A_664, %min3A_665 : vector<16xi32>
        %mul3A_667 = arith.constant 17 : i32
        %mul3A_668 = vector.broadcast %mul3A_667 : i32 to vector<16xi32>
        %mul3A_669 = arith.muli %min3A_666, %mul3A_668 : vector<16xi32>
        %gather3A_670 = tpu.vector_load_idx %arg18[%min3A_666] : memref<400xf32, #tpu.memory_space<vmem>>[vector<16xi32>], vector<16xf32>,
        %add3A_671 = arith.addf %gather3A_670, %gather3A : vector<16xf32>
        %broadcast_in_dim3A_672 = arith.constant 0.000000e+00 : f32
        %broadcast_in_dim3A_673 = vector.broadcast %broadcast_in_dim3A_672 : f32 to vector<16xf32>
        %broadcast_in_dim3A_674 = arith.constant 0.000000e+00 : f32
        %broadcast_in_dim3A_675 = vector.broadcast %broadcast_in_dim3A_674 : f32 to vector<16xf32>
        %broadcast_in_dim3A_676 = arith.constant 0.000000e+00 : f32
        %broadcast_in_dim3A_677 = vector.broadcast %broadcast_in_dim3A_676 : f32 to vector<16xf32>
        %add3A_678 = arith.constant 0 : i32
        %add3A_679 = vector.broadcast %add3A_678 : i32 to vector<16xi32>
        %add3A_680 = arith.addi %mul3A_669, %add3A_679 : vector<16xi32>
        %gather3A_681 = tpu.vector_load_idx %arg20[%add3A_680] : memref<6816xf32, #tpu.memory_space<vmem>>[vector<16xi32>], vector<16xf32>,
        %add3A_682 = arith.addf %add3A_671, %gather3A_681 : vector<16xf32>
        %add3A_683 = arith.constant 1 : i32
        %add3A_684 = vector.broadcast %add3A_683 : i32 to vector<16xi32>
        %add3A_685 = arith.addi %mul3A_669, %add3A_684 : vector<16xi32>
        %gather3A_686 = tpu.vector_load_idx %arg20[%add3A_685] : memref<6816xf32, #tpu.memory_space<vmem>>[vector<16xi32>], vector<16xf32>,
        %add3A_687 = arith.addf %broadcast_in_dim3A_673, %gather3A_686 : vector<16xf32>
        %add3A_688 = arith.constant 2 : i32
        %add3A_689 = vector.broadcast %add3A_688 : i32 to vector<16xi32>
        %add3A_690 = arith.addi %mul3A_669, %add3A_689 : vector<16xi32>
        %gather3A_691 = tpu.vector_load_idx %arg20[%add3A_690] : memref<6816xf32, #tpu.memory_space<vmem>>[vector<16xi32>], vector<16xf32>,
        %add3A_692 = arith.addf %broadcast_in_dim3A_675, %gather3A_691 : vector<16xf32>
        %add3A_693 = arith.constant 3 : i32
        %add3A_694 = vector.broadcast %add3A_693 : i32 to vector<16xi32>
        %add3A_695 = arith.addi %mul3A_669, %add3A_694 : vector<16xi32>
        %gather3A_696 = tpu.vector_load_idx %arg20[%add3A_695] : memref<6816xf32, #tpu.memory_space<vmem>>[vector<16xi32>], vector<16xf32>,
        %add3A_697 = arith.addf %broadcast_in_dim3A_677, %gather3A_696 : vector<16xf32>
        %add3A_698 = arith.constant 4 : i32
        %add3A_699 = vector.broadcast %add3A_698 : i32 to vector<16xi32>
        %add3A_700 = arith.addi %mul3A_669, %add3A_699 : vector<16xi32>
        %gather3A_701 = tpu.vector_load_idx %arg20[%add3A_700] : memref<6816xf32, #tpu.memory_space<vmem>>[vector<16xi32>], vector<16xf32>,
        %add3A_702 = arith.addf %add3A_682, %gather3A_701 : vector<16xf32>
        %add3A_703 = arith.constant 5 : i32
        %add3A_704 = vector.broadcast %add3A_703 : i32 to vector<16xi32>
        %add3A_705 = arith.addi %mul3A_669, %add3A_704 : vector<16xi32>
        %gather3A_706 = tpu.vector_load_idx %arg20[%add3A_705] : memref<6816xf32, #tpu.memory_space<vmem>>[vector<16xi32>], vector<16xf32>,
        %add3A_707 = arith.addf %add3A_687, %gather3A_706 : vector<16xf32>
        %add3A_708 = arith.constant 6 : i32
        %add3A_709 = vector.broadcast %add3A_708 : i32 to vector<16xi32>
        %add3A_710 = arith.addi %mul3A_669, %add3A_709 : vector<16xi32>
        %gather3A_711 = tpu.vector_load_idx %arg20[%add3A_710] : memref<6816xf32, #tpu.memory_space<vmem>>[vector<16xi32>], vector<16xf32>,
        %add3A_712 = arith.addf %add3A_692, %gather3A_711 : vector<16xf32>
        %add3A_713 = arith.constant 7 : i32
        %add3A_714 = vector.broadcast %add3A_713 : i32 to vector<16xi32>
        %add3A_715 = arith.addi %mul3A_669, %add3A_714 : vector<16xi32>
        %gather3A_716 = tpu.vector_load_idx %arg20[%add3A_715] : memref<6816xf32, #tpu.memory_space<vmem>>[vector<16xi32>], vector<16xf32>,
        %add3A_717 = arith.addf %add3A_697, %gather3A_716 : vector<16xf32>
        %add3A_718 = arith.constant 8 : i32
        %add3A_719 = vector.broadcast %add3A_718 : i32 to vector<16xi32>
        %add3A_720 = arith.addi %mul3A_669, %add3A_719 : vector<16xi32>
        %gather3A_721 = tpu.vector_load_idx %arg20[%add3A_720] : memref<6816xf32, #tpu.memory_space<vmem>>[vector<16xi32>], vector<16xf32>,
        %add3A_722 = arith.addf %add3A_702, %gather3A_721 : vector<16xf32>
        %add3A_723 = arith.constant 9 : i32
        %add3A_724 = vector.broadcast %add3A_723 : i32 to vector<16xi32>
        %add3A_725 = arith.addi %mul3A_669, %add3A_724 : vector<16xi32>
        %gather3A_726 = tpu.vector_load_idx %arg20[%add3A_725] : memref<6816xf32, #tpu.memory_space<vmem>>[vector<16xi32>], vector<16xf32>,
        %add3A_727 = arith.addf %add3A_707, %gather3A_726 : vector<16xf32>
        %add3A_728 = arith.constant 10 : i32
        %add3A_729 = vector.broadcast %add3A_728 : i32 to vector<16xi32>
        %add3A_730 = arith.addi %mul3A_669, %add3A_729 : vector<16xi32>
        %gather3A_731 = tpu.vector_load_idx %arg20[%add3A_730] : memref<6816xf32, #tpu.memory_space<vmem>>[vector<16xi32>], vector<16xf32>,
        %add3A_732 = arith.addf %add3A_712, %gather3A_731 : vector<16xf32>
        %add3A_733 = arith.constant 11 : i32
        %add3A_734 = vector.broadcast %add3A_733 : i32 to vector<16xi32>
        %add3A_735 = arith.addi %mul3A_669, %add3A_734 : vector<16xi32>
        %gather3A_736 = tpu.vector_load_idx %arg20[%add3A_735] : memref<6816xf32, #tpu.memory_space<vmem>>[vector<16xi32>], vector<16xf32>,
        %add3A_737 = arith.addf %add3A_717, %gather3A_736 : vector<16xf32>
        %add3A_738 = arith.constant 12 : i32
        %add3A_739 = vector.broadcast %add3A_738 : i32 to vector<16xi32>
        %add3A_740 = arith.addi %mul3A_669, %add3A_739 : vector<16xi32>
        %gather3A_741 = tpu.vector_load_idx %arg20[%add3A_740] : memref<6816xf32, #tpu.memory_space<vmem>>[vector<16xi32>], vector<16xf32>,
        %add3A_742 = arith.addf %add3A_722, %gather3A_741 : vector<16xf32>
        %add3A_743 = arith.constant 13 : i32
        %add3A_744 = vector.broadcast %add3A_743 : i32 to vector<16xi32>
        %add3A_745 = arith.addi %mul3A_669, %add3A_744 : vector<16xi32>
        %gather3A_746 = tpu.vector_load_idx %arg20[%add3A_745] : memref<6816xf32, #tpu.memory_space<vmem>>[vector<16xi32>], vector<16xf32>,
        %add3A_747 = arith.addf %add3A_727, %gather3A_746 : vector<16xf32>
        %add3A_748 = arith.constant 14 : i32
        %add3A_749 = vector.broadcast %add3A_748 : i32 to vector<16xi32>
        %add3A_750 = arith.addi %mul3A_669, %add3A_749 : vector<16xi32>
        %gather3A_751 = tpu.vector_load_idx %arg20[%add3A_750] : memref<6816xf32, #tpu.memory_space<vmem>>[vector<16xi32>], vector<16xf32>,
        %add3A_752 = arith.addf %add3A_732, %gather3A_751 : vector<16xf32>
        %add3A_753 = arith.constant 15 : i32
        %add3A_754 = vector.broadcast %add3A_753 : i32 to vector<16xi32>
        %add3A_755 = arith.addi %mul3A_669, %add3A_754 : vector<16xi32>
        %gather3A_756 = tpu.vector_load_idx %arg20[%add3A_755] : memref<6816xf32, #tpu.memory_space<vmem>>[vector<16xi32>], vector<16xf32>,
        %add3A_757 = arith.addf %add3A_737, %gather3A_756 : vector<16xf32>
        %add3A_758 = arith.addf %add3A_742, %add3A_747 : vector<16xf32>
        %add3A_759 = arith.addf %add3A_752, %add3A_757 : vector<16xf32>
        %add3A_760 = arith.addf %add3A_758, %add3A_759 : vector<16xf32>
        %le3A = vector.broadcast %add3A_355 : i32 to vector<16xi32>
        %le3A_761 = arith.cmpi sle, %add3A_664, %le3A : vector<16xi32>
        tpu.vector_store_idx %arg21[%min3A_666], %add3A_760 masked %le3A_761 : memref<416xf32, #tpu.memory_space<vmem>>[vector<16xi32>], vector<16xf32>, vector<16xi1>
      }
      %scan3A_337 = arith.constant 8 : i32
      %mul3A_338 = arith.constant 50 : i32
      %mul3A_339 = arith.muli %add3A_331, %mul3A_338 : i32
      "tpu.region"() ({
        %run_scoped3A = tpu.sem_alloc : memref<!tpu.dma_semaphore, #tpu.memory_space<semaphore_mem>>
        %dma_start3A_340 = arith.constant 0 : i32
        %dma_start3A_341 = tpu.memref_slice %arg21[%dma_start3A_340] : memref<416xf32, #tpu.memory_space<vmem>> -> memref<400xf32, #tpu.memory_space<vmem>>
        %dma_start3A_342 = tpu.memref_slice %arg7[%mul3A_339] : memref<819200xf32, #tpu.memory_space<hbm>> -> memref<400xf32, #tpu.memory_space<hbm>>
        %dma_start3A_343 = tpu.memref_slice %arg7[%mul3A_339] : memref<819200xf32, #tpu.memory_space<hbm>> -> memref<400xf32, #tpu.memory_space<hbm>>
        %dma_start3A_344 = arith.constant 0 : i32
        %dma_start3A_345 = tpu.memref_slice %arg21[%dma_start3A_344] : memref<416xf32, #tpu.memory_space<vmem>> -> memref<400xf32, #tpu.memory_space<vmem>>
        tpu.enqueue_dma source(%dma_start3A_345 : memref<400xf32, #tpu.memory_space<vmem>>) target(%dma_start3A_343 : memref<400xf32, #tpu.memory_space<hbm>>) target_semaphore(%run_scoped3A : memref<!tpu.dma_semaphore, #tpu.memory_space<semaphore_mem>>)
        %dma_wait3A_346 = arith.constant 0 : i32
        %dma_wait3A_347 = tpu.memref_slice %arg21[%dma_wait3A_346] : memref<416xf32, #tpu.memory_space<vmem>> -> memref<400xf32, #tpu.memory_space<vmem>>
        %dma_wait3A_348 = tpu.memref_slice %arg7[%mul3A_339] : memref<819200xf32, #tpu.memory_space<hbm>> -> memref<400xf32, #tpu.memory_space<hbm>>
        %dma_wait3A_349 = tpu.memref_slice %arg7[%mul3A_339] : memref<819200xf32, #tpu.memory_space<hbm>> -> memref<400xf32, #tpu.memory_space<hbm>>
        %dma_wait3A_350 = arith.constant 0 : i32
        %dma_wait3A_351 = tpu.memref_slice %arg21[%dma_wait3A_350] : memref<416xf32, #tpu.memory_space<vmem>> -> memref<400xf32, #tpu.memory_space<vmem>>
        tpu.wait_dma2 semaphore(%run_scoped3A : memref<!tpu.dma_semaphore, #tpu.memory_space<semaphore_mem>>) src(%dma_wait3A_351 : memref<400xf32, #tpu.memory_space<vmem>>) dst(%dma_wait3A_349 : memref<400xf32, #tpu.memory_space<hbm>>)
        tpu.yield
      }) : () -> ()
    }
    %scan3A_69 = arith.constant 32 : i32
    return
  }
}

</mosaic_0001>

<sc_bundles>
// kernel: kernel.3.cloned.1.call-start
scs
__scs_entry_jumppad:
0x0: {  	(pc) =	sbr.rel $0x88, $3  }
0x1: {  	(tag) =	ssettag $0x0;
	lr =	simm.s32 $0x1  }
0x2: {  	[smem:$0x3F9B] =	sst lr;
	_ =	strace $0xD0000000  }
0x3: {  	_ = 	snop  }
0x4: {  	_ = 	snop  }
0x5: {  	_ = 	snop  }
0x6: {  	_ = 	snop  }
0x7: {  	_ = 	snop  }
__scs_overlays_trampoline_lowered:
0x8: {  	[smem:$0x3FAA] =	sst s0  }
0x9: {  	[smem:$0x3FAB] =	sst s1  }
0xa: {  	[smem:$0x3FAC] =	sst s2  }
0xb: {  	[smem:$0x3FAD] =	sst s3  }
0xc: {  	[smem:$0x3FAE] =	sst s4  }
0xd: {  	[smem:$0x3FAF] =	sst s5  }
0xe: {  	[smem:$0x3FB0] =	sst s6  }
0xf: {  	[smem:$0x3FB1] =	sst s7  }
0x10: {  	[smem:$0x3FB2] =	sst s8  }
0x11: {  	[smem:$0x3FB3] =	sst s9;
	s0 =	simm.s32 @!p0 $0x0  }
0x12: {  	s1 =	sld [smem:$0x3F99];
	s0 =	simm.s32 @p0 $0x1  }
0x13: {  	[smem:$0x3FB4] =	sst s0;
	s0 =	simm.s32 @!p1 $0x0  }
0x14: {  	s2 =	sld [smem:$0x3F98];
	s0 =	simm.s32 @p1 $0x1  }
0x15: {  	[smem:$0x3FB5] =	sst s0;
	s0 =	simm.s32 @!p2 $0x0  }
0x16: {  	s3 =	sld [smem:$0x3FDB];
	s0 =	simm.s32 @p2 $0x1  }
0x17: {  	s4 =	simm.s32 $0x1BF5;
	[smem:$0x3FB7] =	sst s0  }
0x18: {  	s0 =	sld [smem:$0x3F9A];
	_ =	swait.ge [sflag:s4], $0x0  }
0x19: {  	s7 =	sld [smem:$0x3F9B]  }
0x1a: {  	s8 =	sadd.s32 $0xFFFFE003, lr  }
0x1b: {  	s9 =	sadd.s32 $0xFFFFFEF7, lr;
	s5 =	simm.s32 $0xFFFFFFFF;
	p2 =	slt.u32 s8, $0xFFFFF086  }
0x1c: {  	p1 =	slt.u32 s9, $0xF7A;
	s5 =	simm.s32 @!p2 $0x0  }
0x1d: {  	s5 =	simm.s32 @p1 $0x1;
	p0 =	seq.s32 s7, s2  }
0x1e: {  	s7 =	smul.u32 @!p0 $0xF7A, s2;
	p2 =	seq.s32 @!p0 s5, $0x0  }
0x1f: {  	s9 =	smul.u32 $0xF7A, s1;
	s8 =	simm.s32 @!p0 $0x1BF5;
	p2 =	por !p2, p0  }
0x20: {  	[sflag:s8] =	ssyncset.s32 @!p0 $0xFFFFF086;
	s6 =	sadd.s32 @!p0 s3, s7;
	s7 =	simm.s32 @!p0 $0x108  }
0x21: {  	s3 =	sadd.s32 s3, s9;
	s6 =	sadd.s32 @!p0 $0x88, s6;
	s7 =	simm.s32 @p2 $0x1082  }
0x22: {  	[simem:s7], [sflag:s8] =	dma.local @!p0 [hbm:s6], $0xF7A  }
0x23: {  	s9 =	sor.u32 $0xD0000000, s2;
	s6 =	simm.s32 $0x108;
	_ =	swait.ge @!p0 [sflag:s8], $0x0  }
0x24: {  	s3 =	sadd.s32 $0x88, s3;
	s6 =	simm.s32 @!p1 $0x1082;
	[sflag:s4] =	ssyncset.s32 $0xFFFFF086  }
0x25: {  	[simem:s6], [sflag:s4] =	dma.local [hbm:s3], $0xF7A  }
0x26: {  	[smem:$0x3F9B] =	sst s1;
	(tag) =	ssettag s2;
	_ =	strace s9  }
0x27: {  	s1 =	sld [smem:$0x3FAB]  }
0x28: {  	s2 =	sld [smem:$0x3FAC]  }
0x29: {  	s4 =	sld [smem:$0x3FAE]  }
0x2a: {  	p0 =	seq.s32 s5, $0x0;
	s5 =	sld [smem:$0x3FAF]  }
0x2b: {  	s6 =	sld [smem:$0x3FB0]  }
0x2c: {  	s7 =	sld [smem:$0x3FB1]  }
0x2d: {  	s3 =	simm.s32 $0x108;
	s8 =	sld [smem:$0x3FB2]  }
0x2e: {  	s3 =	simm.s32 @!p0 $0x1082;
	s9 =	sld [smem:$0x3FB3]  }
0x2f: {  	lr =	sadd.s32 s0, s3;
	s0 =	sld [smem:$0x3FAA]  }
0x30: {  	s3 =	sld [smem:$0x3FAD]  }
0x31: {  	[smem:$0x3FB6] =	sst s10  }
0x32: {  	s10 =	sld [smem:$0x3FB4];
	_ =	sdelay $0x3  }
0x33: {  	p0 =	seq.s32 s10, $0x1;
	s10 =	sld [smem:$0x3FB6];
	_ =	sdelay $0x3  }
0x34: {  	[smem:$0x3FB6] =	sst s10  }
0x35: {  	s10 =	sld [smem:$0x3FB5];
	_ =	sdelay $0x3  }
0x36: {  	p1 =	seq.s32 s10, $0x1;
	s10 =	sld [smem:$0x3FB6];
	_ =	sdelay $0x3  }
0x37: {  	[smem:$0x3FB6] =	sst s10  }
0x38: {  	s10 =	sld [smem:$0x3FB7]  }
0x39: {  	_ = 	snop;
	(pc) =	sbr.ind lr, $3  }
0x3a: {  	_ = 	snop  }
0x3b: {  	_ = 	snop  }
0x3c: {  	p2 =	seq.s32 s10, $0x1;
	s10 =	sld [smem:$0x3FB6]  }
0x3d: {  	_ =	shalt  }
0x3e: {  	_ =	shalt  }
0x3f: {  	_ =	shalt  }
0x40: {  	_ =	shalt  }
0x41: {  	_ =	shalt  }
0x42: {  	_ =	shalt  }
0x43: {  	_ =	shalt  }
0x44: {  	_ =	shalt  }
0x45: {  	_ =	shalt  }
0x46: {  	_ =	shalt  }
0x47: {  	_ =	shalt  }
0x48: {  	_ =	shalt  }
0x49: {  	_ =	shalt  }
0x4a: {  	_ =	shalt  }
0x4b: {  	_ =	shalt  }
0x4c: {  	_ =	shalt  }
0x4d: {  	_ =	shalt  }
0x4e: {  	_ =	shalt  }
0x4f: {  	_ =	shalt  }
0x50: {  	_ =	shalt  }
0x51: {  	_ =	shalt  }
0x52: {  	_ =	shalt  }
0x53: {  	_ =	shalt  }
0x54: {  	_ =	shalt  }
0x55: {  	_ =	shalt  }
0x56: {  	_ =	shalt  }
0x57: {  	_ =	shalt  }
0x58: {  	_ =	shalt  }
0x59: {  	_ =	shalt  }
0x5a: {  	_ =	shalt  }
0x5b: {  	_ =	shalt  }
0x5c: {  	_ =	shalt  }
0x5d: {  	_ =	shalt  }
0x5e: {  	_ =	shalt  }
0x5f: {  	_ =	shalt  }
0x60: {  	_ =	shalt  }
0x61: {  	_ =	shalt  }
0x62: {  	_ =	shalt  }
0x63: {  	_ =	shalt  }
0x64: {  	_ =	shalt  }
0x65: {  	_ =	shalt  }
0x66: {  	_ =	shalt  }
0x67: {  	_ =	shalt  }
0x68: {  	_ =	shalt  }
0x69: {  	_ =	shalt  }
0x6a: {  	_ =	shalt  }
0x6b: {  	_ =	shalt  }
0x6c: {  	_ =	shalt  }
0x6d: {  	_ =	shalt  }
0x6e: {  	_ =	shalt  }
0x6f: {  	_ =	shalt  }
0x70: {  	_ =	shalt  }
0x71: {  	_ =	shalt  }
0x72: {  	_ =	shalt  }
0x73: {  	_ =	shalt  }
0x74: {  	_ =	shalt  }
0x75: {  	_ =	shalt  }
0x76: {  	_ =	shalt  }
0x77: {  	_ =	shalt  }
0x78: {  	_ =	shalt  }
0x79: {  	_ =	shalt  }
0x7a: {  	_ =	shalt  }
0x7b: {  	_ =	shalt  }
0x7c: {  	_ =	shalt  }
0x7d: {  	_ =	shalt  }
0x7e: {  	_ =	shalt  }
0x7f: {  	_ =	shalt  }
0x80: {  	_ =	shalt  }
0x81: {  	_ =	shalt  }
0x82: {  	_ =	shalt  }
0x83: {  	_ =	shalt  }
0x84: {  	_ =	shalt  }
0x85: {  	_ =	shalt  }
0x86: {  	_ =	shalt  }
0x87: {  	_ =	shalt  }
.Lfunc_end0:
.L_simem_size_0:
called_computation_lowered:
.L_overlay_start_0:
0x88: {  	s2 =	sld [smem:$0x3FD9]  }
0x89: {  	s3 =	sld [smem:$0x3FFE];
	_ =	sdelay $0x1  }
0x8a: {  	s1 =	srdreg.scid  }
0x8b: {  	s0 =	sand.u32 $0x1, s1  }
0x8c: {  	s17 =	sshll.u32 s0, $0xA;
	s2 =	sadd.s32 s3, s2  }
0x8d: {  	s2 =	sadd.s32 s2, s17  }
0x8e: {  	[smem:$0x3FC2] =	sst s2  }
0x8f: {  	_ = 	snop  }
0x90: {  	s2 =	sld [smem:$0x3FC9]  }
0x91: {  	s18 =	sld [smem:$0x3FD0];
	(tm) =	ssettm $0x1  }
0x92: {  	s4 =	sld [smem:$0x3FFB];
	_ =	sdelay $0x3  }
0x93: {  	_ =	strace s4  }
0x94: {  	s4 =	sld [smem:$0x3FFC];
	_ =	sdelay $0x3  }
0x95: {  	_ =	strace s4  }
0x96: {  	s4 =	sld [smem:$0x3FFD];
	_ =	sdelay $0x3  }
0x97: {  	_ =	strace s4  }
0x98: {  	_ =	strace $0x8FFFFFFF  }
0x99: {  	s19 =	sld [smem:$0x3FDB];
	_ =	sdelay $0x1  }
0x9a: {  	s5 =	simm.s32 $_scs_section_size  }
0x9b: {  	s6 =	simm.s32 $_size__tile_overlayer_lowered;
	s7 =	simm.s32 $_tile_overlayer_lowered  }
0x9c: {  	s22 =	simm.s32 $0x1BFF;
	s21 =	sshll.u32 s7, $0x1;
	s4 =	sadd.s32 s5, s19  }
0x9d: {  	s8 =	simm.s32 $0x0;
	s20 =	sshll.u32 s6, $0x1;
	s6 =	sadd.s32 s21, s4  }
0x9e: {  	[timem:s8], [sflag:s22] =	dma.local [hbm:s6], s20  }
0x9f: {  	_ =	swait.ge [sflag:s22], s20  }
0xa0: {  	s5 =	ssub.s32 $0x0, s20;
	[sflag:s22] =	ssyncset.done $0x0  }
0xa1: {  	[sflag:s22] =	ssyncadd.s32 s5;
	_ =	sdelay $0x1  }
0xa2: {  	s23 =	simm.s32 $0x1B8B  }
0xa3: {  	_ =	swait.ge [sflag:s23], $0x1  }
0xa4: {  	[sflag:s23] =	ssyncset.done $0x0  }
0xa5: {  	s25 =	simm.s32 $0x1B8E;
	s24 =	sld [smem:$0x3FFE];
	[sflag:s23] =	ssyncadd.s32 $0xFFFFFFFF  }
0xa6: {  	s26 =	simm.s32 $execute0_lowered;
	[smem:$0x3FD2] =	sst s25  }
0xa7: {  	s6 =	sshll.u32 s26, $0x1;
	_ =	strace $0x80000046;
	[dreg:$0x1] =	wrdreg $0xFFFFFFFF  }
0xa8: {  	s28 =	simm.s32 $_size_execute0_lowered;
	s4 =	sadd.s32 s4, s6;
	[dreg:$0x0] =	wrdreg $0x0  }
0xa9: {  	s6 =	sshll.u32 s28, $0x1;
	[dreg:$0x2] =	wrdreg s4  }
0xaa: {  	[dreg:$0x3] =	wrdreg s6  }
0xab: {  	[dreg:$0x4] =	wrdreg $0xC0  }
0xac: {  	_ =	task [dreg:s8], $0x5FFFF  }
0xad: {  	[dreg:$0x1] =	wrdreg $0xFFFFFFFF  }
0xae: {  	[dreg:$0x0] =	wrdreg $0x60  }
0xaf: {  	[dreg:$0x2] =	wrdreg s2  }
0xb0: {  	[dreg:$0x3] =	wrdreg s18  }
0xb1: {  	[dreg:$0x4] =	wrdreg s24  }
0xb2: {  	[dreg:$0x5] =	wrdreg $0x9  }
0xb3: {  	_ =	task.clear_ibuf [dreg:s8], $0x6FFFF;
	_ =	strace $0x90000046  }
0xb4: {  	s29 =	simm.s32 $0x9;
	_ =	strace $0x80000048  }
0xb5: {  	_ =	swait.ge [sflag:s29], $0x1  }
0xb6: {  	[sflag:s29] =	ssyncadd.s32 $0xFFFFFFFF  }
0xb7: {  	_ =	strace $0x90000048  }
0xb8: {  	_ =	sfence  }
0xb9: {  	s30 =	sld [smem:$0x0];
	_ =	sdelay $0x2  }
0xba: {  	s31 =	sshll.u32 s1, $0xD;
	s1 =	sshrl.u32 s1, $0x2  }
0xbb: {  	s3 =	sand.u32 $0x4000, s31;
	s1 =	sadd.s32 s1, s30  }
0xbc: {  	s0 =	sor.u32 s3, s0;
	s1 =	sshll.u32 s1, $0x11  }
0xbd: {  	s0 =	sor.u32 s1, s0  }
0xbe: {  	s0 =	sadd.s32 $0x8F2B, s0  }
0xbf: {  	[sflag:s0] =	ssyncadd.remote.s32 $0x1  }
0xc0: {  	_ =	sfence.sel $0xFFFF  }
0xc1: {  	[dreg:$0x0] =	wrdreg $0xFFFFFFFF;
	(pc) =	sbr.abs _section_cstart, $3  }
0xc2: {  	[dreg:$0x1] =	wrdreg $0xFFFFFFFF  }
0xc3: {  	_ =	task.clear_ibuf [dreg:s8], $0x2FFFF;
	_ =	strace $0x9FFFFFFF  }
0xc4: {  	(tm) =	ssettm $0x7FFFFFFF  }
0xc5: {  	_ =	shalt  }
tec
execute0_lowered:
.L_overlay_start_1:
0x0: {  	(tag) =	ssettag $0x1  }
0x1: {  	s30 =	rddreg [dreg:$0x0]  }
0x2: {  	s9 =	rddreg [dreg:$0x1]  }
0x3: {  	s2 =	rddreg [dreg:$0x2];
	s4 =	simm.s32 $0x0;
	s0 =	srdreg.scid  }
0x4: {  	s1 =	stileid.u32;
	s13 =	simm.s32 $0x3;
	s14 =	simm.s32 $0x80  }
0x5: {  	s17 =	simm.s32 $0xD080;
	s19 =	simm.s32 $0xCE80;
	s31 =	simm.s32 $0x1  }
0x6: {  	s18 =	simm.s32 $0x1A180;
	s22 =	simm.s32 $0x19F80;
	s12 =	simm.s32 $0x1A200  }
0x7: {  	s16 =	simm.s32 $0x1BD00;
	s21 =	simm.s32 $0x2;
	[smem:$0x7FF] =	sst s4  }
0x8: {  	s6 =	sadd.s32 $0x1EC1C00, s2;
	s7 =	sadd.s32 $0x1E84800, s2;
	s0 =	sand.u32 $0x1, s0  }
0x9: {  	s1 =	sshll.u32 s1, $0x1;
	s8 =	sadd.s32 $0x1EA3200, s2;
	s2 =	simm.s32 $0x0  }
0xa: {  	_ =	strace $0x80000047;
	s24 =	ssub.s32 $0x2, s0;
	s0 =	sor.u32 s0, s1  }
0xb: {  	s3 =	sshll.u32 s0, $0x6;
	s5 =	smul.u32 $0xC80, s0;
	s0 =	sshll.u32 s0, $0x9  }
0xc: {  	s25 =	sshrl.u32 s24, $0x1;
	[dreg:$0x4] =	wrdreg s0;
	s26 =	sadd.s32 s30, s3  }
0xd: {  	s1 =	ssub.s32 s24, s25;
	[dreg:$0x5] =	wrdreg s26;
	s28 =	sadd.s32 s9, s5  }
0xe: {  	s0 =	simm.s32 $0xD100;
	s29 =	smax.u32 s1, $0x1;
	[dreg:$0x6] =	wrdreg s28  }
0xf: {  	v0 =	vlaneseq.u32;
	s26 =	simm.s32 $0x10;
	s5 =	simm.s32 $0xD180;
	[dreg:$0x7] =	wrdreg s29  }
.LBB2_1:
0x10: {  	[dreg:$0x8] =	wrdreg s2  }
0x11: {  	s1 =	rddreg [dreg:$0x5]  }
0x12: {  	[tilespmem:s4], [sflag:$0x3] =	stream.linear.gather [hbm4b:s1+s4], $0x8, $0x38;
	[tilespmem:$0x1BF00] =	vst v63  }
0x13: {  	_ =	swait.ge [sflag:s13], $0x8  }
0x14: {  	[sflag:s13] =	ssyncset.done $0x0  }
0x15: {  	s28 =	rddreg [dreg:$0x6];
	[sflag:s13] =	ssyncadd.s32 $0xFFFFFFF8  }
0x16: {  	[tilespmem:s14], [sflag:$0x3] =	stream.linear.gather [hbm4b:s28+s4], $0x190, $0x38;
	[tilespmem:$0x1BF00] =	vst v63  }
0x17: {  	_ =	swait.ge [sflag:s13], $0x190  }
0x18: {  	[sflag:s13] =	ssyncset.done $0x0  }
0x19: {  	s29 =	simm.s32 $0x8;
	s3 =	simm.s32 $0x280;
	[sflag:s13] =	ssyncadd.s32 $0xFFFFFE70  }
0x1a: {  	[tilespmem:s3], [sflag:$0x1] =	stream.indirect.gather [hbm4b:s6+s29], $0x80, s4, s29, $0xb8;
	[tilespmem:$0x1BF00] =	vst v63  }
0x1b: {  	_ = 	snop  }
0x1c: {  	[tilespmem:s17], [sflag:$0x1] =	stream.indirect.gather [hbm4b:s8+s29], $0x1, s4, s29, $0xb8;
	[tilespmem:$0x1BF00] =	vst v63  }
0x1d: {  	s9 =	simm.s32 $0x680  }
0x1e: {  	[tilespmem:s9], [sflag:$0x1] =	stream.indirect.gather [hbm4b:s6+s14], $0x80, s14, s14, $0xb8;
	[tilespmem:$0x1BF00] =	vst v63  }
0x1f: {  	_ = 	snop  }
0x20: {  	[tilespmem:s19], [sflag:$0x1] =	stream.indirect.gather [hbm4b:s7+s14], $0x1, s14, s14, $0xb8;
	[tilespmem:$0x1BF00] =	vst v63  }
0x21: {  	s10 =	simm.s32 $0x100;
	s11 =	simm.s32 $0x4680  }
0x22: {  	[tilespmem:s11], [sflag:$0x1] =	stream.indirect.gather [hbm4b:s6+s14], $0x80, s10, s14, $0xb8;
	[tilespmem:$0x1BF00] =	vst v63  }
0x23: {  	s15 =	simm.s32 $0xCF00  }
0x24: {  	[tilespmem:s15], [sflag:$0x1] =	stream.indirect.gather [hbm4b:s7+s14], $0x1, s10, s14, $0xb8;
	[tilespmem:$0x1BF00] =	vst v63  }
0x25: {  	s20 =	simm.s32 $0x180;
	s23 =	simm.s32 $0x8680  }
0x26: {  	[tilespmem:s23], [sflag:$0x1] =	stream.indirect.gather [hbm4b:s6+s14], $0x80, s20, s14, $0xb8;
	[tilespmem:$0x1BF00] =	vst v63  }
0x27: {  	s24 =	simm.s32 $0xCF80  }
0x28: {  	[tilespmem:s24], [sflag:$0x1] =	stream.indirect.gather [hbm4b:s7+s14], $0x1, s20, s14, $0xb8;
	[tilespmem:$0x1BF00] =	vst v63  }
0x29: {  	s25 =	simm.s32 $0x200;
	s28 =	simm.s32 $0xC680  }
0x2a: {  	[tilespmem:s28], [sflag:$0x1] =	stream.indirect.gather [hbm4b:s6+s26], $0x80, s25, s26, $0xb8;
	[tilespmem:$0x1BF00] =	vst v63  }
0x2b: {  	s29 =	simm.s32 $0xD000  }
0x2c: {  	[tilespmem:s29], [sflag:$0x1] =	stream.indirect.gather [hbm4b:s7+s26], $0x1, s25, s26, $0xb8;
	[tilespmem:$0x1BF00] =	vst v63  }
0x2d: {  	s25 =	simm.s32 $0x0  }
.LBB2_2:
0x2e: {  	_ =	swait.ge [sflag:s31], $0x400  }
0x2f: {  	[sflag:s31] =	ssyncset.done $0x0  }
0x30: {  	[sflag:s31] =	ssyncadd.s32 $0xFFFFFC00  }
0x31: {  	_ =	swait.ge [sflag:s31], $0x8  }
0x32: {  	[sflag:s31] =	ssyncset.done $0x0  }
0x33: {  	[sflag:s31] =	ssyncadd.s32 $0xFFFFFFF8  }
0x34: {  	_ =	swait.ge [sflag:s31], $0x4000  }
0x35: {  	[sflag:s31] =	ssyncset.done $0x0  }
0x36: {  	[sflag:s31] =	ssyncadd.s32 $0xFFFFC000  }
0x37: {  	_ =	swait.ge [sflag:s31], $0x80  }
0x38: {  	[sflag:s31] =	ssyncset.done $0x0  }
0x39: {  	[sflag:s31] =	ssyncadd.s32 $0xFFFFFF80  }
0x3a: {  	_ =	swait.ge [sflag:s31], $0x4000  }
0x3b: {  	[sflag:s31] =	ssyncset.done $0x0  }
0x3c: {  	[sflag:s31] =	ssyncadd.s32 $0xFFFFC000  }
0x3d: {  	_ =	swait.ge [sflag:s31], $0x80  }
0x3e: {  	[sflag:s31] =	ssyncset.done $0x0  }
0x3f: {  	[sflag:s31] =	ssyncadd.s32 $0xFFFFFF80  }
0x40: {  	_ =	swait.ge [sflag:s31], $0x4000  }
0x41: {  	[sflag:s31] =	ssyncset.done $0x0  }
0x42: {  	[sflag:s31] =	ssyncadd.s32 $0xFFFFC000  }
0x43: {  	_ =	swait.ge [sflag:s31], $0x80  }
0x44: {  	[sflag:s31] =	ssyncset.done $0x0  }
0x45: {  	[sflag:s31] =	ssyncadd.s32 $0xFFFFFF80  }
0x46: {  	_ =	swait.ge [sflag:s31], $0x800  }
0x47: {  	s1 =	sshll.u32 s25, $0x4;
	[sflag:s31] =	ssyncset.done $0x0;
	s2 =	rddreg [dreg:$0x4]  }
0x48: {  	s20 =	sadd.s32 s2, s1;
	[sflag:s31] =	ssyncadd.s32 $0xFFFFF800  }
0x49: {  	_ =	swait.ge [sflag:s31], $0x10;
	s1 =	sor.u32 $0x8, s20  }
0x4a: {  	[sflag:s31] =	ssyncset.done $0x0;
	s28 =	sshrl.u32 s1, $0x3  }
0x4b: {  	s23 =	simm.s32 $0x0;
	[sflag:s31] =	ssyncadd.s32 $0xFFFFFFF0;
	s2 =	sadd.s32 s30, s28  }
0x4c: {  	[tilespmem:s0], [sflag:$0x3] =	stream.linear.gather [hbm4b:s2+s23], $0x8, $0x38;
	[tilespmem:$0x1BF00] =	vst v63  }
0x4d: {  	_ =	swait.ge [sflag:s13], $0x8  }
0x4e: {  	s1 =	smul.u32 $0x32, s1;
	[sflag:s13] =	ssyncset.done $0x0  }
0x4f: {  	[sflag:s13] =	ssyncadd.s32 $0xFFFFFFF8  }
0x50: {  	s29 =	sshrl.u32 s1, $0x3;
	s2 =	rddreg [dreg:$0x1]  }
0x51: {  	s1 =	sadd.s32 s2, s29  }
0x52: {  	[tilespmem:s5], [sflag:$0x3] =	stream.linear.gather [hbm4b:s1+s23], $0x190, $0x38;
	[tilespmem:$0x1BF00] =	vst v63  }
0x53: {  	_ =	swait.ge [sflag:s13], $0x190  }
0x54: {  	[sflag:s13] =	ssyncset.done $0x0  }
0x55: {  	s3 =	simm.s32 $0x8;
	s9 =	simm.s32 $0xD380;
	[sflag:s13] =	ssyncadd.s32 $0xFFFFFE70  }
0x56: {  	[tilespmem:s9], [sflag:$0x2] =	stream.indirect.gather [hbm4b:s6+s3], $0x80, s0, s3, $0xb8;
	[tilespmem:$0x1BF00] =	vst v63  }
0x57: {  	_ = 	snop  }
0x58: {  	[tilespmem:s18], [sflag:$0x2] =	stream.indirect.gather [hbm4b:s8+s3], $0x1, s0, s3, $0xb8;
	[tilespmem:$0x1BF00] =	vst v63  }
0x59: {  	s10 =	simm.s32 $0xD780  }
0x5a: {  	[tilespmem:s10], [sflag:$0x2] =	stream.indirect.gather [hbm4b:s6+s14], $0x80, s5, s14, $0xb8;
	[tilespmem:$0x1BF00] =	vst v63  }
0x5b: {  	_ = 	snop  }
0x5c: {  	[tilespmem:s22], [sflag:$0x2] =	stream.indirect.gather [hbm4b:s7+s14], $0x1, s5, s14, $0xb8;
	[tilespmem:$0x1BF00] =	vst v63  }
0x5d: {  	s11 =	simm.s32 $0xD200;
	s24 =	simm.s32 $0x11780  }
0x5e: {  	[tilespmem:s24], [sflag:$0x2] =	stream.indirect.gather [hbm4b:s6+s14], $0x80, s11, s14, $0xb8;
	[tilespmem:$0x1BF00] =	vst v63  }
0x5f: {  	s28 =	simm.s32 $0x1A000  }
0x60: {  	[tilespmem:s28], [sflag:$0x2] =	stream.indirect.gather [hbm4b:s7+s14], $0x1, s11, s14, $0xb8;
	[tilespmem:$0x1BF00] =	vst v63  }
0x61: {  	s9 =	simm.s32 $0x15780;
	s3 =	simm.s32 $0xD280  }
0x62: {  	[tilespmem:s9], [sflag:$0x2] =	stream.indirect.gather [hbm4b:s6+s14], $0x80, s3, s14, $0xb8;
	[tilespmem:$0x1BF00] =	vst v63  }
0x63: {  	s10 =	simm.s32 $0x1A080  }
0x64: {  	[tilespmem:s10], [sflag:$0x2] =	stream.indirect.gather [hbm4b:s7+s14], $0x1, s3, s14, $0xb8;
	[tilespmem:$0x1BF00] =	vst v63  }
0x65: {  	s15 =	smov.u32 s30;
	s24 =	simm.s32 $0x19780;
	s11 =	simm.s32 $0xD300  }
0x66: {  	[tilespmem:s24], [sflag:$0x2] =	stream.indirect.gather [hbm4b:s6+s26], $0x80, s11, s26, $0xb8;
	[tilespmem:$0x1BF00] =	vst v63  }
0x67: {  	s30 =	simm.s32 $0x7A0;
	s28 =	simm.s32 $0x1A100;
	s24 =	simm.s32 $0x44  }
0x68: {  	[tilespmem:s28], [sflag:$0x2] =	stream.indirect.gather [hbm4b:s7+s26], $0x1, s11, s26, $0xb8;
	[tilespmem:$0x1BF00] =	vst v63  }
.LBB2_3:
0x69: {  	v1 =	vld [tilespmem:s30+$0xFFFFFEE0]  }
0x6a: {  	v6 =	vld [tilespmem:s30+$0xFFFFFF10]  }
0x6b: {  	s1 =	sshll.u32 s23, $0x7;
	v7 =	vld [tilespmem:s30+$0xFFFFFF00]  }
0x6c: {  	v8 =	vld [tilespmem:s30+$0xFFFFFEF0];
	s1 =	sand.u32 $0x3FFFFF80, s1  }
0x6d: {  	v4 =	vld [tilespmem:s1+$0x2C0]  }
0x6e: {  	v5 =	vld [tilespmem:s1+$0x2D0]  }
0x6f: {  	v2 =	vld [tilespmem:s1+$0x2E0]  }
0x70: {  	v3 =	vld [tilespmem:s1+$0x2F0];
	_ =	sdelay $0x3  }
0x71: {  	v1 =	vmul.f32 v1, v4;
	v7 =	vmul.f32 v7, v2  }
0x72: {  	s9 =	sadd.s32 $0xFFFFFFBC, s24;
	v8 =	vmul.f32 v8, v5;
	v6 =	vmul.f32 v6, v3  }
0x73: {  	v9 =	vmov s23;
	v10 =	vadd.s32 s9, v0  }
0x74: {  	v1 =	vadd.f32 v8, v1;
	v6 =	vadd.f32 v6, v7;
	_ =	sdelay $0x1  }
0x75: {  	v6 =	vadd.f32 v6, v1;
	_ =	sdelay $0x1  }
0x76: {  	v1 =	vld.idx.msk [tilespmem:v9+s17+$0x0], $0xffff;
	[tilespmem:v10+s12+$0x0] =	vst.idx.msk $0xffff, v6  }
0x77: {  	v6 =	vld [tilespmem:s30+$0xFFFFFF90]  }
0x78: {  	v7 =	vld [tilespmem:s30+$0xFFFFFF60]  }
0x79: {  	v8 =	vld [tilespmem:s30+$0xFFFFFF80]  }
0x7a: {  	v58 =	vld [tilespmem:s30+$0xFFFFFF70];
	_ =	sdelay $0x3  }
0x7b: {  	v7 =	vmul.f32 v7, v4;
	v8 =	vmul.f32 v8, v2  }
0x7c: {  	s10 =	sadd.s32 $0xFFFFFFCD, s24;
	v6 =	vmul.f32 v6, v3;
	v9 =	vmul.f32 v58, v5  }
0x7d: {  	v59 =	vadd.s32 s10, v0  }
0x7e: {  	v6 =	vadd.f32 v6, v8;
	v7 =	vadd.f32 v9, v7;
	_ =	sdelay $0x1  }
0x7f: {  	v6 =	vadd.f32 v6, v7;
	_ =	sdelay $0x1  }
0x80: {  	[tilespmem:v59+s12+$0x0] =	vst.idx.msk $0xffff, v6  }
0x81: {  	v6 =	vld [tilespmem:s30+$0xFFFFFFE0]  }
0x82: {  	v7 =	vld [tilespmem:s30+$0xFFFFFFF0]  }
0x83: {  	v8 =	vld [tilespmem:s30+$0x0]  }
0x84: {  	v60 =	vld [tilespmem:s30+$0x10];
	_ =	sdelay $0x3  }
0x85: {  	v7 =	vmul.f32 v7, v5;
	v6 =	vmul.f32 v6, v4  }
0x86: {  	s11 =	sadd.s32 $0xFFFFFFDE, s24;
	v8 =	vmul.f32 v8, v2;
	v9 =	vmul.f32 v60, v3  }
0x87: {  	v61 =	vadd.s32 s11, v0  }
0x88: {  	v6 =	vadd.f32 v7, v6;
	v7 =	vadd.f32 v9, v8;
	_ =	sdelay $0x1  }
0x89: {  	v6 =	vadd.f32 v7, v6;
	_ =	sdelay $0x1  }
0x8a: {  	[tilespmem:v61+s12+$0x0] =	vst.idx.msk $0xffff, v6  }
0x8b: {  	v6 =	vld [tilespmem:s30+$0x90]  }
0x8c: {  	v7 =	vld [tilespmem:s30+$0x70]  }
0x8d: {  	v8 =	vld [tilespmem:s30+$0x80]  }
0x8e: {  	v62 =	vld [tilespmem:s30+$0x60];
	_ =	sdelay $0x3  }
0x8f: {  	v7 =	vmul.f32 v7, v5;
	v8 =	vmul.f32 v8, v2  }
0x90: {  	s28 =	sadd.s32 $0xFFFFFFEF, s24;
	v6 =	vmul.f32 v6, v3;
	v9 =	vmul.f32 v62, v4  }
0x91: {  	v63 =	vadd.s32 s28, v0  }
0x92: {  	v6 =	vadd.f32 v6, v8;
	v7 =	vadd.f32 v7, v9;
	_ =	sdelay $0x1  }
0x93: {  	v6 =	vadd.f32 v6, v7;
	_ =	sdelay $0x1  }
0x94: {  	[tilespmem:v63+s12+$0x0] =	vst.idx.msk $0xffff, v6  }
0x95: {  	s2 =	simm.s32 $0x0;
	s3 =	smov.u32 s24;
	s11 =	smov.u32 s30;
	v6 =	vld [tilespmem:s30+$0xE0]  }
0x96: {  	s9 =	smov.u32 s30;
	s10 =	smov.u32 s24;
	s1 =	smul.u32 $0x32, s23;
	v7 =	vld [tilespmem:s30+$0xF0]  }
.LBB2_4:
0x97: {  	s2 =	sadd.s32 $0x5, s2;
	v8 =	vld [tilespmem:s11+$0x110];
	s3 =	sadd.s32 $0x55, s3;
	s9 =	sadd.s32 $0x280, s9  }
0x98: {  	p0 =	slt.u32 s2, $0x2D;
	v9 =	vld [tilespmem:s11+$0x100];
	s11 =	smov.u32 s9;
	_ =	sdelay $0x2  }
0x99: {  	v6 =	vmul.f32 v6, v4;
	v7 =	vmul.f32 v7, v5  }
0x9a: {  	v8 =	vmul.f32 v8, v3  }
0x9b: {  	v6 =	vadd.f32 v7, v6;
	v7 =	vmul.f32 v9, v2;
	v9 =	vadd.s32 s10, v0;
	s10 =	smov.u32 s3;
	_ =	sdelay $0x1  }
0x9c: {  	v7 =	vadd.f32 v8, v7;
	_ =	sdelay $0x1  }
0x9d: {  	v6 =	vadd.f32 v7, v6;
	_ =	sdelay $0x1  }
0x9e: {  	[tilespmem:v9+s12+$0x0] =	vst.idx.msk $0xffff, v6  }
0x9f: {  	v6 =	vld [tilespmem:s9+$0xFFFFFEE0]  }
0xa0: {  	v7 =	vld [tilespmem:s9+$0xFFFFFF10]  }
0xa1: {  	v8 =	vld [tilespmem:s9+$0xFFFFFF00]  }
0xa2: {  	v9 =	vld [tilespmem:s9+$0xFFFFFEF0];
	_ =	sdelay $0x3  }
0xa3: {  	v6 =	vmul.f32 v6, v4;
	v8 =	vmul.f32 v8, v2  }
0xa4: {  	s28 =	sadd.s32 $0xFFFFFFBC, s3;
	v7 =	vmul.f32 v7, v3;
	v9 =	vmul.f32 v9, v5  }
0xa5: {  	v10 =	vadd.s32 s28, v0  }
0xa6: {  	v7 =	vadd.f32 v7, v8;
	v6 =	vadd.f32 v9, v6;
	_ =	sdelay $0x1  }
0xa7: {  	v6 =	vadd.f32 v7, v6;
	_ =	sdelay $0x1  }
0xa8: {  	[tilespmem:v10+s12+$0x0] =	vst.idx.msk $0xffff, v6  }
0xa9: {  	v6 =	vld [tilespmem:s9+$0xFFFFFF90]  }
0xaa: {  	v7 =	vld [tilespmem:s9+$0xFFFFFF60]  }
0xab: {  	v8 =	vld [tilespmem:s9+$0xFFFFFF80]  }
0xac: {  	v9 =	vld [tilespmem:s9+$0xFFFFFF70];
	_ =	sdelay $0x2  }
0xad: {  	v7 =	vmul.f32 v7, v4  }
0xae: {  	v6 =	vmul.f32 v6, v3;
	v8 =	vmul.f32 v8, v2  }
0xaf: {  	s28 =	sadd.s32 $0xFFFFFFCD, s3;
	v9 =	vmul.f32 v9, v5  }
0xb0: {  	v6 =	vadd.f32 v6, v8;
	v8 =	vadd.s32 s28, v0  }
0xb1: {  	v7 =	vadd.f32 v9, v7;
	_ =	sdelay $0x1  }
0xb2: {  	v6 =	vadd.f32 v6, v7;
	_ =	sdelay $0x1  }
0xb3: {  	[tilespmem:v8+s12+$0x0] =	vst.idx.msk $0xffff, v6  }
0xb4: {  	v6 =	vld [tilespmem:s9+$0xFFFFFFE0]  }
0xb5: {  	v7 =	vld [tilespmem:s9+$0xFFFFFFF0]  }
0xb6: {  	v8 =	vld [tilespmem:s9+$0x0]  }
0xb7: {  	v9 =	vld [tilespmem:s9+$0x10];
	_ =	sdelay $0x2  }
0xb8: {  	v7 =	vmul.f32 v7, v5  }
0xb9: {  	v6 =	vmul.f32 v6, v4  }
0xba: {  	s28 =	sadd.s32 $0xFFFFFFDE, s3;
	v8 =	vmul.f32 v8, v2;
	v9 =	vmul.f32 v9, v3  }
0xbb: {  	v10 =	vadd.s32 s28, v0  }
0xbc: {  	v6 =	vadd.f32 v7, v6;
	v7 =	vadd.f32 v9, v8;
	_ =	sdelay $0x1  }
0xbd: {  	v6 =	vadd.f32 v7, v6;
	_ =	sdelay $0x1  }
0xbe: {  	[tilespmem:v10+s12+$0x0] =	vst.idx.msk $0xffff, v6  }
0xbf: {  	v6 =	vld [tilespmem:s9+$0x90]  }
0xc0: {  	v7 =	vld [tilespmem:s9+$0x70]  }
0xc1: {  	v8 =	vld [tilespmem:s9+$0x80]  }
0xc2: {  	v9 =	vld [tilespmem:s9+$0x60];
	_ =	sdelay $0x2  }
0xc3: {  	v7 =	vmul.f32 v7, v5  }
0xc4: {  	v6 =	vmul.f32 v6, v3;
	v8 =	vmul.f32 v8, v2  }
0xc5: {  	s28 =	sadd.s32 $0xFFFFFFEF, s3;
	v9 =	vmul.f32 v9, v4  }
0xc6: {  	v6 =	vadd.f32 v6, v8;
	v8 =	vadd.s32 s28, v0  }
0xc7: {  	v7 =	vadd.f32 v7, v9;
	_ =	sdelay $0x1  }
.Ltmp0:
0xc8: {  	v6 =	vadd.f32 v6, v7;
	(pc) =	sbr.rel @p0 .LBB2_4-.Ltmp0, $4  }
0xc9: {  	_ = 	snop  }
0xca: {  	[tilespmem:v8+s12+$0x0] =	vst.idx.msk $0xffff, v6  }
0xcb: {  	v6 =	vld [tilespmem:s9+$0xE0]  }
0xcc: {  	v7 =	vld [tilespmem:s9+$0xF0]  }
0xcd: {  	v8 =	vld [tilespmem:s11+$0x110]  }
0xce: {  	v9 =	vld [tilespmem:s11+$0x100];
	_ =	sdelay $0x3  }
0xcf: {  	s2 =	sadd.s32 $0x31, s1;
	v42 =	vadd.s32 s1, v0;
	v4 =	vmul.f32 v6, v4;
	v5 =	vmul.f32 v7, v5  }
0xd0: {  	vm0 =	vlt.s32 v42, s2;
	v3 =	vmul.f32 v8, v3;
	v2 =	vmul.f32 v9, v2  }
0xd1: {  	v43 =	vadd.s32 s10, v0;
	v6 =	vnsel vm0, s2, v42  }
0xd2: {  	v4 =	vadd.f32 v5, v4;
	v2 =	vadd.f32 v3, v2;
	v3 =	vmul.u32 $0x11, v6;
	_ =	sdelay $0x1  }
0xd3: {  	v2 =	vadd.f32 v2, v4;
	v44 =	vadd.s32 $0x1, v3  }
0xd4: {  	v45 =	vadd.s32 $0x2, v3  }
0xd5: {  	v46 =	vadd.s32 $0x4, v3;
	[tilespmem:v43+s12+$0x0] =	vst.idx.msk $0xffff, v2  }
0xd6: {  	v10 =	vadd.s32 $0x5, v3;
	v7 =	vld.idx.msk [tilespmem:v6+s19+$0x0], $0xffff  }
0xd7: {  	v11 =	vadd.s32 $0x6, v3;
	v47 =	vld.idx.msk [tilespmem:v3+s12+$0x0], $0xffff  }
0xd8: {  	v12 =	vadd.s32 $0x7, v3;
	v4 =	vld.idx.msk [tilespmem:v44+s12+$0x0], $0xffff  }
0xd9: {  	v13 =	vadd.s32 $0x8, v3;
	v5 =	vld.idx.msk [tilespmem:v45+s12+$0x0], $0xffff  }
0xda: {  	v14 =	vadd.s32 $0x9, v3;
	v8 =	vld.idx.msk [tilespmem:v46+s12+$0x0], $0xffff  }
0xdb: {  	v2 =	vadd.s32 $0x3, v3;
	v10 =	vld.idx.msk [tilespmem:v10+s12+$0x0], $0xffff  }
0xdc: {  	v15 =	vadd.s32 $0xA, v3;
	v11 =	vld.idx.msk [tilespmem:v11+s12+$0x0], $0xffff  }
0xdd: {  	v16 =	vadd.s32 $0xB, v3;
	v12 =	vld.idx.msk [tilespmem:v12+s12+$0x0], $0xffff  }
0xde: {  	v17 =	vadd.s32 $0xC, v3;
	v13 =	vld.idx.msk [tilespmem:v13+s12+$0x0], $0xffff  }
0xdf: {  	v18 =	vadd.s32 $0xD, v3;
	v14 =	vld.idx.msk [tilespmem:v14+s12+$0x0], $0xffff  }
0xe0: {  	v19 =	vadd.s32 $0xE, v3;
	v2 =	vld.idx.msk [tilespmem:v2+s12+$0x0], $0xffff  }
0xe1: {  	v3 =	vadd.s32 $0xF, v3;
	v15 =	vld.idx.msk [tilespmem:v15+s12+$0x0], $0xffff  }
0xe2: {  	v16 =	vld.idx.msk [tilespmem:v16+s12+$0x0], $0xffff;
	v7 =	vadd.f32 v7, v1  }
0xe3: {  	v17 =	vld.idx.msk [tilespmem:v17+s12+$0x0], $0xffff  }
0xe4: {  	v48 =	vld.idx.msk [tilespmem:v18+s12+$0x0], $0xffff;
	v7 =	vadd.f32 v47, v7;
	v4 =	vadd.f32 $0.0e+00, v4  }
0xe5: {  	v49 =	vld.idx.msk [tilespmem:v19+s12+$0x0], $0xffff;
	v5 =	vadd.f32 $0.0e+00, v5;
	v2 =	vadd.f32 $0.0e+00, v2  }
0xe6: {  	v3 =	vld.idx.msk [tilespmem:v3+s12+$0x0], $0xffff;
	v7 =	vadd.f32 v8, v7;
	v4 =	vadd.f32 v10, v4  }
0xe7: {  	v5 =	vadd.f32 v11, v5;
	v2 =	vadd.f32 v12, v2  }
0xe8: {  	v7 =	vadd.f32 v13, v7;
	v4 =	vadd.f32 v14, v4  }
0xe9: {  	s3 =	sadd.s32 $0x10, s1;
	v5 =	vadd.f32 v15, v5;
	v2 =	vadd.f32 v16, v2  }
0xea: {  	v50 =	vadd.s32 s3, v0;
	v7 =	vadd.f32 v17, v7;
	v4 =	vadd.f32 v48, v4  }
0xeb: {  	vm12 =	vlt.s32 v50, s2;
	v5 =	vadd.f32 v49, v5;
	v2 =	vadd.f32 v3, v2  }
0xec: {  	v3 =	vnsel vm12, s2, v50  }
0xed: {  	v4 =	vadd.f32 v4, v7;
	v51 =	vmul.u32 $0x11, v3;
	v2 =	vadd.f32 v2, v5;
	_ =	sdelay $0x1  }
0xee: {  	v52 =	vadd.s32 $0x1, v51;
	v2 =	vadd.f32 v2, v4  }
0xef: {  	v53 =	vadd.s32 $0x2, v51  }
0xf0: {  	v54 =	vadd.s32 $0x4, v51;
	[tilespmem:v6+s16+$0x0] =	vst.idx.msk $0xffff, v2  }
0xf1: {  	v56 =	vadd.s32 $0x5, v51;
	v6 =	vld.idx.msk [tilespmem:v3+s19+$0x0], $0xffff  }
0xf2: {  	v57 =	vadd.s32 $0x6, v51;
	v55 =	vld.idx.msk [tilespmem:v51+s12+$0x0], $0xffff  }
0xf3: {  	v58 =	vadd.s32 $0x7, v51;
	v4 =	vld.idx.msk [tilespmem:v52+s12+$0x0], $0xffff  }
0xf4: {  	v59 =	vadd.s32 $0x8, v51;
	v7 =	vld.idx.msk [tilespmem:v53+s12+$0x0], $0xffff  }
0xf5: {  	v60 =	vadd.s32 $0x9, v51;
	v8 =	vld.idx.msk [tilespmem:v54+s12+$0x0], $0xffff  }
0xf6: {  	v2 =	vadd.s32 $0x3, v51;
	v10 =	vld.idx.msk [tilespmem:v56+s12+$0x0], $0xffff  }
0xf7: {  	v61 =	vadd.s32 $0xA, v51;
	v11 =	vld.idx.msk [tilespmem:v57+s12+$0x0], $0xffff  }
0xf8: {  	v62 =	vadd.s32 $0xB, v51;
	v12 =	vld.idx.msk [tilespmem:v58+s12+$0x0], $0xffff  }
0xf9: {  	v63 =	vadd.s32 $0xC, v51;
	v13 =	vld.idx.msk [tilespmem:v59+s12+$0x0], $0xffff  }
0xfa: {  	v21 =	vadd.s32 $0xD, v51;
	v14 =	vld.idx.msk [tilespmem:v60+s12+$0x0], $0xffff  }
0xfb: {  	v22 =	vadd.s32 $0xE, v51;
	v2 =	vld.idx.msk [tilespmem:v2+s12+$0x0], $0xffff  }
0xfc: {  	v5 =	vadd.s32 $0xF, v51;
	v15 =	vld.idx.msk [tilespmem:v61+s12+$0x0], $0xffff  }
0xfd: {  	v16 =	vld.idx.msk [tilespmem:v62+s12+$0x0], $0xffff  }
0xfe: {  	v17 =	vld.idx.msk [tilespmem:v63+s12+$0x0], $0xffff;
	v6 =	vadd.f32 v6, v1  }
0xff: {  	v23 =	vld.idx.msk [tilespmem:v21+s12+$0x0], $0xffff;
	v4 =	vadd.f32 $0.0e+00, v4;
	v7 =	vadd.f32 $0.0e+00, v7  }
0x100: {  	v24 =	vld.idx.msk [tilespmem:v22+s12+$0x0], $0xffff;
	v6 =	vadd.f32 v55, v6;
	v2 =	vadd.f32 $0.0e+00, v2  }
0x101: {  	v5 =	vld.idx.msk [tilespmem:v5+s12+$0x0], $0xffff;
	v4 =	vadd.f32 v10, v4;
	v7 =	vadd.f32 v11, v7  }
0x102: {  	v6 =	vadd.f32 v8, v6;
	v2 =	vadd.f32 v12, v2  }
0x103: {  	v4 =	vadd.f32 v14, v4;
	v7 =	vadd.f32 v15, v7  }
0x104: {  	s11 =	sadd.s32 $0x20, s1;
	v6 =	vadd.f32 v13, v6;
	v2 =	vadd.f32 v16, v2  }
0x105: {  	v25 =	vadd.s32 s11, v0;
	v4 =	vadd.f32 v23, v4;
	v7 =	vadd.f32 v24, v7  }
0x106: {  	vm13 =	vlt.s32 v25, s2;
	v6 =	vadd.f32 v17, v6;
	v2 =	vadd.f32 v5, v2  }
0x107: {  	v26 =	vnsel vm13, s2, v25  }
0x108: {  	v27 =	vmul.u32 $0x11, v26;
	v4 =	vadd.f32 v4, v6;
	v2 =	vadd.f32 v2, v7;
	_ =	sdelay $0x1  }
0x109: {  	v28 =	vadd.s32 $0x1, v27;
	v2 =	vadd.f32 v2, v4  }
0x10a: {  	v29 =	vadd.s32 $0x2, v27  }
0x10b: {  	v30 =	vadd.s32 $0x4, v27;
	[tilespmem:v3+s16+$0x0] =	vst.idx.msk $0xffff, v2  }
0x10c: {  	v32 =	vadd.s32 $0x5, v27;
	v3 =	vld.idx.msk [tilespmem:v26+s19+$0x0], $0xffff  }
0x10d: {  	v33 =	vadd.s32 $0x6, v27;
	v31 =	vld.idx.msk [tilespmem:v27+s12+$0x0], $0xffff  }
0x10e: {  	v34 =	vadd.s32 $0x7, v27;
	v4 =	vld.idx.msk [tilespmem:v28+s12+$0x0], $0xffff  }
0x10f: {  	v35 =	vadd.s32 $0x8, v27;
	v7 =	vld.idx.msk [tilespmem:v29+s12+$0x0], $0xffff  }
0x110: {  	v36 =	vadd.s32 $0x9, v27;
	v8 =	vld.idx.msk [tilespmem:v30+s12+$0x0], $0xffff  }
0x111: {  	v2 =	vadd.s32 $0x3, v27;
	v10 =	vld.idx.msk [tilespmem:v32+s12+$0x0], $0xffff  }
0x112: {  	v37 =	vadd.s32 $0xA, v27;
	v11 =	vld.idx.msk [tilespmem:v33+s12+$0x0], $0xffff  }
0x113: {  	v38 =	vadd.s32 $0xB, v27;
	v12 =	vld.idx.msk [tilespmem:v34+s12+$0x0], $0xffff  }
0x114: {  	v39 =	vadd.s32 $0xC, v27;
	v13 =	vld.idx.msk [tilespmem:v35+s12+$0x0], $0xffff  }
0x115: {  	v40 =	vadd.s32 $0xD, v27;
	v14 =	vld.idx.msk [tilespmem:v36+s12+$0x0], $0xffff  }
0x116: {  	v41 =	vadd.s32 $0xE, v27;
	v2 =	vld.idx.msk [tilespmem:v2+s12+$0x0], $0xffff  }
0x117: {  	v6 =	vadd.s32 $0xF, v27;
	v15 =	vld.idx.msk [tilespmem:v37+s12+$0x0], $0xffff  }
0x118: {  	v16 =	vld.idx.msk [tilespmem:v38+s12+$0x0], $0xffff  }
0x119: {  	v17 =	vld.idx.msk [tilespmem:v39+s12+$0x0], $0xffff;
	v3 =	vadd.f32 v3, v1  }
0x11a: {  	v42 =	vld.idx.msk [tilespmem:v40+s12+$0x0], $0xffff;
	v4 =	vadd.f32 $0.0e+00, v4;
	v7 =	vadd.f32 $0.0e+00, v7  }
0x11b: {  	v43 =	vld.idx.msk [tilespmem:v41+s12+$0x0], $0xffff;
	v3 =	vadd.f32 v31, v3;
	v2 =	vadd.f32 $0.0e+00, v2  }
0x11c: {  	v6 =	vld.idx.msk [tilespmem:v6+s12+$0x0], $0xffff;
	v4 =	vadd.f32 v10, v4;
	v7 =	vadd.f32 v11, v7  }
0x11d: {  	v3 =	vadd.f32 v8, v3;
	v2 =	vadd.f32 v12, v2  }
0x11e: {  	v4 =	vadd.f32 v14, v4;
	v7 =	vadd.f32 v15, v7  }
0x11f: {  	s28 =	sadd.s32 $0x30, s1;
	v3 =	vadd.f32 v13, v3;
	v2 =	vadd.f32 v16, v2  }
0x120: {  	v44 =	vadd.s32 s28, v0;
	v4 =	vadd.f32 v42, v4;
	v7 =	vadd.f32 v43, v7  }
0x121: {  	vm14 =	vlt.s32 v44, s2;
	v3 =	vadd.f32 v17, v3;
	v2 =	vadd.f32 v6, v2  }
0x122: {  	v45 =	vnsel vm14, s2, v44  }
0x123: {  	v46 =	vmul.u32 $0x11, v45;
	v3 =	vadd.f32 v4, v3;
	v2 =	vadd.f32 v2, v7;
	_ =	sdelay $0x1  }
0x124: {  	v47 =	vadd.s32 $0x2, v46;
	v2 =	vadd.f32 v2, v3  }
0x125: {  	v48 =	vadd.s32 $0x4, v46  }
0x126: {  	v50 =	vadd.s32 $0x5, v46;
	[tilespmem:v26+s16+$0x0] =	vst.idx.msk $0xffff, v2  }
0x127: {  	v51 =	vadd.s32 $0x6, v46;
	v5 =	vld.idx.msk [tilespmem:v45+s19+$0x0], $0xffff  }
0x128: {  	v52 =	vadd.s32 $0x7, v46;
	v49 =	vld.idx.msk [tilespmem:v46+s12+$0x0], $0xffff  }
0x129: {  	v53 =	vadd.s32 $0x8, v46;
	v7 =	vld.idx.msk [tilespmem:v47+s12+$0x0], $0xffff  }
0x12a: {  	v54 =	vadd.s32 $0x9, v46;
	v9 =	vld.idx.msk [tilespmem:v48+s12+$0x0], $0xffff  }
0x12b: {  	v3 =	vadd.s32 $0x1, v46;
	v11 =	vld.idx.msk [tilespmem:v50+s12+$0x0], $0xffff  }
0x12c: {  	v2 =	vadd.s32 $0x3, v46;
	v12 =	vld.idx.msk [tilespmem:v51+s12+$0x0], $0xffff  }
0x12d: {  	v55 =	vadd.s32 $0xA, v46;
	v13 =	vld.idx.msk [tilespmem:v52+s12+$0x0], $0xffff  }
0x12e: {  	v56 =	vadd.s32 $0xB, v46;
	v14 =	vld.idx.msk [tilespmem:v53+s12+$0x0], $0xffff  }
0x12f: {  	v57 =	vadd.s32 $0xC, v46;
	v15 =	vld.idx.msk [tilespmem:v54+s12+$0x0], $0xffff  }
0x130: {  	v58 =	vadd.s32 $0xD, v46;
	v3 =	vld.idx.msk [tilespmem:v3+s12+$0x0], $0xffff  }
0x131: {  	v20 =	vadd.s32 $0xE, v46;
	v2 =	vld.idx.msk [tilespmem:v2+s12+$0x0], $0xffff  }
0x132: {  	v4 =	vadd.s32 $0xF, v46;
	v16 =	vld.idx.msk [tilespmem:v55+s12+$0x0], $0xffff  }
0x133: {  	v59 =	vld.idx.msk [tilespmem:v56+s12+$0x0], $0xffff;
	v1 =	vadd.f32 v5, v1  }
0x134: {  	v60 =	vld.idx.msk [tilespmem:v57+s12+$0x0], $0xffff  }
0x135: {  	v61 =	vld.idx.msk [tilespmem:v58+s12+$0x0], $0xffff;
	v7 =	vadd.f32 $0.0e+00, v7;
	v1 =	vadd.f32 v49, v1  }
0x136: {  	v62 =	vld.idx.msk [tilespmem:v20+s12+$0x0], $0xffff;
	v3 =	vadd.f32 $0.0e+00, v3;
	v2 =	vadd.f32 $0.0e+00, v2  }
0x137: {  	v4 =	vld.idx.msk [tilespmem:v4+s12+$0x0], $0xffff;
	v7 =	vadd.f32 v12, v7;
	v1 =	vadd.f32 v9, v1  }
0x138: {  	v3 =	vadd.f32 v11, v3;
	v2 =	vadd.f32 v13, v2  }
0x139: {  	v7 =	vadd.f32 v16, v7;
	v1 =	vadd.f32 v14, v1  }
0x13a: {  	v3 =	vadd.f32 v15, v3;
	v2 =	vadd.f32 v59, v2  }
0x13b: {  	v63 =	vadd.f32 v62, v7;
	v1 =	vadd.f32 v60, v1  }
0x13c: {  	s23 =	sadd.s32 $0x1, s23;
	vm15 =	vle.u32 v44, s2;
	v3 =	vadd.f32 v61, v3;
	v2 =	vadd.f32 v4, v2  }
0x13d: {  	p0 =	sne.s32 s23, $0x8  }
.Ltmp1:
0x13e: {  	v1 =	vadd.f32 v3, v1;
	v2 =	vadd.f32 v2, v63;
	(pc) =	sbr.rel @p0 .LBB2_3-.Ltmp1, $3  }
0x13f: {  	_ = 	snop  }
0x140: {  	v1 =	vadd.f32 v2, v1;
	_ =	sdelay $0x1  }
0x141: {  	s24 =	sadd.s32 $0x352, s24;
	s30 =	sadd.s32 $0x1900, s30;
	[tilespmem:v45+s16+$0x0] =	vst.idx.msk vm15, v1  }
0x142: {  	s1 =	smul.u32 $0x32, s20;
	_ =	sdelay $0x1  }
0x143: {  	s2 =	rddreg [dreg:$0x2];
	s1 =	sshrl.u32 s1, $0x3  }
0x144: {  	p0 =	seq.s32 s25, $0x1F;
	s1 =	sadd.s32 s2, s1  }
0x145: {  	[hbm4b:s1+s4] =	stream.linear.scatter [tilespmem:s16], [sflag:$0x3], $0x190, $0x38;
	[tilespmem:$0x1BF00] =	vst v63  }
0x146: {  	s1 =	sadd.s32 @!p0 $0x10, s20;
	_ =	swait.ge [sflag:s13], $0x190  }
0x147: {  	s2 =	sshrl.u32 @!p0 s1, $0x3;
	[sflag:s13] =	ssyncset.done $0x0  }
0x148: {  	s3 =	simm.s32 @!p0 $0x0;
	s2 =	sadd.s32 @!p0 s15, s2;
	[sflag:s13] =	ssyncadd.s32 $0xFFFFFE70  }
0x149: {  	[tilespmem:s3], [sflag:$0x3] =	stream.linear.gather @!p0 [hbm4b:s2+s3], $0x8, $0x38;
	[tilespmem:$0x1BF00] =	vst v63  }
0x14a: {  	s2 =	simm.s32 @!p0 $0x3  }
0x14b: {  	_ =	swait.ge @!p0 [sflag:s2], $0x8  }
0x14c: {  	s1 =	smul.u32 @!p0 $0x32, s1;
	[sflag:s2] =	ssyncset.done @!p0 $0x0  }
0x14d: {  	[sflag:s2] =	ssyncadd.s32 @!p0 $0xFFFFFFF8  }
0x14e: {  	s1 =	sshrl.u32 @!p0 s1, $0x3;
	s9 =	rddreg [dreg:$0x1]  }
0x14f: {  	s1 =	sadd.s32 @!p0 s9, s1;
	s9 =	simm.s32 @!p0 $0x80  }
0x150: {  	[tilespmem:s9], [sflag:$0x3] =	stream.linear.gather @!p0 [hbm4b:s1+s3], $0x190, $0x38;
	[tilespmem:$0x1BF00] =	vst v63  }
0x151: {  	_ =	swait.ge @!p0 [sflag:s2], $0x190  }
0x152: {  	[sflag:s2] =	ssyncset.done @!p0 $0x0  }
0x153: {  	s1 =	simm.s32 @!p0 $0x8;
	[sflag:s2] =	ssyncadd.s32 @!p0 $0xFFFFFE70;
	s2 =	simm.s32 @!p0 $0x280  }
0x154: {  	[tilespmem:s2], [sflag:$0x1] =	stream.indirect.gather @!p0 [hbm4b:s6+s1], $0x80, s3, s1, $0xb8;
	[tilespmem:$0x1BF00] =	vst v63  }
0x155: {  	s2 =	simm.s32 @!p0 $0xD080  }
0x156: {  	[tilespmem:s2], [sflag:$0x1] =	stream.indirect.gather @!p0 [hbm4b:s8+s1], $0x1, s3, s1, $0xb8;
	[tilespmem:$0x1BF00] =	vst v63  }
0x157: {  	s1 =	simm.s32 @!p0 $0x680  }
0x158: {  	[tilespmem:s1], [sflag:$0x1] =	stream.indirect.gather @!p0 [hbm4b:s6+s9], $0x80, s9, s9, $0xb8;
	[tilespmem:$0x1BF00] =	vst v63  }
0x159: {  	s1 =	simm.s32 @!p0 $0xCE80  }
0x15a: {  	[tilespmem:s1], [sflag:$0x1] =	stream.indirect.gather @!p0 [hbm4b:s7+s9], $0x1, s9, s9, $0xb8;
	[tilespmem:$0x1BF00] =	vst v63  }
0x15b: {  	s2 =	simm.s32 @!p0 $0x4680;
	s1 =	simm.s32 @!p0 $0x100  }
0x15c: {  	[tilespmem:s2], [sflag:$0x1] =	stream.indirect.gather @!p0 [hbm4b:s6+s9], $0x80, s1, s9, $0xb8;
	[tilespmem:$0x1BF00] =	vst v63  }
0x15d: {  	s2 =	simm.s32 @!p0 $0xCF00  }
0x15e: {  	[tilespmem:s2], [sflag:$0x1] =	stream.indirect.gather @!p0 [hbm4b:s7+s9], $0x1, s1, s9, $0xb8;
	[tilespmem:$0x1BF00] =	vst v63  }
0x15f: {  	s1 =	simm.s32 @!p0 $0x180;
	s2 =	simm.s32 @!p0 $0x8680  }
0x160: {  	[tilespmem:s2], [sflag:$0x1] =	stream.indirect.gather @!p0 [hbm4b:s6+s9], $0x80, s1, s9, $0xb8;
	[tilespmem:$0x1BF00] =	vst v63  }
0x161: {  	s2 =	simm.s32 @!p0 $0xCF80  }
0x162: {  	[tilespmem:s2], [sflag:$0x1] =	stream.indirect.gather @!p0 [hbm4b:s7+s9], $0x1, s1, s9, $0xb8;
	[tilespmem:$0x1BF00] =	vst v63  }
0x163: {  	s3 =	simm.s32 @!p0 $0xC680;
	s1 =	simm.s32 @!p0 $0x10;
	s2 =	simm.s32 @!p0 $0x200  }
0x164: {  	[tilespmem:s3], [sflag:$0x1] =	stream.indirect.gather @!p0 [hbm4b:s6+s1], $0x80, s2, s1, $0xb8;
	[tilespmem:$0x1BF00] =	vst v63  }
0x165: {  	s3 =	simm.s32 @!p0 $0xD000  }
0x166: {  	[tilespmem:s3], [sflag:$0x1] =	stream.indirect.gather @!p0 [hbm4b:s7+s1], $0x1, s2, s1, $0xb8;
	[tilespmem:$0x1BF00] =	vst v63  }
0x167: {  	_ =	swait.ge [sflag:s21], $0x400  }
0x168: {  	[sflag:s21] =	ssyncset.done $0x0  }
0x169: {  	[sflag:s21] =	ssyncadd.s32 $0xFFFFFC00  }
0x16a: {  	_ =	swait.ge [sflag:s21], $0x8  }
0x16b: {  	[sflag:s21] =	ssyncset.done $0x0  }
0x16c: {  	[sflag:s21] =	ssyncadd.s32 $0xFFFFFFF8  }
0x16d: {  	_ =	swait.ge [sflag:s21], $0x4000  }
0x16e: {  	[sflag:s21] =	ssyncset.done $0x0  }
0x16f: {  	[sflag:s21] =	ssyncadd.s32 $0xFFFFC000  }
0x170: {  	_ =	swait.ge [sflag:s21], $0x80  }
0x171: {  	[sflag:s21] =	ssyncset.done $0x0  }
0x172: {  	[sflag:s21] =	ssyncadd.s32 $0xFFFFFF80  }
0x173: {  	_ =	swait.ge [sflag:s21], $0x4000  }
0x174: {  	[sflag:s21] =	ssyncset.done $0x0  }
0x175: {  	[sflag:s21] =	ssyncadd.s32 $0xFFFFC000  }
0x176: {  	_ =	swait.ge [sflag:s21], $0x80  }
0x177: {  	[sflag:s21] =	ssyncset.done $0x0  }
0x178: {  	[sflag:s21] =	ssyncadd.s32 $0xFFFFFF80  }
0x179: {  	_ =	swait.ge [sflag:s21], $0x4000  }
0x17a: {  	[sflag:s21] =	ssyncset.done $0x0  }
0x17b: {  	[sflag:s21] =	ssyncadd.s32 $0xFFFFC000  }
0x17c: {  	_ =	swait.ge [sflag:s21], $0x80  }
0x17d: {  	[sflag:s21] =	ssyncset.done $0x0  }
0x17e: {  	[sflag:s21] =	ssyncadd.s32 $0xFFFFFF80  }
0x17f: {  	_ =	swait.ge [sflag:s21], $0x800  }
0x180: {  	[sflag:s21] =	ssyncset.done $0x0  }
0x181: {  	[sflag:s21] =	ssyncadd.s32 $0xFFFFF800  }
0x182: {  	_ =	swait.ge [sflag:s21], $0x10  }
0x183: {  	s30 =	smov.u32 s15;
	s10 =	simm.s32 $0x44;
	[sflag:s21] =	ssyncset.done $0x0  }
0x184: {  	s11 =	simm.s32 $0xD8A0;
	s20 =	simm.s32 $0x0;
	[sflag:s21] =	ssyncadd.s32 $0xFFFFFFF0  }
.LBB2_7:
0x185: {  	v1 =	vld [tilespmem:s11+$0xFFFFFEE0]  }
0x186: {  	v6 =	vld [tilespmem:s11+$0xFFFFFF10]  }
0x187: {  	s1 =	sshll.u32 s20, $0x7;
	v7 =	vld [tilespmem:s11+$0xFFFFFF00]  }
0x188: {  	v8 =	vld [tilespmem:s11+$0xFFFFFEF0];
	s1 =	sand.u32 $0x3FFFFF80, s1  }
0x189: {  	v4 =	vld [tilespmem:s1+$0xD3C0]  }
0x18a: {  	v5 =	vld [tilespmem:s1+$0xD3D0]  }
0x18b: {  	v2 =	vld [tilespmem:s1+$0xD3E0]  }
0x18c: {  	v3 =	vld [tilespmem:s1+$0xD3F0];
	_ =	sdelay $0x3  }
0x18d: {  	v1 =	vmul.f32 v1, v4;
	v7 =	vmul.f32 v7, v2  }
0x18e: {  	s15 =	sadd.s32 $0xFFFFFFBC, s10;
	v8 =	vmul.f32 v8, v5;
	v6 =	vmul.f32 v6, v3  }
0x18f: {  	v9 =	vmov s20;
	v10 =	vadd.s32 s15, v0  }
0x190: {  	v1 =	vadd.f32 v8, v1;
	v6 =	vadd.f32 v6, v7;
	_ =	sdelay $0x1  }
0x191: {  	v6 =	vadd.f32 v6, v1;
	_ =	sdelay $0x1  }
0x192: {  	v1 =	vld.idx.msk [tilespmem:v9+s18+$0x0], $0xffff;
	[tilespmem:v10+s12+$0x0] =	vst.idx.msk $0xffff, v6  }
0x193: {  	v6 =	vld [tilespmem:s11+$0xFFFFFF90]  }
0x194: {  	v7 =	vld [tilespmem:s11+$0xFFFFFF60]  }
0x195: {  	v8 =	vld [tilespmem:s11+$0xFFFFFF80]  }
0x196: {  	v58 =	vld [tilespmem:s11+$0xFFFFFF70];
	_ =	sdelay $0x3  }
0x197: {  	v7 =	vmul.f32 v7, v4;
	v8 =	vmul.f32 v8, v2  }
0x198: {  	s23 =	sadd.s32 $0xFFFFFFCD, s10;
	v6 =	vmul.f32 v6, v3;
	v9 =	vmul.f32 v58, v5  }
0x199: {  	v59 =	vadd.s32 s23, v0  }
0x19a: {  	v6 =	vadd.f32 v6, v8;
	v7 =	vadd.f32 v9, v7;
	_ =	sdelay $0x1  }
0x19b: {  	v6 =	vadd.f32 v6, v7;
	_ =	sdelay $0x1  }
0x19c: {  	[tilespmem:v59+s12+$0x0] =	vst.idx.msk $0xffff, v6  }
0x19d: {  	v6 =	vld [tilespmem:s11+$0xFFFFFFE0]  }
0x19e: {  	v7 =	vld [tilespmem:s11+$0xFFFFFFF0]  }
0x19f: {  	v8 =	vld [tilespmem:s11+$0x0]  }
0x1a0: {  	v60 =	vld [tilespmem:s11+$0x10];
	_ =	sdelay $0x3  }
0x1a1: {  	v7 =	vmul.f32 v7, v5;
	v6 =	vmul.f32 v6, v4  }
0x1a2: {  	s24 =	sadd.s32 $0xFFFFFFDE, s10;
	v8 =	vmul.f32 v8, v2;
	v9 =	vmul.f32 v60, v3  }
0x1a3: {  	v61 =	vadd.s32 s24, v0  }
0x1a4: {  	v6 =	vadd.f32 v7, v6;
	v7 =	vadd.f32 v9, v8;
	_ =	sdelay $0x1  }
0x1a5: {  	v6 =	vadd.f32 v7, v6;
	_ =	sdelay $0x1  }
0x1a6: {  	[tilespmem:v61+s12+$0x0] =	vst.idx.msk $0xffff, v6  }
0x1a7: {  	v6 =	vld [tilespmem:s11+$0x90]  }
0x1a8: {  	v7 =	vld [tilespmem:s11+$0x70]  }
0x1a9: {  	v8 =	vld [tilespmem:s11+$0x80]  }
0x1aa: {  	v62 =	vld [tilespmem:s11+$0x60];
	_ =	sdelay $0x3  }
0x1ab: {  	v7 =	vmul.f32 v7, v5;
	v8 =	vmul.f32 v8, v2  }
0x1ac: {  	s28 =	sadd.s32 $0xFFFFFFEF, s10;
	v6 =	vmul.f32 v6, v3;
	v9 =	vmul.f32 v62, v4  }
0x1ad: {  	v63 =	vadd.s32 s28, v0  }
0x1ae: {  	v6 =	vadd.f32 v6, v8;
	v7 =	vadd.f32 v7, v9;
	_ =	sdelay $0x1  }
0x1af: {  	v6 =	vadd.f32 v6, v7;
	_ =	sdelay $0x1  }
0x1b0: {  	[tilespmem:v63+s12+$0x0] =	vst.idx.msk $0xffff, v6  }
0x1b1: {  	s2 =	simm.s32 $0x0;
	s9 =	smov.u32 s11;
	s3 =	smov.u32 s10;
	v6 =	vld [tilespmem:s11+$0xE0]  }
0x1b2: {  	s23 =	smov.u32 s10;
	s24 =	smov.u32 s11;
	s1 =	smul.u32 $0x32, s20;
	v7 =	vld [tilespmem:s11+$0xF0]  }
.LBB2_8:
0x1b3: {  	s2 =	sadd.s32 $0x5, s2;
	v8 =	vld [tilespmem:s9+$0x110];
	s23 =	sadd.s32 $0x55, s23;
	s24 =	sadd.s32 $0x280, s24  }
0x1b4: {  	p0 =	slt.u32 s2, $0x2D;
	v9 =	vld [tilespmem:s9+$0x100];
	s9 =	smov.u32 s24;
	_ =	sdelay $0x2  }
0x1b5: {  	v6 =	vmul.f32 v6, v4;
	v7 =	vmul.f32 v7, v5  }
0x1b6: {  	v8 =	vmul.f32 v8, v3  }
0x1b7: {  	v6 =	vadd.f32 v7, v6;
	v7 =	vmul.f32 v9, v2;
	v9 =	vadd.s32 s3, v0;
	s3 =	smov.u32 s23;
	_ =	sdelay $0x1  }
0x1b8: {  	v7 =	vadd.f32 v8, v7;
	_ =	sdelay $0x1  }
0x1b9: {  	v6 =	vadd.f32 v7, v6;
	_ =	sdelay $0x1  }
0x1ba: {  	[tilespmem:v9+s12+$0x0] =	vst.idx.msk $0xffff, v6  }
0x1bb: {  	v6 =	vld [tilespmem:s24+$0xFFFFFEE0]  }
0x1bc: {  	v7 =	vld [tilespmem:s24+$0xFFFFFF10]  }
0x1bd: {  	v8 =	vld [tilespmem:s24+$0xFFFFFF00]  }
0x1be: {  	v9 =	vld [tilespmem:s24+$0xFFFFFEF0];
	_ =	sdelay $0x3  }
0x1bf: {  	v6 =	vmul.f32 v6, v4;
	v8 =	vmul.f32 v8, v2  }
0x1c0: {  	s28 =	sadd.s32 $0xFFFFFFBC, s23;
	v7 =	vmul.f32 v7, v3;
	v9 =	vmul.f32 v9, v5  }
0x1c1: {  	v10 =	vadd.s32 s28, v0  }
0x1c2: {  	v7 =	vadd.f32 v7, v8;
	v6 =	vadd.f32 v9, v6;
	_ =	sdelay $0x1  }
0x1c3: {  	v6 =	vadd.f32 v7, v6;
	_ =	sdelay $0x1  }
0x1c4: {  	[tilespmem:v10+s12+$0x0] =	vst.idx.msk $0xffff, v6  }
0x1c5: {  	v6 =	vld [tilespmem:s24+$0xFFFFFF90]  }
0x1c6: {  	v7 =	vld [tilespmem:s24+$0xFFFFFF60]  }
0x1c7: {  	v8 =	vld [tilespmem:s24+$0xFFFFFF80]  }
0x1c8: {  	v9 =	vld [tilespmem:s24+$0xFFFFFF70];
	_ =	sdelay $0x2  }
0x1c9: {  	v7 =	vmul.f32 v7, v4  }
0x1ca: {  	v6 =	vmul.f32 v6, v3;
	v8 =	vmul.f32 v8, v2  }
0x1cb: {  	s28 =	sadd.s32 $0xFFFFFFCD, s23;
	v9 =	vmul.f32 v9, v5  }
0x1cc: {  	v6 =	vadd.f32 v6, v8;
	v8 =	vadd.s32 s28, v0  }
0x1cd: {  	v7 =	vadd.f32 v9, v7;
	_ =	sdelay $0x1  }
0x1ce: {  	v6 =	vadd.f32 v6, v7;
	_ =	sdelay $0x1  }
0x1cf: {  	[tilespmem:v8+s12+$0x0] =	vst.idx.msk $0xffff, v6  }
0x1d0: {  	v6 =	vld [tilespmem:s24+$0xFFFFFFE0]  }
0x1d1: {  	v7 =	vld [tilespmem:s24+$0xFFFFFFF0]  }
0x1d2: {  	v8 =	vld [tilespmem:s24+$0x0]  }
0x1d3: {  	v9 =	vld [tilespmem:s24+$0x10];
	_ =	sdelay $0x2  }
0x1d4: {  	v7 =	vmul.f32 v7, v5  }
0x1d5: {  	v6 =	vmul.f32 v6, v4  }
0x1d6: {  	s28 =	sadd.s32 $0xFFFFFFDE, s23;
	v8 =	vmul.f32 v8, v2;
	v9 =	vmul.f32 v9, v3  }
0x1d7: {  	v10 =	vadd.s32 s28, v0  }
0x1d8: {  	v6 =	vadd.f32 v7, v6;
	v7 =	vadd.f32 v9, v8;
	_ =	sdelay $0x1  }
0x1d9: {  	v6 =	vadd.f32 v7, v6;
	_ =	sdelay $0x1  }
0x1da: {  	[tilespmem:v10+s12+$0x0] =	vst.idx.msk $0xffff, v6  }
0x1db: {  	v6 =	vld [tilespmem:s24+$0x90]  }
0x1dc: {  	v7 =	vld [tilespmem:s24+$0x70]  }
0x1dd: {  	v8 =	vld [tilespmem:s24+$0x80]  }
0x1de: {  	v9 =	vld [tilespmem:s24+$0x60];
	_ =	sdelay $0x2  }
0x1df: {  	v7 =	vmul.f32 v7, v5  }
0x1e0: {  	v6 =	vmul.f32 v6, v3;
	v8 =	vmul.f32 v8, v2  }
0x1e1: {  	s28 =	sadd.s32 $0xFFFFFFEF, s23;
	v9 =	vmul.f32 v9, v4  }
0x1e2: {  	v6 =	vadd.f32 v6, v8;
	v8 =	vadd.s32 s28, v0  }
0x1e3: {  	v7 =	vadd.f32 v7, v9;
	_ =	sdelay $0x1  }
.Ltmp2:
0x1e4: {  	v6 =	vadd.f32 v6, v7;
	(pc) =	sbr.rel @p0 .LBB2_8-.Ltmp2, $4  }
0x1e5: {  	_ = 	snop  }
0x1e6: {  	[tilespmem:v8+s12+$0x0] =	vst.idx.msk $0xffff, v6  }
0x1e7: {  	v6 =	vld [tilespmem:s24+$0xE0]  }
0x1e8: {  	v7 =	vld [tilespmem:s24+$0xF0]  }
0x1e9: {  	v8 =	vld [tilespmem:s9+$0x110]  }
0x1ea: {  	v9 =	vld [tilespmem:s9+$0x100];
	_ =	sdelay $0x3  }
0x1eb: {  	s2 =	sadd.s32 $0x31, s1;
	v42 =	vadd.s32 s1, v0;
	v4 =	vmul.f32 v6, v4;
	v5 =	vmul.f32 v7, v5  }
0x1ec: {  	vm0 =	vlt.s32 v42, s2;
	v3 =	vmul.f32 v8, v3;
	v2 =	vmul.f32 v9, v2  }
0x1ed: {  	v43 =	vadd.s32 s3, v0;
	v6 =	vnsel vm0, s2, v42  }
0x1ee: {  	v4 =	vadd.f32 v5, v4;
	v2 =	vadd.f32 v3, v2;
	v3 =	vmul.u32 $0x11, v6;
	_ =	sdelay $0x1  }
0x1ef: {  	v2 =	vadd.f32 v2, v4;
	v44 =	vadd.s32 $0x1, v3  }
0x1f0: {  	v45 =	vadd.s32 $0x2, v3  }
0x1f1: {  	v46 =	vadd.s32 $0x4, v3;
	[tilespmem:v43+s12+$0x0] =	vst.idx.msk $0xffff, v2  }
0x1f2: {  	v10 =	vadd.s32 $0x5, v3;
	v7 =	vld.idx.msk [tilespmem:v6+s22+$0x0], $0xffff  }
0x1f3: {  	v11 =	vadd.s32 $0x6, v3;
	v47 =	vld.idx.msk [tilespmem:v3+s12+$0x0], $0xffff  }
0x1f4: {  	v12 =	vadd.s32 $0x7, v3;
	v4 =	vld.idx.msk [tilespmem:v44+s12+$0x0], $0xffff  }
0x1f5: {  	v13 =	vadd.s32 $0x8, v3;
	v5 =	vld.idx.msk [tilespmem:v45+s12+$0x0], $0xffff  }
0x1f6: {  	v14 =	vadd.s32 $0x9, v3;
	v8 =	vld.idx.msk [tilespmem:v46+s12+$0x0], $0xffff  }
0x1f7: {  	v2 =	vadd.s32 $0x3, v3;
	v10 =	vld.idx.msk [tilespmem:v10+s12+$0x0], $0xffff  }
0x1f8: {  	v15 =	vadd.s32 $0xA, v3;
	v11 =	vld.idx.msk [tilespmem:v11+s12+$0x0], $0xffff  }
0x1f9: {  	v16 =	vadd.s32 $0xB, v3;
	v12 =	vld.idx.msk [tilespmem:v12+s12+$0x0], $0xffff  }
0x1fa: {  	v17 =	vadd.s32 $0xC, v3;
	v13 =	vld.idx.msk [tilespmem:v13+s12+$0x0], $0xffff  }
0x1fb: {  	v18 =	vadd.s32 $0xD, v3;
	v14 =	vld.idx.msk [tilespmem:v14+s12+$0x0], $0xffff  }
0x1fc: {  	v19 =	vadd.s32 $0xE, v3;
	v2 =	vld.idx.msk [tilespmem:v2+s12+$0x0], $0xffff  }
0x1fd: {  	v3 =	vadd.s32 $0xF, v3;
	v15 =	vld.idx.msk [tilespmem:v15+s12+$0x0], $0xffff  }
0x1fe: {  	v16 =	vld.idx.msk [tilespmem:v16+s12+$0x0], $0xffff;
	v7 =	vadd.f32 v7, v1  }
0x1ff: {  	v17 =	vld.idx.msk [tilespmem:v17+s12+$0x0], $0xffff  }
0x200: {  	v48 =	vld.idx.msk [tilespmem:v18+s12+$0x0], $0xffff;
	v7 =	vadd.f32 v47, v7;
	v4 =	vadd.f32 $0.0e+00, v4  }
0x201: {  	v49 =	vld.idx.msk [tilespmem:v19+s12+$0x0], $0xffff;
	v5 =	vadd.f32 $0.0e+00, v5;
	v2 =	vadd.f32 $0.0e+00, v2  }
0x202: {  	v3 =	vld.idx.msk [tilespmem:v3+s12+$0x0], $0xffff;
	v7 =	vadd.f32 v8, v7;
	v4 =	vadd.f32 v10, v4  }
0x203: {  	v5 =	vadd.f32 v11, v5;
	v2 =	vadd.f32 v12, v2  }
0x204: {  	v7 =	vadd.f32 v13, v7;
	v4 =	vadd.f32 v14, v4  }
0x205: {  	s23 =	sadd.s32 $0x10, s1;
	v5 =	vadd.f32 v15, v5;
	v2 =	vadd.f32 v16, v2  }
0x206: {  	v50 =	vadd.s32 s23, v0;
	v7 =	vadd.f32 v17, v7;
	v4 =	vadd.f32 v48, v4  }
0x207: {  	vm12 =	vlt.s32 v50, s2;
	v5 =	vadd.f32 v49, v5;
	v2 =	vadd.f32 v3, v2  }
0x208: {  	v3 =	vnsel vm12, s2, v50  }
0x209: {  	v4 =	vadd.f32 v4, v7;
	v51 =	vmul.u32 $0x11, v3;
	v2 =	vadd.f32 v2, v5;
	_ =	sdelay $0x1  }
0x20a: {  	v52 =	vadd.s32 $0x1, v51;
	v2 =	vadd.f32 v2, v4  }
0x20b: {  	v53 =	vadd.s32 $0x2, v51  }
0x20c: {  	v54 =	vadd.s32 $0x4, v51;
	[tilespmem:v6+s16+$0x0] =	vst.idx.msk $0xffff, v2  }
0x20d: {  	v56 =	vadd.s32 $0x5, v51;
	v6 =	vld.idx.msk [tilespmem:v3+s22+$0x0], $0xffff  }
0x20e: {  	v57 =	vadd.s32 $0x6, v51;
	v55 =	vld.idx.msk [tilespmem:v51+s12+$0x0], $0xffff  }
0x20f: {  	v58 =	vadd.s32 $0x7, v51;
	v4 =	vld.idx.msk [tilespmem:v52+s12+$0x0], $0xffff  }
0x210: {  	v59 =	vadd.s32 $0x8, v51;
	v7 =	vld.idx.msk [tilespmem:v53+s12+$0x0], $0xffff  }
0x211: {  	v60 =	vadd.s32 $0x9, v51;
	v8 =	vld.idx.msk [tilespmem:v54+s12+$0x0], $0xffff  }
0x212: {  	v2 =	vadd.s32 $0x3, v51;
	v10 =	vld.idx.msk [tilespmem:v56+s12+$0x0], $0xffff  }
0x213: {  	v61 =	vadd.s32 $0xA, v51;
	v11 =	vld.idx.msk [tilespmem:v57+s12+$0x0], $0xffff  }
0x214: {  	v62 =	vadd.s32 $0xB, v51;
	v12 =	vld.idx.msk [tilespmem:v58+s12+$0x0], $0xffff  }
0x215: {  	v63 =	vadd.s32 $0xC, v51;
	v13 =	vld.idx.msk [tilespmem:v59+s12+$0x0], $0xffff  }
0x216: {  	v21 =	vadd.s32 $0xD, v51;
	v14 =	vld.idx.msk [tilespmem:v60+s12+$0x0], $0xffff  }
0x217: {  	v22 =	vadd.s32 $0xE, v51;
	v2 =	vld.idx.msk [tilespmem:v2+s12+$0x0], $0xffff  }
0x218: {  	v5 =	vadd.s32 $0xF, v51;
	v15 =	vld.idx.msk [tilespmem:v61+s12+$0x0], $0xffff  }
0x219: {  	v16 =	vld.idx.msk [tilespmem:v62+s12+$0x0], $0xffff  }
0x21a: {  	v17 =	vld.idx.msk [tilespmem:v63+s12+$0x0], $0xffff;
	v6 =	vadd.f32 v6, v1  }
0x21b: {  	v23 =	vld.idx.msk [tilespmem:v21+s12+$0x0], $0xffff;
	v4 =	vadd.f32 $0.0e+00, v4;
	v7 =	vadd.f32 $0.0e+00, v7  }
0x21c: {  	v24 =	vld.idx.msk [tilespmem:v22+s12+$0x0], $0xffff;
	v6 =	vadd.f32 v55, v6;
	v2 =	vadd.f32 $0.0e+00, v2  }
0x21d: {  	v5 =	vld.idx.msk [tilespmem:v5+s12+$0x0], $0xffff;
	v4 =	vadd.f32 v10, v4;
	v7 =	vadd.f32 v11, v7  }
0x21e: {  	v6 =	vadd.f32 v8, v6;
	v2 =	vadd.f32 v12, v2  }
0x21f: {  	v4 =	vadd.f32 v14, v4;
	v7 =	vadd.f32 v15, v7  }
0x220: {  	s24 =	sadd.s32 $0x20, s1;
	v6 =	vadd.f32 v13, v6;
	v2 =	vadd.f32 v16, v2  }
0x221: {  	v25 =	vadd.s32 s24, v0;
	v4 =	vadd.f32 v23, v4;
	v7 =	vadd.f32 v24, v7  }
0x222: {  	vm13 =	vlt.s32 v25, s2;
	v6 =	vadd.f32 v17, v6;
	v2 =	vadd.f32 v5, v2  }
0x223: {  	v26 =	vnsel vm13, s2, v25  }
0x224: {  	v27 =	vmul.u32 $0x11, v26;
	v4 =	vadd.f32 v4, v6;
	v2 =	vadd.f32 v2, v7;
	_ =	sdelay $0x1  }
0x225: {  	v28 =	vadd.s32 $0x1, v27;
	v2 =	vadd.f32 v2, v4  }
0x226: {  	v29 =	vadd.s32 $0x2, v27  }
0x227: {  	v30 =	vadd.s32 $0x4, v27;
	[tilespmem:v3+s16+$0x0] =	vst.idx.msk $0xffff, v2  }
0x228: {  	v32 =	vadd.s32 $0x5, v27;
	v3 =	vld.idx.msk [tilespmem:v26+s22+$0x0], $0xffff  }
0x229: {  	v33 =	vadd.s32 $0x6, v27;
	v31 =	vld.idx.msk [tilespmem:v27+s12+$0x0], $0xffff  }
0x22a: {  	v34 =	vadd.s32 $0x7, v27;
	v4 =	vld.idx.msk [tilespmem:v28+s12+$0x0], $0xffff  }
0x22b: {  	v35 =	vadd.s32 $0x8, v27;
	v7 =	vld.idx.msk [tilespmem:v29+s12+$0x0], $0xffff  }
0x22c: {  	v36 =	vadd.s32 $0x9, v27;
	v8 =	vld.idx.msk [tilespmem:v30+s12+$0x0], $0xffff  }
0x22d: {  	v2 =	vadd.s32 $0x3, v27;
	v10 =	vld.idx.msk [tilespmem:v32+s12+$0x0], $0xffff  }
0x22e: {  	v37 =	vadd.s32 $0xA, v27;
	v11 =	vld.idx.msk [tilespmem:v33+s12+$0x0], $0xffff  }
0x22f: {  	v38 =	vadd.s32 $0xB, v27;
	v12 =	vld.idx.msk [tilespmem:v34+s12+$0x0], $0xffff  }
0x230: {  	v39 =	vadd.s32 $0xC, v27;
	v13 =	vld.idx.msk [tilespmem:v35+s12+$0x0], $0xffff  }
0x231: {  	v40 =	vadd.s32 $0xD, v27;
	v14 =	vld.idx.msk [tilespmem:v36+s12+$0x0], $0xffff  }
0x232: {  	v41 =	vadd.s32 $0xE, v27;
	v2 =	vld.idx.msk [tilespmem:v2+s12+$0x0], $0xffff  }
0x233: {  	v6 =	vadd.s32 $0xF, v27;
	v15 =	vld.idx.msk [tilespmem:v37+s12+$0x0], $0xffff  }
0x234: {  	v16 =	vld.idx.msk [tilespmem:v38+s12+$0x0], $0xffff  }
0x235: {  	v17 =	vld.idx.msk [tilespmem:v39+s12+$0x0], $0xffff;
	v3 =	vadd.f32 v3, v1  }
0x236: {  	v42 =	vld.idx.msk [tilespmem:v40+s12+$0x0], $0xffff;
	v4 =	vadd.f32 $0.0e+00, v4;
	v7 =	vadd.f32 $0.0e+00, v7  }
0x237: {  	v43 =	vld.idx.msk [tilespmem:v41+s12+$0x0], $0xffff;
	v3 =	vadd.f32 v31, v3;
	v2 =	vadd.f32 $0.0e+00, v2  }
0x238: {  	v6 =	vld.idx.msk [tilespmem:v6+s12+$0x0], $0xffff;
	v4 =	vadd.f32 v10, v4;
	v7 =	vadd.f32 v11, v7  }
0x239: {  	v3 =	vadd.f32 v8, v3;
	v2 =	vadd.f32 v12, v2  }
0x23a: {  	v4 =	vadd.f32 v14, v4;
	v7 =	vadd.f32 v15, v7  }
0x23b: {  	s28 =	sadd.s32 $0x30, s1;
	v3 =	vadd.f32 v13, v3;
	v2 =	vadd.f32 v16, v2  }
0x23c: {  	v44 =	vadd.s32 s28, v0;
	v4 =	vadd.f32 v42, v4;
	v7 =	vadd.f32 v43, v7  }
0x23d: {  	vm14 =	vlt.s32 v44, s2;
	v3 =	vadd.f32 v17, v3;
	v2 =	vadd.f32 v6, v2  }
0x23e: {  	v45 =	vnsel vm14, s2, v44  }
0x23f: {  	v46 =	vmul.u32 $0x11, v45;
	v3 =	vadd.f32 v4, v3;
	v2 =	vadd.f32 v2, v7;
	_ =	sdelay $0x1  }
0x240: {  	v47 =	vadd.s32 $0x2, v46;
	v2 =	vadd.f32 v2, v3  }
0x241: {  	v48 =	vadd.s32 $0x4, v46  }
0x242: {  	v50 =	vadd.s32 $0x5, v46;
	[tilespmem:v26+s16+$0x0] =	vst.idx.msk $0xffff, v2  }
0x243: {  	v51 =	vadd.s32 $0x6, v46;
	v5 =	vld.idx.msk [tilespmem:v45+s22+$0x0], $0xffff  }
0x244: {  	v52 =	vadd.s32 $0x7, v46;
	v49 =	vld.idx.msk [tilespmem:v46+s12+$0x0], $0xffff  }
0x245: {  	v53 =	vadd.s32 $0x8, v46;
	v7 =	vld.idx.msk [tilespmem:v47+s12+$0x0], $0xffff  }
0x246: {  	v54 =	vadd.s32 $0x9, v46;
	v9 =	vld.idx.msk [tilespmem:v48+s12+$0x0], $0xffff  }
0x247: {  	v3 =	vadd.s32 $0x1, v46;
	v11 =	vld.idx.msk [tilespmem:v50+s12+$0x0], $0xffff  }
0x248: {  	v2 =	vadd.s32 $0x3, v46;
	v12 =	vld.idx.msk [tilespmem:v51+s12+$0x0], $0xffff  }
0x249: {  	v55 =	vadd.s32 $0xA, v46;
	v13 =	vld.idx.msk [tilespmem:v52+s12+$0x0], $0xffff  }
0x24a: {  	v56 =	vadd.s32 $0xB, v46;
	v14 =	vld.idx.msk [tilespmem:v53+s12+$0x0], $0xffff  }
0x24b: {  	v57 =	vadd.s32 $0xC, v46;
	v15 =	vld.idx.msk [tilespmem:v54+s12+$0x0], $0xffff  }
0x24c: {  	v58 =	vadd.s32 $0xD, v46;
	v3 =	vld.idx.msk [tilespmem:v3+s12+$0x0], $0xffff  }
0x24d: {  	v20 =	vadd.s32 $0xE, v46;
	v2 =	vld.idx.msk [tilespmem:v2+s12+$0x0], $0xffff  }
0x24e: {  	v4 =	vadd.s32 $0xF, v46;
	v16 =	vld.idx.msk [tilespmem:v55+s12+$0x0], $0xffff  }
0x24f: {  	v59 =	vld.idx.msk [tilespmem:v56+s12+$0x0], $0xffff;
	v1 =	vadd.f32 v5, v1  }
0x250: {  	v60 =	vld.idx.msk [tilespmem:v57+s12+$0x0], $0xffff  }
0x251: {  	v61 =	vld.idx.msk [tilespmem:v58+s12+$0x0], $0xffff;
	v7 =	vadd.f32 $0.0e+00, v7;
	v1 =	vadd.f32 v49, v1  }
0x252: {  	v62 =	vld.idx.msk [tilespmem:v20+s12+$0x0], $0xffff;
	v3 =	vadd.f32 $0.0e+00, v3;
	v2 =	vadd.f32 $0.0e+00, v2  }
0x253: {  	v4 =	vld.idx.msk [tilespmem:v4+s12+$0x0], $0xffff;
	v7 =	vadd.f32 v12, v7;
	v1 =	vadd.f32 v9, v1  }
0x254: {  	v3 =	vadd.f32 v11, v3;
	v2 =	vadd.f32 v13, v2  }
0x255: {  	v7 =	vadd.f32 v16, v7;
	v1 =	vadd.f32 v14, v1  }
0x256: {  	v3 =	vadd.f32 v15, v3;
	v2 =	vadd.f32 v59, v2  }
0x257: {  	v63 =	vadd.f32 v62, v7;
	v1 =	vadd.f32 v60, v1  }
0x258: {  	s20 =	sadd.s32 $0x1, s20;
	vm15 =	vle.u32 v44, s2;
	v3 =	vadd.f32 v61, v3;
	v2 =	vadd.f32 v4, v2  }
0x259: {  	p0 =	sne.s32 s20, $0x8  }
.Ltmp3:
0x25a: {  	v1 =	vadd.f32 v3, v1;
	v2 =	vadd.f32 v2, v63;
	(pc) =	sbr.rel @p0 .LBB2_7-.Ltmp3, $3  }
0x25b: {  	_ = 	snop  }
0x25c: {  	v1 =	vadd.f32 v2, v1;
	_ =	sdelay $0x1  }
0x25d: {  	s10 =	sadd.s32 $0x352, s10;
	s11 =	sadd.s32 $0x1900, s11;
	[tilespmem:v45+s16+$0x0] =	vst.idx.msk vm15, v1  }
0x25e: {  	s25 =	sadd.s32 $0x1, s25  }
0x25f: {  	s1 =	rddreg [dreg:$0x2];
	p0 =	sne.s32 s25, $0x20  }
.Ltmp4:
0x260: {  	s1 =	sadd.s32 s1, s29;
	(pc) =	sbr.rel @p0 .LBB2_2-.Ltmp4, $4  }
0x261: {  	[hbm4b:s1+s4] =	stream.linear.scatter [tilespmem:s16], [sflag:$0x3], $0x190, $0x38;
	[tilespmem:$0x1BF00] =	vst v63  }
0x262: {  	_ =	swait.ge [sflag:s13], $0x190  }
0x263: {  	[sflag:s13] =	ssyncset.done $0x0  }
0x264: {  	[sflag:s13] =	ssyncadd.s32 $0xFFFFFE70  }
0x265: {  	s2 =	rddreg [dreg:$0x8]  }
0x266: {  	s1 =	rddreg [dreg:$0x7];
	s2 =	sadd.s32 $0x1, s2  }
0x267: {  	p0 =	sne.s32 s2, s1  }
.Ltmp5:
0x268: {  	_ = 	snop;
	(pc) =	sbr.rel @p0 .LBB2_1-.Ltmp5, $1  }
0x269: {  	_ =	sdelay $0x3  }
0x26a: {  	_ =	sfence.sel $0x180000  }
0x26b: {  	[bflag:$0x0] =	sbarrier.arrive $0xFFFF  }
0x26c: {  	_ =	strace $0x90000047  }
0x26d: {  	s0 =	stileid.u32;
	[bflag:$0x2] =	sbarrier.arrive $0xFFFF  }
0x26e: {  	p0 =	sne.s32 s0, $0x0;
	s0 =	rddreg [dreg:$0x3]  }
0x26f: {  	s0 =	sadd.s32 @!p0 $0x100000, s0  }
0x270: {  	[sflag:s0] =	ssyncadd.tile.s32 @!p0 $0x1;
	_ =	shalt  }
.Lfunc_end2:
_tile_overlayer_lowered:
.L_overlay_start_2:
0x271: {  	(tag) =	ssettag $0x2  }
0x272: {  	s0 =	rddreg [dreg:$0x0];
	s2 =	stileid.u32  }
0x273: {  	s1 =	rddreg [dreg:$0x1];
	p0 =	sne.s32 s2, $0x0  }
0x274: {  	s3 =	rddreg [dreg:$0x2];
	[bflag:$0x3] =	sbarrier.arrive $0xFFFF;
	s2 =	simm.s32 @!p0 $0x1C03  }
0x275: {  	[timem:s3], [sflag:s2] =	dma.local @!p0 [hbm:s0], s1  }
0x276: {  	s0 =	simm.s32 @!p0 $0x3  }
0x277: {  	_ =	swait.ge @!p0 [sflag:s0], s1  }
0x278: {  	s1 =	ssub.s32 @!p0 $0x0, s1;
	[sflag:s0] =	ssyncset.done @!p0 $0x0  }
0x279: {  	[sflag:s0] =	ssyncadd.s32 @!p0 s1  }
0x27a: {  	[bflag:$0x3] =	sbarrier.arrive $0xFFFF  }
0x27b: {  	_ =	shalt  }

</sc_bundles>
